<compile_context>
chip_gen: v7x
topology: tpu7x:2x2x1
jax: 0.10.2.dev20260603
libtpu: 0.0.44.dev20260713+nightly
codegen_flags: <defaults>
</compile_context>

<pallas_src>
import jax
import jax.numpy as jnp
from jax import lax
from jax.experimental import pallas as pl
from jax.experimental.pallas import tpu as pltpu
from jax.experimental.pallas import tpu_sc as plsc

_NUM_CLASSES = 8192
_DIM = 256
_ALPHA = 0.5
_BATCH = 16384

_NC = 2
_NS = 16
_COLS = _DIM // _NC
_HALF = _NUM_CLASSES // _NC
_ROWS_PER_TILE = _BATCH // _NS
_CHUNK = 64
_NCHUNK = _ROWS_PER_TILE // _CHUNK
_CNT_ROWS = _HALF + _NS
_FS_WPT = _NUM_CLASSES // _NS
_CNT_WPT = _HALF // _NS


def _sc_body(features, labels,
             featsum_out, counts_out,
             lbl_all, idxf0, idxf1, idx20, idx21, fbuf0, fbuf1, ones_ref,
             featsum_sh, counts_sh,
             lsem0, lsem1, fsem0, fsem1, csem0, csem1):
    c = lax.axis_index("c")
    s = lax.axis_index("s")
    col0 = c * _COLS
    base = c * _HALF
    row0 = s * _ROWS_PER_TILE
    trash = _HALF + s

    idxf = (idxf0, idxf1)
    idx2 = (idx20, idx21)
    fbuf = (fbuf0, fbuf1)
    lsem = (lsem0, lsem1)
    fsem = (fsem0, fsem1)
    csem = (csem0, csem1)

    zeros16 = jnp.zeros((16,), jnp.float32)
    ones16 = jnp.ones((16,), jnp.float32)

    def _fill(i, carry):
        for k in range(128 // 16):
            fbuf0[i, pl.ds(k * 16, 16)] = zeros16
            ones_ref[i, pl.ds(k * 16, 16)] = ones16
        return carry

    lax.fori_loop(0, _CHUNK, _fill, 0)
    zw = []
    zw.append(pltpu.async_copy(labels.at[pl.ds(row0, _ROWS_PER_TILE)],
                               lbl_all, lsem0))
    for k in range(_FS_WPT // _CHUNK):
        zw.append(pltpu.async_copy(
            fbuf0, featsum_sh.at[pl.ds(s * _FS_WPT + k * _CHUNK, _CHUNK)],
            fsem0))
    for k in range(_CNT_WPT // _CHUNK):
        zw.append(pltpu.async_copy(
            fbuf0, counts_sh.at[pl.ds(s * _CNT_WPT + k * _CHUNK, _CHUNK)],
            csem0))

    @pl.when(s == _NS - 1)
    def _zero_trash():
        pltpu.sync_copy(fbuf0.at[pl.ds(0, _NS)],
                        counts_sh.at[pl.ds(_HALF, _NS)])

    for w in zw:
        w.wait()

    def _compute_idx(j, b):
        for k in range(_CHUNK // 16):
            lbl = lbl_all[pl.ds(j * _CHUNK + k * 16, 16)]
            idxf[b][pl.ds(k * 16, 16)] = lbl
            rel = lbl - base
            inr = jnp.logical_and(rel >= 0, rel < _HALF)
            idx2[b][pl.ds(k * 16, 16)] = jnp.where(inr, rel, trash)

    plsc.subcore_barrier()

    _compute_idx(0, 0)
    ld = [None, None]
    fs = [None, None]
    cs = [None, None]
    ld[0] = pltpu.async_copy(
        features.at[pl.ds(row0, _CHUNK), pl.ds(col0, _COLS)], fbuf[0],
        lsem[0])
    for j in range(_NCHUNK):
        b = j & 1
        nb = 1 - b
        if j + 1 < _NCHUNK:
            if fs[nb] is not None:
                fs[nb].wait()
                cs[nb].wait()
            _compute_idx(j + 1, nb)
            ld[nb] = pltpu.async_copy(
                features.at[pl.ds(row0 + (j + 1) * _CHUNK, _CHUNK),
                            pl.ds(col0, _COLS)],
                fbuf[nb], lsem[nb])
        ld[b].wait()
        fs[b] = pltpu.async_copy(fbuf[b], featsum_sh.at[idxf[b]], fsem[b],
                                 add=True)
        cs[b] = pltpu.async_copy(ones_ref, counts_sh.at[idx2[b]], csem[b],
                                 add=True)
    fs[0].wait()
    cs[0].wait()
    fs[1].wait()
    cs[1].wait()

    plsc.subcore_barrier()

    w1 = pltpu.async_copy(featsum_sh.at[pl.ds(s * _FS_WPT, _FS_WPT)],
                          featsum_out.at[c, pl.ds(s * _FS_WPT, _FS_WPT)],
                          lsem0)
    w2 = pltpu.async_copy(counts_sh.at[pl.ds(s * _CNT_WPT, _CNT_WPT)],
                          counts_out.at[c, pl.ds(s * _CNT_WPT, _CNT_WPT)],
                          lsem1)
    w1.wait()
    w2.wait()


_sc_segsum = pl.kernel(
    _sc_body,
    out_type=(
        jax.ShapeDtypeStruct((_NC, _NUM_CLASSES, _COLS), jnp.float32),
        jax.ShapeDtypeStruct((_NC, _HALF, 128), jnp.float32),
    ),
    mesh=plsc.VectorSubcoreMesh(core_axis_name="c", subcore_axis_name="s"),
    scratch_types=[
        pltpu.VMEM((_ROWS_PER_TILE,), jnp.int32),
        pltpu.VMEM((_CHUNK,), jnp.int32),
        pltpu.VMEM((_CHUNK,), jnp.int32),
        pltpu.VMEM((_CHUNK,), jnp.int32),
        pltpu.VMEM((_CHUNK,), jnp.int32),
        pltpu.VMEM((_CHUNK, _COLS), jnp.float32),
        pltpu.VMEM((_CHUNK, _COLS), jnp.float32),
        pltpu.VMEM((_CHUNK, 128), jnp.float32),
        pltpu.VMEM_SHARED((_NUM_CLASSES, _COLS), jnp.float32),
        pltpu.VMEM_SHARED((_CNT_ROWS, 128), jnp.float32),
        pltpu.SemaphoreType.DMA,
        pltpu.SemaphoreType.DMA,
        pltpu.SemaphoreType.DMA,
        pltpu.SemaphoreType.DMA,
        pltpu.SemaphoreType.DMA,
        pltpu.SemaphoreType.DMA,
    ],
)


_G = 16
_CB = _NUM_CLASSES // _G
_FB = _BATCH // _G


def _f2_body(features_ref, out_ref, acc_ref):
    i = pl.program_id(0)
    f = features_ref[...]
    p = jnp.sum(f * f)
    acc_ref[0] = jnp.where(i == 0, p, acc_ref[0] + p)

    @pl.when(i == pl.num_programs(0) - 1)
    def _done():
        out_ref[...] = jnp.reshape(acc_ref[0], (1, 1))


_f2 = pl.pallas_call(
    _f2_body,
    grid=(_G,),
    in_specs=[pl.BlockSpec((_FB, _DIM), lambda i: (i, 0))],
    out_specs=[pl.BlockSpec((1, 1), lambda i: (0, 0))],
    out_shape=[jax.ShapeDtypeStruct((1, 1), jnp.float32)],
    scratch_shapes=[pltpu.SMEM((1,), jnp.float32)],
)


def _dense_body(counts_ref, f0_ref, f1_ref, centers_ref, s3_ref,
                nc_ref, loss_ref, acc_ref):
    i = pl.program_id(0)
    cnt = counts_ref[:, 0:1]
    mask = cnt > 0.0
    inv = jnp.where(mask, 1.0 / jnp.where(mask, cnt, 1.0), 0.0)
    c = centers_ref[...]
    fs = jnp.concatenate([f0_ref[0], f1_ref[0]], axis=-1)
    nc_ref[...] = c - _ALPHA * jnp.where(mask, c - fs * inv, 0.0)
    p = jnp.sum(c * c * cnt) - 2.0 * jnp.sum(c * fs)
    acc_ref[0] = jnp.where(i == 0, p, acc_ref[0] + p)

    @pl.when(i == pl.num_programs(0) - 1)
    def _done():
        loss_ref[...] = jnp.reshape(
            (acc_ref[0] + s3_ref[0, 0]) * (1.0 / (_BATCH * _DIM)), (1, 1))


_dense = pl.pallas_call(
    _dense_body,
    grid=(_G,),
    in_specs=[
        pl.BlockSpec((_CB, 128), lambda i: (i, 0)),
        pl.BlockSpec((1, _CB, _COLS), lambda i: (0, i, 0)),
        pl.BlockSpec((1, _CB, _COLS), lambda i: (1, i, 0)),
        pl.BlockSpec((_CB, _DIM), lambda i: (i, 0)),
        pl.BlockSpec((1, 1), lambda i: (0, 0)),
    ],
    out_specs=[
        pl.BlockSpec((_CB, _DIM), lambda i: (i, 0)),
        pl.BlockSpec((1, 1), lambda i: (0, 0)),
    ],
    out_shape=[
        jax.ShapeDtypeStruct((_NUM_CLASSES, _DIM), jnp.float32),
        jax.ShapeDtypeStruct((1, 1), jnp.float32),
    ],
    scratch_shapes=[pltpu.SMEM((1,), jnp.float32)],
)


@jax.jit
def _impl(features, labels, centers):
    labels_i32 = labels.astype(jnp.int32)
    (s3,) = _f2(features)
    featsum, counts = _sc_segsum(features, labels_i32)
    counts2 = counts.reshape(_NUM_CLASSES, 128)
    new_centers, loss = _dense(counts2, featsum, featsum, centers, s3)
    return loss[0, 0], new_centers


def kernel(features, labels, centers):
    return _impl(features, labels, centers)

# --- scband reference (transcript-rebuilt; emitter-appended) ---
"""Pipeline reference for scband-center-loss-62173946577128 (READ-ONLY COPY).

The authoritative reference and input builder live on the scoring server;
editing this copy changes nothing except your own understanding.
"""

import jax, jax.numpy as jnp
import numpy as np

NUM_CLASSES = 8192
DIM = 256
ALPHA = 0.5
BATCH = 16384

def setup_inputs(seed: int = 0) -> dict:
    key = jax.random.key(seed)
    k1, k2, k3 = jax.random.split(key, 3)
    features = jax.random.normal(k1, (BATCH, DIM), dtype=jnp.float32)
    labels = jax.random.randint(k2, (BATCH,), 0, NUM_CLASSES, dtype=jnp.int64 if jax.config.jax_enable_x64 else jnp.int32)
    centers = jax.random.normal(k3, (NUM_CLASSES, DIM), dtype=jnp.float32)
    return {"features": features, "labels": labels, "centers": centers}

def reference(features, labels, centers):
    # gather active centers per label (embedding-style lookup)
    active_centers = jnp.take(centers, labels, axis=0)
    diff = active_centers - features
    loss = jnp.mean(diff ** 2)
    # no_grad center update (stateful in torch; returned here as new_centers)
    label_counts = jnp.bincount(labels, length=NUM_CLASSES)
    counts_per_row = jnp.take(label_counts, labels, axis=0)
    weights = 1.0 / counts_per_row.astype(jnp.float32)
    diff_w = diff * weights[:, None] * ALPHA
    new_centers = centers.at[labels].add(-diff_w)
    return (loss, new_centers)

if __name__ == "__main__":
    import jax
    _d = setup_inputs()
    print(jax.jit(kernel)(*tuple(_d.values())))

</pallas_src>

<mosaic_0001>
#map = affine_map<(d0, d1) -> (0, 0)>
#map1 = affine_map<(d0, d1) -> (0)>
#map2 = affine_map<(d0, d1) -> (0, 0, 0)>
module attributes {stable_mosaic.version = 14 : i64} {
  func.func @_sc_body(%arg0: i32, %arg1: i32, %arg2: memref<16384x256xf32, #tpu.memory_space<hbm>>, %arg3: memref<16384xi32, #tpu.memory_space<hbm>>, %arg4: memref<2x8192x128xf32, #tpu.memory_space<hbm>>, %arg5: memref<2x4096x128xf32, #tpu.memory_space<hbm>>, %arg6: memref<1024xi32, #tpu.memory_space<vmem>>, %arg7: memref<64xi32, #tpu.memory_space<vmem>>, %arg8: memref<64xi32, #tpu.memory_space<vmem>>, %arg9: memref<64xi32, #tpu.memory_space<vmem>>, %arg10: memref<64xi32, #tpu.memory_space<vmem>>, %arg11: memref<64x128xf32, #tpu.memory_space<vmem>>, %arg12: memref<64x128xf32, #tpu.memory_space<vmem>>, %arg13: memref<64x128xf32, #tpu.memory_space<vmem>>, %arg14: memref<8192x128xf32, #tpu.memory_space<vmem_shared>>, %arg15: memref<4112x128xf32, #tpu.memory_space<vmem_shared>>, %arg16: memref<!tpu.dma_semaphore, #tpu.memory_space<semaphore_mem>>, %arg17: memref<!tpu.dma_semaphore, #tpu.memory_space<semaphore_mem>>, %arg18: memref<!tpu.dma_semaphore, #tpu.memory_space<semaphore_mem>>, %arg19: memref<!tpu.dma_semaphore, #tpu.memory_space<semaphore_mem>>, %arg20: memref<!tpu.dma_semaphore, #tpu.memory_space<semaphore_mem>>, %arg21: memref<!tpu.dma_semaphore, #tpu.memory_space<semaphore_mem>>) attributes {dimension_semantics = [#tpu.dimension_semantics<core_parallel>, #tpu.dimension_semantics<subcore_parallel>], iteration_bounds = array<i64: 2, 16>, scalar_prefetch = 0 : i64, scratch_operands = 16 : i64, tpu.core_type = #tpu.core_type<sc_vector_subcore>, window_params = [{transform_indices = #map}, {transform_indices = #map1}, {transform_indices = #map2}, {transform_indices = #map2}]} {
    %mul3A = arith.constant 128 : i32
    %mul3A_0 = arith.muli %arg0, %mul3A : i32
    %mul3A_1 = arith.constant 4096 : i32
    %mul3A_2 = arith.muli %arg0, %mul3A_1 : i32
    %mul3A_3 = arith.constant 1024 : i32
    %mul3A_4 = arith.muli %arg1, %mul3A_3 : i32
    %add3A = arith.constant 4096 : i32
    %add3A_5 = arith.addi %add3A, %arg1 : i32
    %broadcast_in_dim3A = arith.constant 0.000000e+00 : f32
    %broadcast_in_dim3A_6 = vector.broadcast %broadcast_in_dim3A : f32 to vector<16xf32>
    %broadcast_in_dim3A_7 = arith.constant 1.000000e+00 : f32
    %broadcast_in_dim3A_8 = vector.broadcast %broadcast_in_dim3A_7 : f32 to vector<16xf32>
    %scan3A = arith.constant 0 : i32
    %scan3A_9 = arith.constant 0 : i32
    %scan3A_10 = arith.constant 64 : i32
    %scan3A_11 = arith.addi %scan3A_9, %scan3A_10 : i32
    %scan3A_12 = arith.constant 1 : i32
    scf.for %scan3A_1878 = %scan3A_9 to %scan3A_11 step %scan3A_12  : i32 {
      %swap3A_1879 = arith.index_cast %scan3A_1878 : i32 to index
      %swap3A_1880 = arith.constant 0 : index
      %swap3A_1881 = tpu.vector_load %arg11[%swap3A_1879, %swap3A_1880] {strides = array<i32>} : memref<64x128xf32, #tpu.memory_space<vmem>>, vector<1x16xf32>,
      %swap3A_1882 = vector.shape_cast %swap3A_1881 : vector<1x16xf32> to vector<16xf32>
      %swap3A_1883 = vector.shape_cast %broadcast_in_dim3A_6 : vector<16xf32> to vector<1x16xf32>
      tpu.vector_store %arg11[%swap3A_1879, %swap3A_1880], %swap3A_1883 {strides = array<i32>} : memref<64x128xf32, #tpu.memory_space<vmem>>, vector<1x16xf32>,
      %swap3A_1884 = arith.index_cast %scan3A_1878 : i32 to index
      %swap3A_1885 = arith.constant 0 : index
      %swap3A_1886 = tpu.vector_load %arg13[%swap3A_1884, %swap3A_1885] {strides = array<i32>} : memref<64x128xf32, #tpu.memory_space<vmem>>, vector<1x16xf32>,
      %swap3A_1887 = vector.shape_cast %swap3A_1886 : vector<1x16xf32> to vector<16xf32>
      %swap3A_1888 = vector.shape_cast %broadcast_in_dim3A_8 : vector<16xf32> to vector<1x16xf32>
      tpu.vector_store %arg13[%swap3A_1884, %swap3A_1885], %swap3A_1888 {strides = array<i32>} : memref<64x128xf32, #tpu.memory_space<vmem>>, vector<1x16xf32>,
      %swap3A_1889 = arith.index_cast %scan3A_1878 : i32 to index
      %swap3A_1890 = arith.constant 16 : index
      %swap3A_1891 = tpu.vector_load %arg11[%swap3A_1889, %swap3A_1890] {strides = array<i32>} : memref<64x128xf32, #tpu.memory_space<vmem>>, vector<1x16xf32>,
      %swap3A_1892 = vector.shape_cast %swap3A_1891 : vector<1x16xf32> to vector<16xf32>
      %swap3A_1893 = vector.shape_cast %broadcast_in_dim3A_6 : vector<16xf32> to vector<1x16xf32>
      tpu.vector_store %arg11[%swap3A_1889, %swap3A_1890], %swap3A_1893 {strides = array<i32>} : memref<64x128xf32, #tpu.memory_space<vmem>>, vector<1x16xf32>,
      %swap3A_1894 = arith.index_cast %scan3A_1878 : i32 to index
      %swap3A_1895 = arith.constant 16 : index
      %swap3A_1896 = tpu.vector_load %arg13[%swap3A_1894, %swap3A_1895] {strides = array<i32>} : memref<64x128xf32, #tpu.memory_space<vmem>>, vector<1x16xf32>,
      %swap3A_1897 = vector.shape_cast %swap3A_1896 : vector<1x16xf32> to vector<16xf32>
      %swap3A_1898 = vector.shape_cast %broadcast_in_dim3A_8 : vector<16xf32> to vector<1x16xf32>
      tpu.vector_store %arg13[%swap3A_1894, %swap3A_1895], %swap3A_1898 {strides = array<i32>} : memref<64x128xf32, #tpu.memory_space<vmem>>, vector<1x16xf32>,
      %swap3A_1899 = arith.index_cast %scan3A_1878 : i32 to index
      %swap3A_1900 = arith.constant 32 : index
      %swap3A_1901 = tpu.vector_load %arg11[%swap3A_1899, %swap3A_1900] {strides = array<i32>} : memref<64x128xf32, #tpu.memory_space<vmem>>, vector<1x16xf32>,
      %swap3A_1902 = vector.shape_cast %swap3A_1901 : vector<1x16xf32> to vector<16xf32>
      %swap3A_1903 = vector.shape_cast %broadcast_in_dim3A_6 : vector<16xf32> to vector<1x16xf32>
      tpu.vector_store %arg11[%swap3A_1899, %swap3A_1900], %swap3A_1903 {strides = array<i32>} : memref<64x128xf32, #tpu.memory_space<vmem>>, vector<1x16xf32>,
      %swap3A_1904 = arith.index_cast %scan3A_1878 : i32 to index
      %swap3A_1905 = arith.constant 32 : index
      %swap3A_1906 = tpu.vector_load %arg13[%swap3A_1904, %swap3A_1905] {strides = array<i32>} : memref<64x128xf32, #tpu.memory_space<vmem>>, vector<1x16xf32>,
      %swap3A_1907 = vector.shape_cast %swap3A_1906 : vector<1x16xf32> to vector<16xf32>
      %swap3A_1908 = vector.shape_cast %broadcast_in_dim3A_8 : vector<16xf32> to vector<1x16xf32>
      tpu.vector_store %arg13[%swap3A_1904, %swap3A_1905], %swap3A_1908 {strides = array<i32>} : memref<64x128xf32, #tpu.memory_space<vmem>>, vector<1x16xf32>,
      %swap3A_1909 = arith.index_cast %scan3A_1878 : i32 to index
      %swap3A_1910 = arith.constant 48 : index
      %swap3A_1911 = tpu.vector_load %arg11[%swap3A_1909, %swap3A_1910] {strides = array<i32>} : memref<64x128xf32, #tpu.memory_space<vmem>>, vector<1x16xf32>,
      %swap3A_1912 = vector.shape_cast %swap3A_1911 : vector<1x16xf32> to vector<16xf32>
      %swap3A_1913 = vector.shape_cast %broadcast_in_dim3A_6 : vector<16xf32> to vector<1x16xf32>
      tpu.vector_store %arg11[%swap3A_1909, %swap3A_1910], %swap3A_1913 {strides = array<i32>} : memref<64x128xf32, #tpu.memory_space<vmem>>, vector<1x16xf32>,
      %swap3A_1914 = arith.index_cast %scan3A_1878 : i32 to index
      %swap3A_1915 = arith.constant 48 : index
      %swap3A_1916 = tpu.vector_load %arg13[%swap3A_1914, %swap3A_1915] {strides = array<i32>} : memref<64x128xf32, #tpu.memory_space<vmem>>, vector<1x16xf32>,
      %swap3A_1917 = vector.shape_cast %swap3A_1916 : vector<1x16xf32> to vector<16xf32>
      %swap3A_1918 = vector.shape_cast %broadcast_in_dim3A_8 : vector<16xf32> to vector<1x16xf32>
      tpu.vector_store %arg13[%swap3A_1914, %swap3A_1915], %swap3A_1918 {strides = array<i32>} : memref<64x128xf32, #tpu.memory_space<vmem>>, vector<1x16xf32>,
      %swap3A_1919 = arith.index_cast %scan3A_1878 : i32 to index
      %swap3A_1920 = arith.constant 64 : index
      %swap3A_1921 = tpu.vector_load %arg11[%swap3A_1919, %swap3A_1920] {strides = array<i32>} : memref<64x128xf32, #tpu.memory_space<vmem>>, vector<1x16xf32>,
      %swap3A_1922 = vector.shape_cast %swap3A_1921 : vector<1x16xf32> to vector<16xf32>
      %swap3A_1923 = vector.shape_cast %broadcast_in_dim3A_6 : vector<16xf32> to vector<1x16xf32>
      tpu.vector_store %arg11[%swap3A_1919, %swap3A_1920], %swap3A_1923 {strides = array<i32>} : memref<64x128xf32, #tpu.memory_space<vmem>>, vector<1x16xf32>,
      %swap3A_1924 = arith.index_cast %scan3A_1878 : i32 to index
      %swap3A_1925 = arith.constant 64 : index
      %swap3A_1926 = tpu.vector_load %arg13[%swap3A_1924, %swap3A_1925] {strides = array<i32>} : memref<64x128xf32, #tpu.memory_space<vmem>>, vector<1x16xf32>,
      %swap3A_1927 = vector.shape_cast %swap3A_1926 : vector<1x16xf32> to vector<16xf32>
      %swap3A_1928 = vector.shape_cast %broadcast_in_dim3A_8 : vector<16xf32> to vector<1x16xf32>
      tpu.vector_store %arg13[%swap3A_1924, %swap3A_1925], %swap3A_1928 {strides = array<i32>} : memref<64x128xf32, #tpu.memory_space<vmem>>, vector<1x16xf32>,
      %swap3A_1929 = arith.index_cast %scan3A_1878 : i32 to index
      %swap3A_1930 = arith.constant 80 : index
      %swap3A_1931 = tpu.vector_load %arg11[%swap3A_1929, %swap3A_1930] {strides = array<i32>} : memref<64x128xf32, #tpu.memory_space<vmem>>, vector<1x16xf32>,
      %swap3A_1932 = vector.shape_cast %swap3A_1931 : vector<1x16xf32> to vector<16xf32>
      %swap3A_1933 = vector.shape_cast %broadcast_in_dim3A_6 : vector<16xf32> to vector<1x16xf32>
      tpu.vector_store %arg11[%swap3A_1929, %swap3A_1930], %swap3A_1933 {strides = array<i32>} : memref<64x128xf32, #tpu.memory_space<vmem>>, vector<1x16xf32>,
      %swap3A_1934 = arith.index_cast %scan3A_1878 : i32 to index
      %swap3A_1935 = arith.constant 80 : index
      %swap3A_1936 = tpu.vector_load %arg13[%swap3A_1934, %swap3A_1935] {strides = array<i32>} : memref<64x128xf32, #tpu.memory_space<vmem>>, vector<1x16xf32>,
      %swap3A_1937 = vector.shape_cast %swap3A_1936 : vector<1x16xf32> to vector<16xf32>
      %swap3A_1938 = vector.shape_cast %broadcast_in_dim3A_8 : vector<16xf32> to vector<1x16xf32>
      tpu.vector_store %arg13[%swap3A_1934, %swap3A_1935], %swap3A_1938 {strides = array<i32>} : memref<64x128xf32, #tpu.memory_space<vmem>>, vector<1x16xf32>,
      %swap3A_1939 = arith.index_cast %scan3A_1878 : i32 to index
      %swap3A_1940 = arith.constant 96 : index
      %swap3A_1941 = tpu.vector_load %arg11[%swap3A_1939, %swap3A_1940] {strides = array<i32>} : memref<64x128xf32, #tpu.memory_space<vmem>>, vector<1x16xf32>,
      %swap3A_1942 = vector.shape_cast %swap3A_1941 : vector<1x16xf32> to vector<16xf32>
      %swap3A_1943 = vector.shape_cast %broadcast_in_dim3A_6 : vector<16xf32> to vector<1x16xf32>
      tpu.vector_store %arg11[%swap3A_1939, %swap3A_1940], %swap3A_1943 {strides = array<i32>} : memref<64x128xf32, #tpu.memory_space<vmem>>, vector<1x16xf32>,
      %swap3A_1944 = arith.index_cast %scan3A_1878 : i32 to index
      %swap3A_1945 = arith.constant 96 : index
      %swap3A_1946 = tpu.vector_load %arg13[%swap3A_1944, %swap3A_1945] {strides = array<i32>} : memref<64x128xf32, #tpu.memory_space<vmem>>, vector<1x16xf32>,
      %swap3A_1947 = vector.shape_cast %swap3A_1946 : vector<1x16xf32> to vector<16xf32>
      %swap3A_1948 = vector.shape_cast %broadcast_in_dim3A_8 : vector<16xf32> to vector<1x16xf32>
      tpu.vector_store %arg13[%swap3A_1944, %swap3A_1945], %swap3A_1948 {strides = array<i32>} : memref<64x128xf32, #tpu.memory_space<vmem>>, vector<1x16xf32>,
      %swap3A_1949 = arith.index_cast %scan3A_1878 : i32 to index
      %swap3A_1950 = arith.constant 112 : index
      %swap3A_1951 = tpu.vector_load %arg11[%swap3A_1949, %swap3A_1950] {strides = array<i32>} : memref<64x128xf32, #tpu.memory_space<vmem>>, vector<1x16xf32>,
      %swap3A_1952 = vector.shape_cast %swap3A_1951 : vector<1x16xf32> to vector<16xf32>
      %swap3A_1953 = vector.shape_cast %broadcast_in_dim3A_6 : vector<16xf32> to vector<1x16xf32>
      tpu.vector_store %arg11[%swap3A_1949, %swap3A_1950], %swap3A_1953 {strides = array<i32>} : memref<64x128xf32, #tpu.memory_space<vmem>>, vector<1x16xf32>,
      %swap3A_1954 = arith.index_cast %scan3A_1878 : i32 to index
      %swap3A_1955 = arith.constant 112 : index
      %swap3A_1956 = tpu.vector_load %arg13[%swap3A_1954, %swap3A_1955] {strides = array<i32>} : memref<64x128xf32, #tpu.memory_space<vmem>>, vector<1x16xf32>,
      %swap3A_1957 = vector.shape_cast %swap3A_1956 : vector<1x16xf32> to vector<16xf32>
      %swap3A_1958 = vector.shape_cast %broadcast_in_dim3A_8 : vector<16xf32> to vector<1x16xf32>
      tpu.vector_store %arg13[%swap3A_1954, %swap3A_1955], %swap3A_1958 {strides = array<i32>} : memref<64x128xf32, #tpu.memory_space<vmem>>, vector<1x16xf32>,
    }
    %scan3A_13 = arith.constant 64 : i32
    %dma_start3A = tpu.memref_slice %arg3[%mul3A_4] : memref<16384xi32, #tpu.memory_space<hbm>> -> memref<1024xi32, #tpu.memory_space<hbm>>
    %dma_start3A_14 = tpu.memref_slice %arg3[%mul3A_4] : memref<16384xi32, #tpu.memory_space<hbm>> -> memref<1024xi32, #tpu.memory_space<hbm>>
    tpu.enqueue_dma source(%dma_start3A_14 : memref<1024xi32, #tpu.memory_space<hbm>>) target(%arg6 : memref<1024xi32, #tpu.memory_space<vmem>>) target_semaphore(%arg16 : memref<!tpu.dma_semaphore, #tpu.memory_space<semaphore_mem>>)
    %mul3A_15 = arith.constant 512 : i32
    %mul3A_16 = arith.muli %arg1, %mul3A_15 : i32
    %add3A_17 = arith.constant 0 : i32
    %add3A_18 = arith.addi %mul3A_16, %add3A_17 : i32
    %dma_start3A_19 = arith.constant 0 : i32
    %dma_start3A_20 = tpu.memref_slice %arg14[%add3A_18, %dma_start3A_19] : memref<8192x128xf32, #tpu.memory_space<vmem_shared>> -> memref<64x128xf32, #tpu.memory_space<vmem_shared>>
    %dma_start3A_21 = arith.constant 0 : i32
    %dma_start3A_22 = tpu.memref_slice %arg14[%add3A_18, %dma_start3A_21] : memref<8192x128xf32, #tpu.memory_space<vmem_shared>> -> memref<64x128xf32, #tpu.memory_space<vmem_shared>>
    tpu.enqueue_dma source(%arg11 : memref<64x128xf32, #tpu.memory_space<vmem>>) target(%dma_start3A_22 : memref<64x128xf32, #tpu.memory_space<vmem_shared>>) target_semaphore(%arg18 : memref<!tpu.dma_semaphore, #tpu.memory_space<semaphore_mem>>)
    %mul3A_23 = arith.constant 512 : i32
    %mul3A_24 = arith.muli %arg1, %mul3A_23 : i32
    %add3A_25 = arith.constant 64 : i32
    %add3A_26 = arith.addi %mul3A_24, %add3A_25 : i32
    %dma_start3A_27 = arith.constant 0 : i32
    %dma_start3A_28 = tpu.memref_slice %arg14[%add3A_26, %dma_start3A_27] : memref<8192x128xf32, #tpu.memory_space<vmem_shared>> -> memref<64x128xf32, #tpu.memory_space<vmem_shared>>
    %dma_start3A_29 = arith.constant 0 : i32
    %dma_start3A_30 = tpu.memref_slice %arg14[%add3A_26, %dma_start3A_29] : memref<8192x128xf32, #tpu.memory_space<vmem_shared>> -> memref<64x128xf32, #tpu.memory_space<vmem_shared>>
    tpu.enqueue_dma source(%arg11 : memref<64x128xf32, #tpu.memory_space<vmem>>) target(%dma_start3A_30 : memref<64x128xf32, #tpu.memory_space<vmem_shared>>) target_semaphore(%arg18 : memref<!tpu.dma_semaphore, #tpu.memory_space<semaphore_mem>>)
    %mul3A_31 = arith.constant 512 : i32
    %mul3A_32 = arith.muli %arg1, %mul3A_31 : i32
    %add3A_33 = arith.constant 128 : i32
    %add3A_34 = arith.addi %mul3A_32, %add3A_33 : i32
    %dma_start3A_35 = arith.constant 0 : i32
    %dma_start3A_36 = tpu.memref_slice %arg14[%add3A_34, %dma_start3A_35] : memref<8192x128xf32, #tpu.memory_space<vmem_shared>> -> memref<64x128xf32, #tpu.memory_space<vmem_shared>>
    %dma_start3A_37 = arith.constant 0 : i32
    %dma_start3A_38 = tpu.memref_slice %arg14[%add3A_34, %dma_start3A_37] : memref<8192x128xf32, #tpu.memory_space<vmem_shared>> -> memref<64x128xf32, #tpu.memory_space<vmem_shared>>
    tpu.enqueue_dma source(%arg11 : memref<64x128xf32, #tpu.memory_space<vmem>>) target(%dma_start3A_38 : memref<64x128xf32, #tpu.memory_space<vmem_shared>>) target_semaphore(%arg18 : memref<!tpu.dma_semaphore, #tpu.memory_space<semaphore_mem>>)
    %mul3A_39 = arith.constant 512 : i32
    %mul3A_40 = arith.muli %arg1, %mul3A_39 : i32
    %add3A_41 = arith.constant 192 : i32
    %add3A_42 = arith.addi %mul3A_40, %add3A_41 : i32
    %dma_start3A_43 = arith.constant 0 : i32
    %dma_start3A_44 = tpu.memref_slice %arg14[%add3A_42, %dma_start3A_43] : memref<8192x128xf32, #tpu.memory_space<vmem_shared>> -> memref<64x128xf32, #tpu.memory_space<vmem_shared>>
    %dma_start3A_45 = arith.constant 0 : i32
    %dma_start3A_46 = tpu.memref_slice %arg14[%add3A_42, %dma_start3A_45] : memref<8192x128xf32, #tpu.memory_space<vmem_shared>> -> memref<64x128xf32, #tpu.memory_space<vmem_shared>>
    tpu.enqueue_dma source(%arg11 : memref<64x128xf32, #tpu.memory_space<vmem>>) target(%dma_start3A_46 : memref<64x128xf32, #tpu.memory_space<vmem_shared>>) target_semaphore(%arg18 : memref<!tpu.dma_semaphore, #tpu.memory_space<semaphore_mem>>)
    %mul3A_47 = arith.constant 512 : i32
    %mul3A_48 = arith.muli %arg1, %mul3A_47 : i32
    %add3A_49 = arith.constant 256 : i32
    %add3A_50 = arith.addi %mul3A_48, %add3A_49 : i32
    %dma_start3A_51 = arith.constant 0 : i32
    %dma_start3A_52 = tpu.memref_slice %arg14[%add3A_50, %dma_start3A_51] : memref<8192x128xf32, #tpu.memory_space<vmem_shared>> -> memref<64x128xf32, #tpu.memory_space<vmem_shared>>
    %dma_start3A_53 = arith.constant 0 : i32
    %dma_start3A_54 = tpu.memref_slice %arg14[%add3A_50, %dma_start3A_53] : memref<8192x128xf32, #tpu.memory_space<vmem_shared>> -> memref<64x128xf32, #tpu.memory_space<vmem_shared>>
    tpu.enqueue_dma source(%arg11 : memref<64x128xf32, #tpu.memory_space<vmem>>) target(%dma_start3A_54 : memref<64x128xf32, #tpu.memory_space<vmem_shared>>) target_semaphore(%arg18 : memref<!tpu.dma_semaphore, #tpu.memory_space<semaphore_mem>>)
    %mul3A_55 = arith.constant 512 : i32
    %mul3A_56 = arith.muli %arg1, %mul3A_55 : i32
    %add3A_57 = arith.constant 320 : i32
    %add3A_58 = arith.addi %mul3A_56, %add3A_57 : i32
    %dma_start3A_59 = arith.constant 0 : i32
    %dma_start3A_60 = tpu.memref_slice %arg14[%add3A_58, %dma_start3A_59] : memref<8192x128xf32, #tpu.memory_space<vmem_shared>> -> memref<64x128xf32, #tpu.memory_space<vmem_shared>>
    %dma_start3A_61 = arith.constant 0 : i32
    %dma_start3A_62 = tpu.memref_slice %arg14[%add3A_58, %dma_start3A_61] : memref<8192x128xf32, #tpu.memory_space<vmem_shared>> -> memref<64x128xf32, #tpu.memory_space<vmem_shared>>
    tpu.enqueue_dma source(%arg11 : memref<64x128xf32, #tpu.memory_space<vmem>>) target(%dma_start3A_62 : memref<64x128xf32, #tpu.memory_space<vmem_shared>>) target_semaphore(%arg18 : memref<!tpu.dma_semaphore, #tpu.memory_space<semaphore_mem>>)
    %mul3A_63 = arith.constant 512 : i32
    %mul3A_64 = arith.muli %arg1, %mul3A_63 : i32
    %add3A_65 = arith.constant 384 : i32
    %add3A_66 = arith.addi %mul3A_64, %add3A_65 : i32
    %dma_start3A_67 = arith.constant 0 : i32
    %dma_start3A_68 = tpu.memref_slice %arg14[%add3A_66, %dma_start3A_67] : memref<8192x128xf32, #tpu.memory_space<vmem_shared>> -> memref<64x128xf32, #tpu.memory_space<vmem_shared>>
    %dma_start3A_69 = arith.constant 0 : i32
    %dma_start3A_70 = tpu.memref_slice %arg14[%add3A_66, %dma_start3A_69] : memref<8192x128xf32, #tpu.memory_space<vmem_shared>> -> memref<64x128xf32, #tpu.memory_space<vmem_shared>>
    tpu.enqueue_dma source(%arg11 : memref<64x128xf32, #tpu.memory_space<vmem>>) target(%dma_start3A_70 : memref<64x128xf32, #tpu.memory_space<vmem_shared>>) target_semaphore(%arg18 : memref<!tpu.dma_semaphore, #tpu.memory_space<semaphore_mem>>)
    %mul3A_71 = arith.constant 512 : i32
    %mul3A_72 = arith.muli %arg1, %mul3A_71 : i32
    %add3A_73 = arith.constant 448 : i32
    %add3A_74 = arith.addi %mul3A_72, %add3A_73 : i32
    %dma_start3A_75 = arith.constant 0 : i32
    %dma_start3A_76 = tpu.memref_slice %arg14[%add3A_74, %dma_start3A_75] : memref<8192x128xf32, #tpu.memory_space<vmem_shared>> -> memref<64x128xf32, #tpu.memory_space<vmem_shared>>
    %dma_start3A_77 = arith.constant 0 : i32
    %dma_start3A_78 = tpu.memref_slice %arg14[%add3A_74, %dma_start3A_77] : memref<8192x128xf32, #tpu.memory_space<vmem_shared>> -> memref<64x128xf32, #tpu.memory_space<vmem_shared>>
    tpu.enqueue_dma source(%arg11 : memref<64x128xf32, #tpu.memory_space<vmem>>) target(%dma_start3A_78 : memref<64x128xf32, #tpu.memory_space<vmem_shared>>) target_semaphore(%arg18 : memref<!tpu.dma_semaphore, #tpu.memory_space<semaphore_mem>>)
    %mul3A_79 = arith.constant 256 : i32
    %mul3A_80 = arith.muli %arg1, %mul3A_79 : i32
    %add3A_81 = arith.constant 0 : i32
    %add3A_82 = arith.addi %mul3A_80, %add3A_81 : i32
    %dma_start3A_83 = arith.constant 0 : i32
    %dma_start3A_84 = tpu.memref_slice %arg15[%add3A_82, %dma_start3A_83] : memref<4112x128xf32, #tpu.memory_space<vmem_shared>> -> memref<64x128xf32, #tpu.memory_space<vmem_shared>>
    %dma_start3A_85 = arith.constant 0 : i32
    %dma_start3A_86 = tpu.memref_slice %arg15[%add3A_82, %dma_start3A_85] : memref<4112x128xf32, #tpu.memory_space<vmem_shared>> -> memref<64x128xf32, #tpu.memory_space<vmem_shared>>
    tpu.enqueue_dma source(%arg11 : memref<64x128xf32, #tpu.memory_space<vmem>>) target(%dma_start3A_86 : memref<64x128xf32, #tpu.memory_space<vmem_shared>>) target_semaphore(%arg20 : memref<!tpu.dma_semaphore, #tpu.memory_space<semaphore_mem>>)
    %mul3A_87 = arith.constant 256 : i32
    %mul3A_88 = arith.muli %arg1, %mul3A_87 : i32
    %add3A_89 = arith.constant 64 : i32
    %add3A_90 = arith.addi %mul3A_88, %add3A_89 : i32
    %dma_start3A_91 = arith.constant 0 : i32
    %dma_start3A_92 = tpu.memref_slice %arg15[%add3A_90, %dma_start3A_91] : memref<4112x128xf32, #tpu.memory_space<vmem_shared>> -> memref<64x128xf32, #tpu.memory_space<vmem_shared>>
    %dma_start3A_93 = arith.constant 0 : i32
    %dma_start3A_94 = tpu.memref_slice %arg15[%add3A_90, %dma_start3A_93] : memref<4112x128xf32, #tpu.memory_space<vmem_shared>> -> memref<64x128xf32, #tpu.memory_space<vmem_shared>>
    tpu.enqueue_dma source(%arg11 : memref<64x128xf32, #tpu.memory_space<vmem>>) target(%dma_start3A_94 : memref<64x128xf32, #tpu.memory_space<vmem_shared>>) target_semaphore(%arg20 : memref<!tpu.dma_semaphore, #tpu.memory_space<semaphore_mem>>)
    %mul3A_95 = arith.constant 256 : i32
    %mul3A_96 = arith.muli %arg1, %mul3A_95 : i32
    %add3A_97 = arith.constant 128 : i32
    %add3A_98 = arith.addi %mul3A_96, %add3A_97 : i32
    %dma_start3A_99 = arith.constant 0 : i32
    %dma_start3A_100 = tpu.memref_slice %arg15[%add3A_98, %dma_start3A_99] : memref<4112x128xf32, #tpu.memory_space<vmem_shared>> -> memref<64x128xf32, #tpu.memory_space<vmem_shared>>
    %dma_start3A_101 = arith.constant 0 : i32
    %dma_start3A_102 = tpu.memref_slice %arg15[%add3A_98, %dma_start3A_101] : memref<4112x128xf32, #tpu.memory_space<vmem_shared>> -> memref<64x128xf32, #tpu.memory_space<vmem_shared>>
    tpu.enqueue_dma source(%arg11 : memref<64x128xf32, #tpu.memory_space<vmem>>) target(%dma_start3A_102 : memref<64x128xf32, #tpu.memory_space<vmem_shared>>) target_semaphore(%arg20 : memref<!tpu.dma_semaphore, #tpu.memory_space<semaphore_mem>>)
    %mul3A_103 = arith.constant 256 : i32
    %mul3A_104 = arith.muli %arg1, %mul3A_103 : i32
    %add3A_105 = arith.constant 192 : i32
    %add3A_106 = arith.addi %mul3A_104, %add3A_105 : i32
    %dma_start3A_107 = arith.constant 0 : i32
    %dma_start3A_108 = tpu.memref_slice %arg15[%add3A_106, %dma_start3A_107] : memref<4112x128xf32, #tpu.memory_space<vmem_shared>> -> memref<64x128xf32, #tpu.memory_space<vmem_shared>>
    %dma_start3A_109 = arith.constant 0 : i32
    %dma_start3A_110 = tpu.memref_slice %arg15[%add3A_106, %dma_start3A_109] : memref<4112x128xf32, #tpu.memory_space<vmem_shared>> -> memref<64x128xf32, #tpu.memory_space<vmem_shared>>
    tpu.enqueue_dma source(%arg11 : memref<64x128xf32, #tpu.memory_space<vmem>>) target(%dma_start3A_110 : memref<64x128xf32, #tpu.memory_space<vmem_shared>>) target_semaphore(%arg20 : memref<!tpu.dma_semaphore, #tpu.memory_space<semaphore_mem>>)
    %eq3A = arith.constant 15 : i32
    %eq3A_111 = arith.cmpi eq, %arg1, %eq3A : i32
    %convert_element_type3A = arith.extui %eq3A_111 : i1 to i32
    %cond3A = arith.constant 0 : i32
    %cond3A_112 = arith.cmpi ne, %convert_element_type3A, %cond3A : i32
    scf.if %cond3A_112 {
      "tpu.region"() ({
        %run_scoped3A = tpu.sem_alloc : memref<!tpu.dma_semaphore, #tpu.memory_space<semaphore_mem>>
        %dma_start3A_1878 = arith.constant 0 : i32
        %dma_start3A_1879 = arith.constant 0 : i32
        %dma_start3A_1880 = tpu.memref_slice %arg11[%dma_start3A_1878, %dma_start3A_1879] : memref<64x128xf32, #tpu.memory_space<vmem>> -> memref<16x128xf32, #tpu.memory_space<vmem>>
        %dma_start3A_1881 = arith.constant 4096 : i32
        %dma_start3A_1882 = arith.constant 0 : i32
        %dma_start3A_1883 = tpu.memref_slice %arg15[%dma_start3A_1881, %dma_start3A_1882] : memref<4112x128xf32, #tpu.memory_space<vmem_shared>> -> memref<16x128xf32, #tpu.memory_space<vmem_shared>>
        %dma_start3A_1884 = arith.constant 4096 : i32
        %dma_start3A_1885 = arith.constant 0 : i32
        %dma_start3A_1886 = tpu.memref_slice %arg15[%dma_start3A_1884, %dma_start3A_1885] : memref<4112x128xf32, #tpu.memory_space<vmem_shared>> -> memref<16x128xf32, #tpu.memory_space<vmem_shared>>
        %dma_start3A_1887 = arith.constant 0 : i32
        %dma_start3A_1888 = arith.constant 0 : i32
        %dma_start3A_1889 = tpu.memref_slice %arg11[%dma_start3A_1887, %dma_start3A_1888] : memref<64x128xf32, #tpu.memory_space<vmem>> -> memref<16x128xf32, #tpu.memory_space<vmem>>
        tpu.enqueue_dma source(%dma_start3A_1889 : memref<16x128xf32, #tpu.memory_space<vmem>>) target(%dma_start3A_1886 : memref<16x128xf32, #tpu.memory_space<vmem_shared>>) target_semaphore(%run_scoped3A : memref<!tpu.dma_semaphore, #tpu.memory_space<semaphore_mem>>)
        %dma_wait3A_1890 = arith.constant 0 : i32
        %dma_wait3A_1891 = arith.constant 0 : i32
        %dma_wait3A_1892 = tpu.memref_slice %arg11[%dma_wait3A_1890, %dma_wait3A_1891] : memref<64x128xf32, #tpu.memory_space<vmem>> -> memref<16x128xf32, #tpu.memory_space<vmem>>
        %dma_wait3A_1893 = arith.constant 4096 : i32
        %dma_wait3A_1894 = arith.constant 0 : i32
        %dma_wait3A_1895 = tpu.memref_slice %arg15[%dma_wait3A_1893, %dma_wait3A_1894] : memref<4112x128xf32, #tpu.memory_space<vmem_shared>> -> memref<16x128xf32, #tpu.memory_space<vmem_shared>>
        %dma_wait3A_1896 = arith.constant 4096 : i32
        %dma_wait3A_1897 = arith.constant 0 : i32
        %dma_wait3A_1898 = tpu.memref_slice %arg15[%dma_wait3A_1896, %dma_wait3A_1897] : memref<4112x128xf32, #tpu.memory_space<vmem_shared>> -> memref<16x128xf32, #tpu.memory_space<vmem_shared>>
        %dma_wait3A_1899 = arith.constant 0 : i32
        %dma_wait3A_1900 = arith.constant 0 : i32
        %dma_wait3A_1901 = tpu.memref_slice %arg11[%dma_wait3A_1899, %dma_wait3A_1900] : memref<64x128xf32, #tpu.memory_space<vmem>> -> memref<16x128xf32, #tpu.memory_space<vmem>>
        tpu.wait_dma2 semaphore(%run_scoped3A : memref<!tpu.dma_semaphore, #tpu.memory_space<semaphore_mem>>) src(%dma_wait3A_1901 : memref<16x128xf32, #tpu.memory_space<vmem>>) dst(%dma_wait3A_1898 : memref<16x128xf32, #tpu.memory_space<vmem_shared>>)
        tpu.yield
      }) : () -> ()
    } else {
    }
    %dma_wait3A = tpu.memref_slice %arg3[%mul3A_4] : memref<16384xi32, #tpu.memory_space<hbm>> -> memref<1024xi32, #tpu.memory_space<hbm>>
    %dma_wait3A_113 = tpu.memref_slice %arg3[%mul3A_4] : memref<16384xi32, #tpu.memory_space<hbm>> -> memref<1024xi32, #tpu.memory_space<hbm>>
    tpu.wait_dma2 semaphore(%arg16 : memref<!tpu.dma_semaphore, #tpu.memory_space<semaphore_mem>>) src(%dma_wait3A_113 : memref<1024xi32, #tpu.memory_space<hbm>>) dst(%arg6 : memref<1024xi32, #tpu.memory_space<vmem>>)
    %dma_wait3A_114 = arith.constant 0 : i32
    %dma_wait3A_115 = tpu.memref_slice %arg14[%add3A_18, %dma_wait3A_114] : memref<8192x128xf32, #tpu.memory_space<vmem_shared>> -> memref<64x128xf32, #tpu.memory_space<vmem_shared>>
    %dma_wait3A_116 = arith.constant 0 : i32
    %dma_wait3A_117 = tpu.memref_slice %arg14[%add3A_18, %dma_wait3A_116] : memref<8192x128xf32, #tpu.memory_space<vmem_shared>> -> memref<64x128xf32, #tpu.memory_space<vmem_shared>>
    tpu.wait_dma2 semaphore(%arg18 : memref<!tpu.dma_semaphore, #tpu.memory_space<semaphore_mem>>) src(%arg11 : memref<64x128xf32, #tpu.memory_space<vmem>>) dst(%dma_wait3A_117 : memref<64x128xf32, #tpu.memory_space<vmem_shared>>)
    %dma_wait3A_118 = arith.constant 0 : i32
    %dma_wait3A_119 = tpu.memref_slice %arg14[%add3A_26, %dma_wait3A_118] : memref<8192x128xf32, #tpu.memory_space<vmem_shared>> -> memref<64x128xf32, #tpu.memory_space<vmem_shared>>
    %dma_wait3A_120 = arith.constant 0 : i32
    %dma_wait3A_121 = tpu.memref_slice %arg14[%add3A_26, %dma_wait3A_120] : memref<8192x128xf32, #tpu.memory_space<vmem_shared>> -> memref<64x128xf32, #tpu.memory_space<vmem_shared>>
    tpu.wait_dma2 semaphore(%arg18 : memref<!tpu.dma_semaphore, #tpu.memory_space<semaphore_mem>>) src(%arg11 : memref<64x128xf32, #tpu.memory_space<vmem>>) dst(%dma_wait3A_121 : memref<64x128xf32, #tpu.memory_space<vmem_shared>>)
    %dma_wait3A_122 = arith.constant 0 : i32
    %dma_wait3A_123 = tpu.memref_slice %arg14[%add3A_34, %dma_wait3A_122] : memref<8192x128xf32, #tpu.memory_space<vmem_shared>> -> memref<64x128xf32, #tpu.memory_space<vmem_shared>>
    %dma_wait3A_124 = arith.constant 0 : i32
    %dma_wait3A_125 = tpu.memref_slice %arg14[%add3A_34, %dma_wait3A_124] : memref<8192x128xf32, #tpu.memory_space<vmem_shared>> -> memref<64x128xf32, #tpu.memory_space<vmem_shared>>
    tpu.wait_dma2 semaphore(%arg18 : memref<!tpu.dma_semaphore, #tpu.memory_space<semaphore_mem>>) src(%arg11 : memref<64x128xf32, #tpu.memory_space<vmem>>) dst(%dma_wait3A_125 : memref<64x128xf32, #tpu.memory_space<vmem_shared>>)
    %dma_wait3A_126 = arith.constant 0 : i32
    %dma_wait3A_127 = tpu.memref_slice %arg14[%add3A_42, %dma_wait3A_126] : memref<8192x128xf32, #tpu.memory_space<vmem_shared>> -> memref<64x128xf32, #tpu.memory_space<vmem_shared>>
    %dma_wait3A_128 = arith.constant 0 : i32
    %dma_wait3A_129 = tpu.memref_slice %arg14[%add3A_42, %dma_wait3A_128] : memref<8192x128xf32, #tpu.memory_space<vmem_shared>> -> memref<64x128xf32, #tpu.memory_space<vmem_shared>>
    tpu.wait_dma2 semaphore(%arg18 : memref<!tpu.dma_semaphore, #tpu.memory_space<semaphore_mem>>) src(%arg11 : memref<64x128xf32, #tpu.memory_space<vmem>>) dst(%dma_wait3A_129 : memref<64x128xf32, #tpu.memory_space<vmem_shared>>)
    %dma_wait3A_130 = arith.constant 0 : i32
    %dma_wait3A_131 = tpu.memref_slice %arg14[%add3A_50, %dma_wait3A_130] : memref<8192x128xf32, #tpu.memory_space<vmem_shared>> -> memref<64x128xf32, #tpu.memory_space<vmem_shared>>
    %dma_wait3A_132 = arith.constant 0 : i32
    %dma_wait3A_133 = tpu.memref_slice %arg14[%add3A_50, %dma_wait3A_132] : memref<8192x128xf32, #tpu.memory_space<vmem_shared>> -> memref<64x128xf32, #tpu.memory_space<vmem_shared>>
    tpu.wait_dma2 semaphore(%arg18 : memref<!tpu.dma_semaphore, #tpu.memory_space<semaphore_mem>>) src(%arg11 : memref<64x128xf32, #tpu.memory_space<vmem>>) dst(%dma_wait3A_133 : memref<64x128xf32, #tpu.memory_space<vmem_shared>>)
    %dma_wait3A_134 = arith.constant 0 : i32
    %dma_wait3A_135 = tpu.memref_slice %arg14[%add3A_58, %dma_wait3A_134] : memref<8192x128xf32, #tpu.memory_space<vmem_shared>> -> memref<64x128xf32, #tpu.memory_space<vmem_shared>>
    %dma_wait3A_136 = arith.constant 0 : i32
    %dma_wait3A_137 = tpu.memref_slice %arg14[%add3A_58, %dma_wait3A_136] : memref<8192x128xf32, #tpu.memory_space<vmem_shared>> -> memref<64x128xf32, #tpu.memory_space<vmem_shared>>
    tpu.wait_dma2 semaphore(%arg18 : memref<!tpu.dma_semaphore, #tpu.memory_space<semaphore_mem>>) src(%arg11 : memref<64x128xf32, #tpu.memory_space<vmem>>) dst(%dma_wait3A_137 : memref<64x128xf32, #tpu.memory_space<vmem_shared>>)
    %dma_wait3A_138 = arith.constant 0 : i32
    %dma_wait3A_139 = tpu.memref_slice %arg14[%add3A_66, %dma_wait3A_138] : memref<8192x128xf32, #tpu.memory_space<vmem_shared>> -> memref<64x128xf32, #tpu.memory_space<vmem_shared>>
    %dma_wait3A_140 = arith.constant 0 : i32
    %dma_wait3A_141 = tpu.memref_slice %arg14[%add3A_66, %dma_wait3A_140] : memref<8192x128xf32, #tpu.memory_space<vmem_shared>> -> memref<64x128xf32, #tpu.memory_space<vmem_shared>>
    tpu.wait_dma2 semaphore(%arg18 : memref<!tpu.dma_semaphore, #tpu.memory_space<semaphore_mem>>) src(%arg11 : memref<64x128xf32, #tpu.memory_space<vmem>>) dst(%dma_wait3A_141 : memref<64x128xf32, #tpu.memory_space<vmem_shared>>)
    %dma_wait3A_142 = arith.constant 0 : i32
    %dma_wait3A_143 = tpu.memref_slice %arg14[%add3A_74, %dma_wait3A_142] : memref<8192x128xf32, #tpu.memory_space<vmem_shared>> -> memref<64x128xf32, #tpu.memory_space<vmem_shared>>
    %dma_wait3A_144 = arith.constant 0 : i32
    %dma_wait3A_145 = tpu.memref_slice %arg14[%add3A_74, %dma_wait3A_144] : memref<8192x128xf32, #tpu.memory_space<vmem_shared>> -> memref<64x128xf32, #tpu.memory_space<vmem_shared>>
    tpu.wait_dma2 semaphore(%arg18 : memref<!tpu.dma_semaphore, #tpu.memory_space<semaphore_mem>>) src(%arg11 : memref<64x128xf32, #tpu.memory_space<vmem>>) dst(%dma_wait3A_145 : memref<64x128xf32, #tpu.memory_space<vmem_shared>>)
    %dma_wait3A_146 = arith.constant 0 : i32
    %dma_wait3A_147 = tpu.memref_slice %arg15[%add3A_82, %dma_wait3A_146] : memref<4112x128xf32, #tpu.memory_space<vmem_shared>> -> memref<64x128xf32, #tpu.memory_space<vmem_shared>>
    %dma_wait3A_148 = arith.constant 0 : i32
    %dma_wait3A_149 = tpu.memref_slice %arg15[%add3A_82, %dma_wait3A_148] : memref<4112x128xf32, #tpu.memory_space<vmem_shared>> -> memref<64x128xf32, #tpu.memory_space<vmem_shared>>
    tpu.wait_dma2 semaphore(%arg20 : memref<!tpu.dma_semaphore, #tpu.memory_space<semaphore_mem>>) src(%arg11 : memref<64x128xf32, #tpu.memory_space<vmem>>) dst(%dma_wait3A_149 : memref<64x128xf32, #tpu.memory_space<vmem_shared>>)
    %dma_wait3A_150 = arith.constant 0 : i32
    %dma_wait3A_151 = tpu.memref_slice %arg15[%add3A_90, %dma_wait3A_150] : memref<4112x128xf32, #tpu.memory_space<vmem_shared>> -> memref<64x128xf32, #tpu.memory_space<vmem_shared>>
    %dma_wait3A_152 = arith.constant 0 : i32
    %dma_wait3A_153 = tpu.memref_slice %arg15[%add3A_90, %dma_wait3A_152] : memref<4112x128xf32, #tpu.memory_space<vmem_shared>> -> memref<64x128xf32, #tpu.memory_space<vmem_shared>>
    tpu.wait_dma2 semaphore(%arg20 : memref<!tpu.dma_semaphore, #tpu.memory_space<semaphore_mem>>) src(%arg11 : memref<64x128xf32, #tpu.memory_space<vmem>>) dst(%dma_wait3A_153 : memref<64x128xf32, #tpu.memory_space<vmem_shared>>)
    %dma_wait3A_154 = arith.constant 0 : i32
    %dma_wait3A_155 = tpu.memref_slice %arg15[%add3A_98, %dma_wait3A_154] : memref<4112x128xf32, #tpu.memory_space<vmem_shared>> -> memref<64x128xf32, #tpu.memory_space<vmem_shared>>
    %dma_wait3A_156 = arith.constant 0 : i32
    %dma_wait3A_157 = tpu.memref_slice %arg15[%add3A_98, %dma_wait3A_156] : memref<4112x128xf32, #tpu.memory_space<vmem_shared>> -> memref<64x128xf32, #tpu.memory_space<vmem_shared>>
    tpu.wait_dma2 semaphore(%arg20 : memref<!tpu.dma_semaphore, #tpu.memory_space<semaphore_mem>>) src(%arg11 : memref<64x128xf32, #tpu.memory_space<vmem>>) dst(%dma_wait3A_157 : memref<64x128xf32, #tpu.memory_space<vmem_shared>>)
    %dma_wait3A_158 = arith.constant 0 : i32
    %dma_wait3A_159 = tpu.memref_slice %arg15[%add3A_106, %dma_wait3A_158] : memref<4112x128xf32, #tpu.memory_space<vmem_shared>> -> memref<64x128xf32, #tpu.memory_space<vmem_shared>>
    %dma_wait3A_160 = arith.constant 0 : i32
    %dma_wait3A_161 = tpu.memref_slice %arg15[%add3A_106, %dma_wait3A_160] : memref<4112x128xf32, #tpu.memory_space<vmem_shared>> -> memref<64x128xf32, #tpu.memory_space<vmem_shared>>
    tpu.wait_dma2 semaphore(%arg20 : memref<!tpu.dma_semaphore, #tpu.memory_space<semaphore_mem>>) src(%arg11 : memref<64x128xf32, #tpu.memory_space<vmem>>) dst(%dma_wait3A_161 : memref<64x128xf32, #tpu.memory_space<vmem_shared>>)
    %barrier3A = arith.constant 0 : index
    tpu.barrier barrier_id(%barrier3A)
    %get3A = arith.constant 0 : index
    %get3A_162 = tpu.vector_load %arg6[%get3A] {strides = array<i32>} : memref<1024xi32, #tpu.memory_space<vmem>>, vector<16xi32>,
    %get3A_163 = vector.shape_cast %get3A_162 : vector<16xi32> to vector<16xi32>
    %swap3A = arith.constant 0 : index
    %swap3A_164 = tpu.vector_load %arg7[%swap3A] {strides = array<i32>} : memref<64xi32, #tpu.memory_space<vmem>>, vector<16xi32>,
    %swap3A_165 = vector.shape_cast %swap3A_164 : vector<16xi32> to vector<16xi32>
    %swap3A_166 = vector.shape_cast %get3A_163 : vector<16xi32> to vector<16xi32>
    tpu.vector_store %arg7[%swap3A], %swap3A_166 {strides = array<i32>} : memref<64xi32, #tpu.memory_space<vmem>>, vector<16xi32>,
    %sub3A = vector.broadcast %mul3A_2 : i32 to vector<16xi32>
    %sub3A_167 = arith.subi %get3A_163, %sub3A : vector<16xi32>
    %ge3A = arith.constant 0 : i32
    %ge3A_168 = vector.broadcast %ge3A : i32 to vector<16xi32>
    %ge3A_169 = arith.cmpi sge, %sub3A_167, %ge3A_168 : vector<16xi32>
    %lt3A = arith.constant 4096 : i32
    %lt3A_170 = vector.broadcast %lt3A : i32 to vector<16xi32>
    %lt3A_171 = arith.cmpi slt, %sub3A_167, %lt3A_170 : vector<16xi32>
    %and3A = arith.andi %ge3A_169, %lt3A_171 : vector<16xi1>
    %broadcast_in_dim3A_172 = vector.broadcast %add3A_5 : i32 to vector<16xi32>
    %select_n3A = arith.select %and3A, %sub3A_167, %broadcast_in_dim3A_172 : vector<16xi1>, vector<16xi32>
    %swap3A_173 = arith.constant 0 : index
    %swap3A_174 = tpu.vector_load %arg9[%swap3A_173] {strides = array<i32>} : memref<64xi32, #tpu.memory_space<vmem>>, vector<16xi32>,
    %swap3A_175 = vector.shape_cast %swap3A_174 : vector<16xi32> to vector<16xi32>
    %swap3A_176 = vector.shape_cast %select_n3A : vector<16xi32> to vector<16xi32>
    tpu.vector_store %arg9[%swap3A_173], %swap3A_176 {strides = array<i32>} : memref<64xi32, #tpu.memory_space<vmem>>, vector<16xi32>,
    %get3A_177 = arith.constant 16 : index
    %get3A_178 = tpu.vector_load %arg6[%get3A_177] {strides = array<i32>} : memref<1024xi32, #tpu.memory_space<vmem>>, vector<16xi32>,
    %get3A_179 = vector.shape_cast %get3A_178 : vector<16xi32> to vector<16xi32>
    %swap3A_180 = arith.constant 16 : index
    %swap3A_181 = tpu.vector_load %arg7[%swap3A_180] {strides = array<i32>} : memref<64xi32, #tpu.memory_space<vmem>>, vector<16xi32>,
    %swap3A_182 = vector.shape_cast %swap3A_181 : vector<16xi32> to vector<16xi32>
    %swap3A_183 = vector.shape_cast %get3A_179 : vector<16xi32> to vector<16xi32>
    tpu.vector_store %arg7[%swap3A_180], %swap3A_183 {strides = array<i32>} : memref<64xi32, #tpu.memory_space<vmem>>, vector<16xi32>,
    %sub3A_184 = vector.broadcast %mul3A_2 : i32 to vector<16xi32>
    %sub3A_185 = arith.subi %get3A_179, %sub3A_184 : vector<16xi32>
    %ge3A_186 = arith.constant 0 : i32
    %ge3A_187 = vector.broadcast %ge3A_186 : i32 to vector<16xi32>
    %ge3A_188 = arith.cmpi sge, %sub3A_185, %ge3A_187 : vector<16xi32>
    %lt3A_189 = arith.constant 4096 : i32
    %lt3A_190 = vector.broadcast %lt3A_189 : i32 to vector<16xi32>
    %lt3A_191 = arith.cmpi slt, %sub3A_185, %lt3A_190 : vector<16xi32>
    %and3A_192 = arith.andi %ge3A_188, %lt3A_191 : vector<16xi1>
    %broadcast_in_dim3A_193 = vector.broadcast %add3A_5 : i32 to vector<16xi32>
    %select_n3A_194 = arith.select %and3A_192, %sub3A_185, %broadcast_in_dim3A_193 : vector<16xi1>, vector<16xi32>
    %swap3A_195 = arith.constant 16 : index
    %swap3A_196 = tpu.vector_load %arg9[%swap3A_195] {strides = array<i32>} : memref<64xi32, #tpu.memory_space<vmem>>, vector<16xi32>,
    %swap3A_197 = vector.shape_cast %swap3A_196 : vector<16xi32> to vector<16xi32>
    %swap3A_198 = vector.shape_cast %select_n3A_194 : vector<16xi32> to vector<16xi32>
    tpu.vector_store %arg9[%swap3A_195], %swap3A_198 {strides = array<i32>} : memref<64xi32, #tpu.memory_space<vmem>>, vector<16xi32>,
    %get3A_199 = arith.constant 32 : index
    %get3A_200 = tpu.vector_load %arg6[%get3A_199] {strides = array<i32>} : memref<1024xi32, #tpu.memory_space<vmem>>, vector<16xi32>,
    %get3A_201 = vector.shape_cast %get3A_200 : vector<16xi32> to vector<16xi32>
    %swap3A_202 = arith.constant 32 : index
    %swap3A_203 = tpu.vector_load %arg7[%swap3A_202] {strides = array<i32>} : memref<64xi32, #tpu.memory_space<vmem>>, vector<16xi32>,
    %swap3A_204 = vector.shape_cast %swap3A_203 : vector<16xi32> to vector<16xi32>
    %swap3A_205 = vector.shape_cast %get3A_201 : vector<16xi32> to vector<16xi32>
    tpu.vector_store %arg7[%swap3A_202], %swap3A_205 {strides = array<i32>} : memref<64xi32, #tpu.memory_space<vmem>>, vector<16xi32>,
    %sub3A_206 = vector.broadcast %mul3A_2 : i32 to vector<16xi32>
    %sub3A_207 = arith.subi %get3A_201, %sub3A_206 : vector<16xi32>
    %ge3A_208 = arith.constant 0 : i32
    %ge3A_209 = vector.broadcast %ge3A_208 : i32 to vector<16xi32>
    %ge3A_210 = arith.cmpi sge, %sub3A_207, %ge3A_209 : vector<16xi32>
    %lt3A_211 = arith.constant 4096 : i32
    %lt3A_212 = vector.broadcast %lt3A_211 : i32 to vector<16xi32>
    %lt3A_213 = arith.cmpi slt, %sub3A_207, %lt3A_212 : vector<16xi32>
    %and3A_214 = arith.andi %ge3A_210, %lt3A_213 : vector<16xi1>
    %broadcast_in_dim3A_215 = vector.broadcast %add3A_5 : i32 to vector<16xi32>
    %select_n3A_216 = arith.select %and3A_214, %sub3A_207, %broadcast_in_dim3A_215 : vector<16xi1>, vector<16xi32>
    %swap3A_217 = arith.constant 32 : index
    %swap3A_218 = tpu.vector_load %arg9[%swap3A_217] {strides = array<i32>} : memref<64xi32, #tpu.memory_space<vmem>>, vector<16xi32>,
    %swap3A_219 = vector.shape_cast %swap3A_218 : vector<16xi32> to vector<16xi32>
    %swap3A_220 = vector.shape_cast %select_n3A_216 : vector<16xi32> to vector<16xi32>
    tpu.vector_store %arg9[%swap3A_217], %swap3A_220 {strides = array<i32>} : memref<64xi32, #tpu.memory_space<vmem>>, vector<16xi32>,
    %get3A_221 = arith.constant 48 : index
    %get3A_222 = tpu.vector_load %arg6[%get3A_221] {strides = array<i32>} : memref<1024xi32, #tpu.memory_space<vmem>>, vector<16xi32>,
    %get3A_223 = vector.shape_cast %get3A_222 : vector<16xi32> to vector<16xi32>
    %swap3A_224 = arith.constant 48 : index
    %swap3A_225 = tpu.vector_load %arg7[%swap3A_224] {strides = array<i32>} : memref<64xi32, #tpu.memory_space<vmem>>, vector<16xi32>,
    %swap3A_226 = vector.shape_cast %swap3A_225 : vector<16xi32> to vector<16xi32>
    %swap3A_227 = vector.shape_cast %get3A_223 : vector<16xi32> to vector<16xi32>
    tpu.vector_store %arg7[%swap3A_224], %swap3A_227 {strides = array<i32>} : memref<64xi32, #tpu.memory_space<vmem>>, vector<16xi32>,
    %sub3A_228 = vector.broadcast %mul3A_2 : i32 to vector<16xi32>
    %sub3A_229 = arith.subi %get3A_223, %sub3A_228 : vector<16xi32>
    %ge3A_230 = arith.constant 0 : i32
    %ge3A_231 = vector.broadcast %ge3A_230 : i32 to vector<16xi32>
    %ge3A_232 = arith.cmpi sge, %sub3A_229, %ge3A_231 : vector<16xi32>
    %lt3A_233 = arith.constant 4096 : i32
    %lt3A_234 = vector.broadcast %lt3A_233 : i32 to vector<16xi32>
    %lt3A_235 = arith.cmpi slt, %sub3A_229, %lt3A_234 : vector<16xi32>
    %and3A_236 = arith.andi %ge3A_232, %lt3A_235 : vector<16xi1>
    %broadcast_in_dim3A_237 = vector.broadcast %add3A_5 : i32 to vector<16xi32>
    %select_n3A_238 = arith.select %and3A_236, %sub3A_229, %broadcast_in_dim3A_237 : vector<16xi1>, vector<16xi32>
    %swap3A_239 = arith.constant 48 : index
    %swap3A_240 = tpu.vector_load %arg9[%swap3A_239] {strides = array<i32>} : memref<64xi32, #tpu.memory_space<vmem>>, vector<16xi32>,
    %swap3A_241 = vector.shape_cast %swap3A_240 : vector<16xi32> to vector<16xi32>
    %swap3A_242 = vector.shape_cast %select_n3A_238 : vector<16xi32> to vector<16xi32>
    tpu.vector_store %arg9[%swap3A_239], %swap3A_242 {strides = array<i32>} : memref<64xi32, #tpu.memory_space<vmem>>, vector<16xi32>,
    %dma_start3A_243 = tpu.memref_slice %arg2[%mul3A_4, %mul3A_0] : memref<16384x256xf32, #tpu.memory_space<hbm>> -> memref<64x128xf32, #tpu.memory_space<hbm>>
    %dma_start3A_244 = tpu.memref_slice %arg2[%mul3A_4, %mul3A_0] : memref<16384x256xf32, #tpu.memory_space<hbm>> -> memref<64x128xf32, #tpu.memory_space<hbm>>
    tpu.enqueue_dma source(%dma_start3A_244 : memref<64x128xf32, #tpu.memory_space<hbm>>) target(%arg11 : memref<64x128xf32, #tpu.memory_space<vmem>>) target_semaphore(%arg16 : memref<!tpu.dma_semaphore, #tpu.memory_space<semaphore_mem>>)
    %get3A_245 = arith.constant 64 : index
    %get3A_246 = tpu.vector_load %arg6[%get3A_245] {strides = array<i32>} : memref<1024xi32, #tpu.memory_space<vmem>>, vector<16xi32>,
    %get3A_247 = vector.shape_cast %get3A_246 : vector<16xi32> to vector<16xi32>
    %swap3A_248 = arith.constant 0 : index
    %swap3A_249 = tpu.vector_load %arg8[%swap3A_248] {strides = array<i32>} : memref<64xi32, #tpu.memory_space<vmem>>, vector<16xi32>,
    %swap3A_250 = vector.shape_cast %swap3A_249 : vector<16xi32> to vector<16xi32>
    %swap3A_251 = vector.shape_cast %get3A_247 : vector<16xi32> to vector<16xi32>
    tpu.vector_store %arg8[%swap3A_248], %swap3A_251 {strides = array<i32>} : memref<64xi32, #tpu.memory_space<vmem>>, vector<16xi32>,
    %sub3A_252 = vector.broadcast %mul3A_2 : i32 to vector<16xi32>
    %sub3A_253 = arith.subi %get3A_247, %sub3A_252 : vector<16xi32>
    %ge3A_254 = arith.constant 0 : i32
    %ge3A_255 = vector.broadcast %ge3A_254 : i32 to vector<16xi32>
    %ge3A_256 = arith.cmpi sge, %sub3A_253, %ge3A_255 : vector<16xi32>
    %lt3A_257 = arith.constant 4096 : i32
    %lt3A_258 = vector.broadcast %lt3A_257 : i32 to vector<16xi32>
    %lt3A_259 = arith.cmpi slt, %sub3A_253, %lt3A_258 : vector<16xi32>
    %and3A_260 = arith.andi %ge3A_256, %lt3A_259 : vector<16xi1>
    %broadcast_in_dim3A_261 = vector.broadcast %add3A_5 : i32 to vector<16xi32>
    %select_n3A_262 = arith.select %and3A_260, %sub3A_253, %broadcast_in_dim3A_261 : vector<16xi1>, vector<16xi32>
    %swap3A_263 = arith.constant 0 : index
    %swap3A_264 = tpu.vector_load %arg10[%swap3A_263] {strides = array<i32>} : memref<64xi32, #tpu.memory_space<vmem>>, vector<16xi32>,
    %swap3A_265 = vector.shape_cast %swap3A_264 : vector<16xi32> to vector<16xi32>
    %swap3A_266 = vector.shape_cast %select_n3A_262 : vector<16xi32> to vector<16xi32>
    tpu.vector_store %arg10[%swap3A_263], %swap3A_266 {strides = array<i32>} : memref<64xi32, #tpu.memory_space<vmem>>, vector<16xi32>,
    %get3A_267 = arith.constant 80 : index
    %get3A_268 = tpu.vector_load %arg6[%get3A_267] {strides = array<i32>} : memref<1024xi32, #tpu.memory_space<vmem>>, vector<16xi32>,
    %get3A_269 = vector.shape_cast %get3A_268 : vector<16xi32> to vector<16xi32>
    %swap3A_270 = arith.constant 16 : index
    %swap3A_271 = tpu.vector_load %arg8[%swap3A_270] {strides = array<i32>} : memref<64xi32, #tpu.memory_space<vmem>>, vector<16xi32>,
    %swap3A_272 = vector.shape_cast %swap3A_271 : vector<16xi32> to vector<16xi32>
    %swap3A_273 = vector.shape_cast %get3A_269 : vector<16xi32> to vector<16xi32>
    tpu.vector_store %arg8[%swap3A_270], %swap3A_273 {strides = array<i32>} : memref<64xi32, #tpu.memory_space<vmem>>, vector<16xi32>,
    %sub3A_274 = vector.broadcast %mul3A_2 : i32 to vector<16xi32>
    %sub3A_275 = arith.subi %get3A_269, %sub3A_274 : vector<16xi32>
    %ge3A_276 = arith.constant 0 : i32
    %ge3A_277 = vector.broadcast %ge3A_276 : i32 to vector<16xi32>
    %ge3A_278 = arith.cmpi sge, %sub3A_275, %ge3A_277 : vector<16xi32>
    %lt3A_279 = arith.constant 4096 : i32
    %lt3A_280 = vector.broadcast %lt3A_279 : i32 to vector<16xi32>
    %lt3A_281 = arith.cmpi slt, %sub3A_275, %lt3A_280 : vector<16xi32>
    %and3A_282 = arith.andi %ge3A_278, %lt3A_281 : vector<16xi1>
    %broadcast_in_dim3A_283 = vector.broadcast %add3A_5 : i32 to vector<16xi32>
    %select_n3A_284 = arith.select %and3A_282, %sub3A_275, %broadcast_in_dim3A_283 : vector<16xi1>, vector<16xi32>
    %swap3A_285 = arith.constant 16 : index
    %swap3A_286 = tpu.vector_load %arg10[%swap3A_285] {strides = array<i32>} : memref<64xi32, #tpu.memory_space<vmem>>, vector<16xi32>,
    %swap3A_287 = vector.shape_cast %swap3A_286 : vector<16xi32> to vector<16xi32>
    %swap3A_288 = vector.shape_cast %select_n3A_284 : vector<16xi32> to vector<16xi32>
    tpu.vector_store %arg10[%swap3A_285], %swap3A_288 {strides = array<i32>} : memref<64xi32, #tpu.memory_space<vmem>>, vector<16xi32>,
    %get3A_289 = arith.constant 96 : index
    %get3A_290 = tpu.vector_load %arg6[%get3A_289] {strides = array<i32>} : memref<1024xi32, #tpu.memory_space<vmem>>, vector<16xi32>,
    %get3A_291 = vector.shape_cast %get3A_290 : vector<16xi32> to vector<16xi32>
    %swap3A_292 = arith.constant 32 : index
    %swap3A_293 = tpu.vector_load %arg8[%swap3A_292] {strides = array<i32>} : memref<64xi32, #tpu.memory_space<vmem>>, vector<16xi32>,
    %swap3A_294 = vector.shape_cast %swap3A_293 : vector<16xi32> to vector<16xi32>
    %swap3A_295 = vector.shape_cast %get3A_291 : vector<16xi32> to vector<16xi32>
    tpu.vector_store %arg8[%swap3A_292], %swap3A_295 {strides = array<i32>} : memref<64xi32, #tpu.memory_space<vmem>>, vector<16xi32>,
    %sub3A_296 = vector.broadcast %mul3A_2 : i32 to vector<16xi32>
    %sub3A_297 = arith.subi %get3A_291, %sub3A_296 : vector<16xi32>
    %ge3A_298 = arith.constant 0 : i32
    %ge3A_299 = vector.broadcast %ge3A_298 : i32 to vector<16xi32>
    %ge3A_300 = arith.cmpi sge, %sub3A_297, %ge3A_299 : vector<16xi32>
    %lt3A_301 = arith.constant 4096 : i32
    %lt3A_302 = vector.broadcast %lt3A_301 : i32 to vector<16xi32>
    %lt3A_303 = arith.cmpi slt, %sub3A_297, %lt3A_302 : vector<16xi32>
    %and3A_304 = arith.andi %ge3A_300, %lt3A_303 : vector<16xi1>
    %broadcast_in_dim3A_305 = vector.broadcast %add3A_5 : i32 to vector<16xi32>
    %select_n3A_306 = arith.select %and3A_304, %sub3A_297, %broadcast_in_dim3A_305 : vector<16xi1>, vector<16xi32>
    %swap3A_307 = arith.constant 32 : index
    %swap3A_308 = tpu.vector_load %arg10[%swap3A_307] {strides = array<i32>} : memref<64xi32, #tpu.memory_space<vmem>>, vector<16xi32>,
    %swap3A_309 = vector.shape_cast %swap3A_308 : vector<16xi32> to vector<16xi32>
    %swap3A_310 = vector.shape_cast %select_n3A_306 : vector<16xi32> to vector<16xi32>
    tpu.vector_store %arg10[%swap3A_307], %swap3A_310 {strides = array<i32>} : memref<64xi32, #tpu.memory_space<vmem>>, vector<16xi32>,
    %get3A_311 = arith.constant 112 : index
    %get3A_312 = tpu.vector_load %arg6[%get3A_311] {strides = array<i32>} : memref<1024xi32, #tpu.memory_space<vmem>>, vector<16xi32>,
    %get3A_313 = vector.shape_cast %get3A_312 : vector<16xi32> to vector<16xi32>
    %swap3A_314 = arith.constant 48 : index
    %swap3A_315 = tpu.vector_load %arg8[%swap3A_314] {strides = array<i32>} : memref<64xi32, #tpu.memory_space<vmem>>, vector<16xi32>,
    %swap3A_316 = vector.shape_cast %swap3A_315 : vector<16xi32> to vector<16xi32>
    %swap3A_317 = vector.shape_cast %get3A_313 : vector<16xi32> to vector<16xi32>
    tpu.vector_store %arg8[%swap3A_314], %swap3A_317 {strides = array<i32>} : memref<64xi32, #tpu.memory_space<vmem>>, vector<16xi32>,
    %sub3A_318 = vector.broadcast %mul3A_2 : i32 to vector<16xi32>
    %sub3A_319 = arith.subi %get3A_313, %sub3A_318 : vector<16xi32>
    %ge3A_320 = arith.constant 0 : i32
    %ge3A_321 = vector.broadcast %ge3A_320 : i32 to vector<16xi32>
    %ge3A_322 = arith.cmpi sge, %sub3A_319, %ge3A_321 : vector<16xi32>
    %lt3A_323 = arith.constant 4096 : i32
    %lt3A_324 = vector.broadcast %lt3A_323 : i32 to vector<16xi32>
    %lt3A_325 = arith.cmpi slt, %sub3A_319, %lt3A_324 : vector<16xi32>
    %and3A_326 = arith.andi %ge3A_322, %lt3A_325 : vector<16xi1>
    %broadcast_in_dim3A_327 = vector.broadcast %add3A_5 : i32 to vector<16xi32>
    %select_n3A_328 = arith.select %and3A_326, %sub3A_319, %broadcast_in_dim3A_327 : vector<16xi1>, vector<16xi32>
    %swap3A_329 = arith.constant 48 : index
    %swap3A_330 = tpu.vector_load %arg10[%swap3A_329] {strides = array<i32>} : memref<64xi32, #tpu.memory_space<vmem>>, vector<16xi32>,
    %swap3A_331 = vector.shape_cast %swap3A_330 : vector<16xi32> to vector<16xi32>
    %swap3A_332 = vector.shape_cast %select_n3A_328 : vector<16xi32> to vector<16xi32>
    tpu.vector_store %arg10[%swap3A_329], %swap3A_332 {strides = array<i32>} : memref<64xi32, #tpu.memory_space<vmem>>, vector<16xi32>,
    %add3A_333 = arith.constant 64 : i32
    %add3A_334 = arith.addi %mul3A_4, %add3A_333 : i32
    %dma_start3A_335 = tpu.memref_slice %arg2[%add3A_334, %mul3A_0] : memref<16384x256xf32, #tpu.memory_space<hbm>> -> memref<64x128xf32, #tpu.memory_space<hbm>>
    %dma_start3A_336 = tpu.memref_slice %arg2[%add3A_334, %mul3A_0] : memref<16384x256xf32, #tpu.memory_space<hbm>> -> memref<64x128xf32, #tpu.memory_space<hbm>>
    tpu.enqueue_dma source(%dma_start3A_336 : memref<64x128xf32, #tpu.memory_space<hbm>>) target(%arg12 : memref<64x128xf32, #tpu.memory_space<vmem>>) target_semaphore(%arg17 : memref<!tpu.dma_semaphore, #tpu.memory_space<semaphore_mem>>)
    %dma_wait3A_337 = tpu.memref_slice %arg2[%mul3A_4, %mul3A_0] : memref<16384x256xf32, #tpu.memory_space<hbm>> -> memref<64x128xf32, #tpu.memory_space<hbm>>
    %dma_wait3A_338 = tpu.memref_slice %arg2[%mul3A_4, %mul3A_0] : memref<16384x256xf32, #tpu.memory_space<hbm>> -> memref<64x128xf32, #tpu.memory_space<hbm>>
    tpu.wait_dma2 semaphore(%arg16 : memref<!tpu.dma_semaphore, #tpu.memory_space<semaphore_mem>>) src(%dma_wait3A_338 : memref<64x128xf32, #tpu.memory_space<hbm>>) dst(%arg11 : memref<64x128xf32, #tpu.memory_space<vmem>>)
    %dma_start3A_339 = arith.constant 0 : i32
    %dma_start3A_340 = arith.constant 0 : i32
    %dma_start3A_341 = tpu.memref_slice %arg14[%dma_start3A_339, %dma_start3A_340] : memref<8192x128xf32, #tpu.memory_space<vmem_shared>> -> memref<8192x128xf32, #tpu.memory_space<vmem_shared>>
    tpu.enqueue_indirect_dma source(%arg11 : memref<64x128xf32, #tpu.memory_space<vmem>>) target(%dma_start3A_341 : memref<8192x128xf32, #tpu.memory_space<vmem_shared>>) offsets(%arg7 : memref<64xi32, #tpu.memory_space<vmem>>) semaphore(%arg18 : memref<!tpu.dma_semaphore, #tpu.memory_space<semaphore_mem>>) {add = true}
    %dma_start3A_342 = arith.constant 0 : i32
    %dma_start3A_343 = arith.constant 0 : i32
    %dma_start3A_344 = tpu.memref_slice %arg15[%dma_start3A_342, %dma_start3A_343] : memref<4112x128xf32, #tpu.memory_space<vmem_shared>> -> memref<4112x128xf32, #tpu.memory_space<vmem_shared>>
    tpu.enqueue_indirect_dma source(%arg13 : memref<64x128xf32, #tpu.memory_space<vmem>>) target(%dma_start3A_344 : memref<4112x128xf32, #tpu.memory_space<vmem_shared>>) offsets(%arg9 : memref<64xi32, #tpu.memory_space<vmem>>) semaphore(%arg20 : memref<!tpu.dma_semaphore, #tpu.memory_space<semaphore_mem>>) {add = true}
    %dma_wait3A_345 = arith.constant 0 : i32
    %dma_wait3A_346 = arith.constant 0 : i32
    %dma_wait3A_347 = tpu.memref_slice %arg14[%dma_wait3A_345, %dma_wait3A_346] : memref<8192x128xf32, #tpu.memory_space<vmem_shared>> -> memref<8192x128xf32, #tpu.memory_space<vmem_shared>>
    tpu.wait_indirect_dma semaphore(%arg18 : memref<!tpu.dma_semaphore, #tpu.memory_space<semaphore_mem>>) src(%arg11 : memref<64x128xf32, #tpu.memory_space<vmem>>) dst(%dma_wait3A_347 : memref<8192x128xf32, #tpu.memory_space<vmem_shared>>)
    %dma_wait3A_348 = arith.constant 0 : i32
    %dma_wait3A_349 = arith.constant 0 : i32
    %dma_wait3A_350 = tpu.memref_slice %arg15[%dma_wait3A_348, %dma_wait3A_349] : memref<4112x128xf32, #tpu.memory_space<vmem_shared>> -> memref<4112x128xf32, #tpu.memory_space<vmem_shared>>
    tpu.wait_indirect_dma semaphore(%arg20 : memref<!tpu.dma_semaphore, #tpu.memory_space<semaphore_mem>>) src(%arg13 : memref<64x128xf32, #tpu.memory_space<vmem>>) dst(%dma_wait3A_350 : memref<4112x128xf32, #tpu.memory_space<vmem_shared>>)
    %get3A_351 = arith.constant 128 : index
    %get3A_352 = tpu.vector_load %arg6[%get3A_351] {strides = array<i32>} : memref<1024xi32, #tpu.memory_space<vmem>>, vector<16xi32>,
    %get3A_353 = vector.shape_cast %get3A_352 : vector<16xi32> to vector<16xi32>
    %swap3A_354 = arith.constant 0 : index
    %swap3A_355 = tpu.vector_load %arg7[%swap3A_354] {strides = array<i32>} : memref<64xi32, #tpu.memory_space<vmem>>, vector<16xi32>,
    %swap3A_356 = vector.shape_cast %swap3A_355 : vector<16xi32> to vector<16xi32>
    %swap3A_357 = vector.shape_cast %get3A_353 : vector<16xi32> to vector<16xi32>
    tpu.vector_store %arg7[%swap3A_354], %swap3A_357 {strides = array<i32>} : memref<64xi32, #tpu.memory_space<vmem>>, vector<16xi32>,
    %sub3A_358 = vector.broadcast %mul3A_2 : i32 to vector<16xi32>
    %sub3A_359 = arith.subi %get3A_353, %sub3A_358 : vector<16xi32>
    %ge3A_360 = arith.constant 0 : i32
    %ge3A_361 = vector.broadcast %ge3A_360 : i32 to vector<16xi32>
    %ge3A_362 = arith.cmpi sge, %sub3A_359, %ge3A_361 : vector<16xi32>
    %lt3A_363 = arith.constant 4096 : i32
    %lt3A_364 = vector.broadcast %lt3A_363 : i32 to vector<16xi32>
    %lt3A_365 = arith.cmpi slt, %sub3A_359, %lt3A_364 : vector<16xi32>
    %and3A_366 = arith.andi %ge3A_362, %lt3A_365 : vector<16xi1>
    %broadcast_in_dim3A_367 = vector.broadcast %add3A_5 : i32 to vector<16xi32>
    %select_n3A_368 = arith.select %and3A_366, %sub3A_359, %broadcast_in_dim3A_367 : vector<16xi1>, vector<16xi32>
    %swap3A_369 = arith.constant 0 : index
    %swap3A_370 = tpu.vector_load %arg9[%swap3A_369] {strides = array<i32>} : memref<64xi32, #tpu.memory_space<vmem>>, vector<16xi32>,
    %swap3A_371 = vector.shape_cast %swap3A_370 : vector<16xi32> to vector<16xi32>
    %swap3A_372 = vector.shape_cast %select_n3A_368 : vector<16xi32> to vector<16xi32>
    tpu.vector_store %arg9[%swap3A_369], %swap3A_372 {strides = array<i32>} : memref<64xi32, #tpu.memory_space<vmem>>, vector<16xi32>,
    %get3A_373 = arith.constant 144 : index
    %get3A_374 = tpu.vector_load %arg6[%get3A_373] {strides = array<i32>} : memref<1024xi32, #tpu.memory_space<vmem>>, vector<16xi32>,
    %get3A_375 = vector.shape_cast %get3A_374 : vector<16xi32> to vector<16xi32>
    %swap3A_376 = arith.constant 16 : index
    %swap3A_377 = tpu.vector_load %arg7[%swap3A_376] {strides = array<i32>} : memref<64xi32, #tpu.memory_space<vmem>>, vector<16xi32>,
    %swap3A_378 = vector.shape_cast %swap3A_377 : vector<16xi32> to vector<16xi32>
    %swap3A_379 = vector.shape_cast %get3A_375 : vector<16xi32> to vector<16xi32>
    tpu.vector_store %arg7[%swap3A_376], %swap3A_379 {strides = array<i32>} : memref<64xi32, #tpu.memory_space<vmem>>, vector<16xi32>,
    %sub3A_380 = vector.broadcast %mul3A_2 : i32 to vector<16xi32>
    %sub3A_381 = arith.subi %get3A_375, %sub3A_380 : vector<16xi32>
    %ge3A_382 = arith.constant 0 : i32
    %ge3A_383 = vector.broadcast %ge3A_382 : i32 to vector<16xi32>
    %ge3A_384 = arith.cmpi sge, %sub3A_381, %ge3A_383 : vector<16xi32>
    %lt3A_385 = arith.constant 4096 : i32
    %lt3A_386 = vector.broadcast %lt3A_385 : i32 to vector<16xi32>
    %lt3A_387 = arith.cmpi slt, %sub3A_381, %lt3A_386 : vector<16xi32>
    %and3A_388 = arith.andi %ge3A_384, %lt3A_387 : vector<16xi1>
    %broadcast_in_dim3A_389 = vector.broadcast %add3A_5 : i32 to vector<16xi32>
    %select_n3A_390 = arith.select %and3A_388, %sub3A_381, %broadcast_in_dim3A_389 : vector<16xi1>, vector<16xi32>
    %swap3A_391 = arith.constant 16 : index
    %swap3A_392 = tpu.vector_load %arg9[%swap3A_391] {strides = array<i32>} : memref<64xi32, #tpu.memory_space<vmem>>, vector<16xi32>,
    %swap3A_393 = vector.shape_cast %swap3A_392 : vector<16xi32> to vector<16xi32>
    %swap3A_394 = vector.shape_cast %select_n3A_390 : vector<16xi32> to vector<16xi32>
    tpu.vector_store %arg9[%swap3A_391], %swap3A_394 {strides = array<i32>} : memref<64xi32, #tpu.memory_space<vmem>>, vector<16xi32>,
    %get3A_395 = arith.constant 160 : index
    %get3A_396 = tpu.vector_load %arg6[%get3A_395] {strides = array<i32>} : memref<1024xi32, #tpu.memory_space<vmem>>, vector<16xi32>,
    %get3A_397 = vector.shape_cast %get3A_396 : vector<16xi32> to vector<16xi32>
    %swap3A_398 = arith.constant 32 : index
    %swap3A_399 = tpu.vector_load %arg7[%swap3A_398] {strides = array<i32>} : memref<64xi32, #tpu.memory_space<vmem>>, vector<16xi32>,
    %swap3A_400 = vector.shape_cast %swap3A_399 : vector<16xi32> to vector<16xi32>
    %swap3A_401 = vector.shape_cast %get3A_397 : vector<16xi32> to vector<16xi32>
    tpu.vector_store %arg7[%swap3A_398], %swap3A_401 {strides = array<i32>} : memref<64xi32, #tpu.memory_space<vmem>>, vector<16xi32>,
    %sub3A_402 = vector.broadcast %mul3A_2 : i32 to vector<16xi32>
    %sub3A_403 = arith.subi %get3A_397, %sub3A_402 : vector<16xi32>
    %ge3A_404 = arith.constant 0 : i32
    %ge3A_405 = vector.broadcast %ge3A_404 : i32 to vector<16xi32>
    %ge3A_406 = arith.cmpi sge, %sub3A_403, %ge3A_405 : vector<16xi32>
    %lt3A_407 = arith.constant 4096 : i32
    %lt3A_408 = vector.broadcast %lt3A_407 : i32 to vector<16xi32>
    %lt3A_409 = arith.cmpi slt, %sub3A_403, %lt3A_408 : vector<16xi32>
    %and3A_410 = arith.andi %ge3A_406, %lt3A_409 : vector<16xi1>
    %broadcast_in_dim3A_411 = vector.broadcast %add3A_5 : i32 to vector<16xi32>
    %select_n3A_412 = arith.select %and3A_410, %sub3A_403, %broadcast_in_dim3A_411 : vector<16xi1>, vector<16xi32>
    %swap3A_413 = arith.constant 32 : index
    %swap3A_414 = tpu.vector_load %arg9[%swap3A_413] {strides = array<i32>} : memref<64xi32, #tpu.memory_space<vmem>>, vector<16xi32>,
    %swap3A_415 = vector.shape_cast %swap3A_414 : vector<16xi32> to vector<16xi32>
    %swap3A_416 = vector.shape_cast %select_n3A_412 : vector<16xi32> to vector<16xi32>
    tpu.vector_store %arg9[%swap3A_413], %swap3A_416 {strides = array<i32>} : memref<64xi32, #tpu.memory_space<vmem>>, vector<16xi32>,
    %get3A_417 = arith.constant 176 : index
    %get3A_418 = tpu.vector_load %arg6[%get3A_417] {strides = array<i32>} : memref<1024xi32, #tpu.memory_space<vmem>>, vector<16xi32>,
    %get3A_419 = vector.shape_cast %get3A_418 : vector<16xi32> to vector<16xi32>
    %swap3A_420 = arith.constant 48 : index
    %swap3A_421 = tpu.vector_load %arg7[%swap3A_420] {strides = array<i32>} : memref<64xi32, #tpu.memory_space<vmem>>, vector<16xi32>,
    %swap3A_422 = vector.shape_cast %swap3A_421 : vector<16xi32> to vector<16xi32>
    %swap3A_423 = vector.shape_cast %get3A_419 : vector<16xi32> to vector<16xi32>
    tpu.vector_store %arg7[%swap3A_420], %swap3A_423 {strides = array<i32>} : memref<64xi32, #tpu.memory_space<vmem>>, vector<16xi32>,
    %sub3A_424 = vector.broadcast %mul3A_2 : i32 to vector<16xi32>
    %sub3A_425 = arith.subi %get3A_419, %sub3A_424 : vector<16xi32>
    %ge3A_426 = arith.constant 0 : i32
    %ge3A_427 = vector.broadcast %ge3A_426 : i32 to vector<16xi32>
    %ge3A_428 = arith.cmpi sge, %sub3A_425, %ge3A_427 : vector<16xi32>
    %lt3A_429 = arith.constant 4096 : i32
    %lt3A_430 = vector.broadcast %lt3A_429 : i32 to vector<16xi32>
    %lt3A_431 = arith.cmpi slt, %sub3A_425, %lt3A_430 : vector<16xi32>
    %and3A_432 = arith.andi %ge3A_428, %lt3A_431 : vector<16xi1>
    %broadcast_in_dim3A_433 = vector.broadcast %add3A_5 : i32 to vector<16xi32>
    %select_n3A_434 = arith.select %and3A_432, %sub3A_425, %broadcast_in_dim3A_433 : vector<16xi1>, vector<16xi32>
    %swap3A_435 = arith.constant 48 : index
    %swap3A_436 = tpu.vector_load %arg9[%swap3A_435] {strides = array<i32>} : memref<64xi32, #tpu.memory_space<vmem>>, vector<16xi32>,
    %swap3A_437 = vector.shape_cast %swap3A_436 : vector<16xi32> to vector<16xi32>
    %swap3A_438 = vector.shape_cast %select_n3A_434 : vector<16xi32> to vector<16xi32>
    tpu.vector_store %arg9[%swap3A_435], %swap3A_438 {strides = array<i32>} : memref<64xi32, #tpu.memory_space<vmem>>, vector<16xi32>,
    %add3A_439 = arith.constant 128 : i32
    %add3A_440 = arith.addi %mul3A_4, %add3A_439 : i32
    %dma_start3A_441 = tpu.memref_slice %arg2[%add3A_440, %mul3A_0] : memref<16384x256xf32, #tpu.memory_space<hbm>> -> memref<64x128xf32, #tpu.memory_space<hbm>>
    %dma_start3A_442 = tpu.memref_slice %arg2[%add3A_440, %mul3A_0] : memref<16384x256xf32, #tpu.memory_space<hbm>> -> memref<64x128xf32, #tpu.memory_space<hbm>>
    tpu.enqueue_dma source(%dma_start3A_442 : memref<64x128xf32, #tpu.memory_space<hbm>>) target(%arg11 : memref<64x128xf32, #tpu.memory_space<vmem>>) target_semaphore(%arg16 : memref<!tpu.dma_semaphore, #tpu.memory_space<semaphore_mem>>)
    %dma_wait3A_443 = tpu.memref_slice %arg2[%add3A_334, %mul3A_0] : memref<16384x256xf32, #tpu.memory_space<hbm>> -> memref<64x128xf32, #tpu.memory_space<hbm>>
    %dma_wait3A_444 = tpu.memref_slice %arg2[%add3A_334, %mul3A_0] : memref<16384x256xf32, #tpu.memory_space<hbm>> -> memref<64x128xf32, #tpu.memory_space<hbm>>
    tpu.wait_dma2 semaphore(%arg17 : memref<!tpu.dma_semaphore, #tpu.memory_space<semaphore_mem>>) src(%dma_wait3A_444 : memref<64x128xf32, #tpu.memory_space<hbm>>) dst(%arg12 : memref<64x128xf32, #tpu.memory_space<vmem>>)
    %dma_start3A_445 = arith.constant 0 : i32
    %dma_start3A_446 = arith.constant 0 : i32
    %dma_start3A_447 = tpu.memref_slice %arg14[%dma_start3A_445, %dma_start3A_446] : memref<8192x128xf32, #tpu.memory_space<vmem_shared>> -> memref<8192x128xf32, #tpu.memory_space<vmem_shared>>
    tpu.enqueue_indirect_dma source(%arg12 : memref<64x128xf32, #tpu.memory_space<vmem>>) target(%dma_start3A_447 : memref<8192x128xf32, #tpu.memory_space<vmem_shared>>) offsets(%arg8 : memref<64xi32, #tpu.memory_space<vmem>>) semaphore(%arg19 : memref<!tpu.dma_semaphore, #tpu.memory_space<semaphore_mem>>) {add = true}
    %dma_start3A_448 = arith.constant 0 : i32
    %dma_start3A_449 = arith.constant 0 : i32
    %dma_start3A_450 = tpu.memref_slice %arg15[%dma_start3A_448, %dma_start3A_449] : memref<4112x128xf32, #tpu.memory_space<vmem_shared>> -> memref<4112x128xf32, #tpu.memory_space<vmem_shared>>
    tpu.enqueue_indirect_dma source(%arg13 : memref<64x128xf32, #tpu.memory_space<vmem>>) target(%dma_start3A_450 : memref<4112x128xf32, #tpu.memory_space<vmem_shared>>) offsets(%arg10 : memref<64xi32, #tpu.memory_space<vmem>>) semaphore(%arg21 : memref<!tpu.dma_semaphore, #tpu.memory_space<semaphore_mem>>) {add = true}
    %dma_wait3A_451 = arith.constant 0 : i32
    %dma_wait3A_452 = arith.constant 0 : i32
    %dma_wait3A_453 = tpu.memref_slice %arg14[%dma_wait3A_451, %dma_wait3A_452] : memref<8192x128xf32, #tpu.memory_space<vmem_shared>> -> memref<8192x128xf32, #tpu.memory_space<vmem_shared>>
    tpu.wait_indirect_dma semaphore(%arg19 : memref<!tpu.dma_semaphore, #tpu.memory_space<semaphore_mem>>) src(%arg12 : memref<64x128xf32, #tpu.memory_space<vmem>>) dst(%dma_wait3A_453 : memref<8192x128xf32, #tpu.memory_space<vmem_shared>>)
    %dma_wait3A_454 = arith.constant 0 : i32
    %dma_wait3A_455 = arith.constant 0 : i32
    %dma_wait3A_456 = tpu.memref_slice %arg15[%dma_wait3A_454, %dma_wait3A_455] : memref<4112x128xf32, #tpu.memory_space<vmem_shared>> -> memref<4112x128xf32, #tpu.memory_space<vmem_shared>>
    tpu.wait_indirect_dma semaphore(%arg21 : memref<!tpu.dma_semaphore, #tpu.memory_space<semaphore_mem>>) src(%arg13 : memref<64x128xf32, #tpu.memory_space<vmem>>) dst(%dma_wait3A_456 : memref<4112x128xf32, #tpu.memory_space<vmem_shared>>)
    %get3A_457 = arith.constant 192 : index
    %get3A_458 = tpu.vector_load %arg6[%get3A_457] {strides = array<i32>} : memref<1024xi32, #tpu.memory_space<vmem>>, vector<16xi32>,
    %get3A_459 = vector.shape_cast %get3A_458 : vector<16xi32> to vector<16xi32>
    %swap3A_460 = arith.constant 0 : index
    %swap3A_461 = tpu.vector_load %arg8[%swap3A_460] {strides = array<i32>} : memref<64xi32, #tpu.memory_space<vmem>>, vector<16xi32>,
    %swap3A_462 = vector.shape_cast %swap3A_461 : vector<16xi32> to vector<16xi32>
    %swap3A_463 = vector.shape_cast %get3A_459 : vector<16xi32> to vector<16xi32>
    tpu.vector_store %arg8[%swap3A_460], %swap3A_463 {strides = array<i32>} : memref<64xi32, #tpu.memory_space<vmem>>, vector<16xi32>,
    %sub3A_464 = vector.broadcast %mul3A_2 : i32 to vector<16xi32>
    %sub3A_465 = arith.subi %get3A_459, %sub3A_464 : vector<16xi32>
    %ge3A_466 = arith.constant 0 : i32
    %ge3A_467 = vector.broadcast %ge3A_466 : i32 to vector<16xi32>
    %ge3A_468 = arith.cmpi sge, %sub3A_465, %ge3A_467 : vector<16xi32>
    %lt3A_469 = arith.constant 4096 : i32
    %lt3A_470 = vector.broadcast %lt3A_469 : i32 to vector<16xi32>
    %lt3A_471 = arith.cmpi slt, %sub3A_465, %lt3A_470 : vector<16xi32>
    %and3A_472 = arith.andi %ge3A_468, %lt3A_471 : vector<16xi1>
    %broadcast_in_dim3A_473 = vector.broadcast %add3A_5 : i32 to vector<16xi32>
    %select_n3A_474 = arith.select %and3A_472, %sub3A_465, %broadcast_in_dim3A_473 : vector<16xi1>, vector<16xi32>
    %swap3A_475 = arith.constant 0 : index
    %swap3A_476 = tpu.vector_load %arg10[%swap3A_475] {strides = array<i32>} : memref<64xi32, #tpu.memory_space<vmem>>, vector<16xi32>,
    %swap3A_477 = vector.shape_cast %swap3A_476 : vector<16xi32> to vector<16xi32>
    %swap3A_478 = vector.shape_cast %select_n3A_474 : vector<16xi32> to vector<16xi32>
    tpu.vector_store %arg10[%swap3A_475], %swap3A_478 {strides = array<i32>} : memref<64xi32, #tpu.memory_space<vmem>>, vector<16xi32>,
    %get3A_479 = arith.constant 208 : index
    %get3A_480 = tpu.vector_load %arg6[%get3A_479] {strides = array<i32>} : memref<1024xi32, #tpu.memory_space<vmem>>, vector<16xi32>,
    %get3A_481 = vector.shape_cast %get3A_480 : vector<16xi32> to vector<16xi32>
    %swap3A_482 = arith.constant 16 : index
    %swap3A_483 = tpu.vector_load %arg8[%swap3A_482] {strides = array<i32>} : memref<64xi32, #tpu.memory_space<vmem>>, vector<16xi32>,
    %swap3A_484 = vector.shape_cast %swap3A_483 : vector<16xi32> to vector<16xi32>
    %swap3A_485 = vector.shape_cast %get3A_481 : vector<16xi32> to vector<16xi32>
    tpu.vector_store %arg8[%swap3A_482], %swap3A_485 {strides = array<i32>} : memref<64xi32, #tpu.memory_space<vmem>>, vector<16xi32>,
    %sub3A_486 = vector.broadcast %mul3A_2 : i32 to vector<16xi32>
    %sub3A_487 = arith.subi %get3A_481, %sub3A_486 : vector<16xi32>
    %ge3A_488 = arith.constant 0 : i32
    %ge3A_489 = vector.broadcast %ge3A_488 : i32 to vector<16xi32>
    %ge3A_490 = arith.cmpi sge, %sub3A_487, %ge3A_489 : vector<16xi32>
    %lt3A_491 = arith.constant 4096 : i32
    %lt3A_492 = vector.broadcast %lt3A_491 : i32 to vector<16xi32>
    %lt3A_493 = arith.cmpi slt, %sub3A_487, %lt3A_492 : vector<16xi32>
    %and3A_494 = arith.andi %ge3A_490, %lt3A_493 : vector<16xi1>
    %broadcast_in_dim3A_495 = vector.broadcast %add3A_5 : i32 to vector<16xi32>
    %select_n3A_496 = arith.select %and3A_494, %sub3A_487, %broadcast_in_dim3A_495 : vector<16xi1>, vector<16xi32>
    %swap3A_497 = arith.constant 16 : index
    %swap3A_498 = tpu.vector_load %arg10[%swap3A_497] {strides = array<i32>} : memref<64xi32, #tpu.memory_space<vmem>>, vector<16xi32>,
    %swap3A_499 = vector.shape_cast %swap3A_498 : vector<16xi32> to vector<16xi32>
    %swap3A_500 = vector.shape_cast %select_n3A_496 : vector<16xi32> to vector<16xi32>
    tpu.vector_store %arg10[%swap3A_497], %swap3A_500 {strides = array<i32>} : memref<64xi32, #tpu.memory_space<vmem>>, vector<16xi32>,
    %get3A_501 = arith.constant 224 : index
    %get3A_502 = tpu.vector_load %arg6[%get3A_501] {strides = array<i32>} : memref<1024xi32, #tpu.memory_space<vmem>>, vector<16xi32>,
    %get3A_503 = vector.shape_cast %get3A_502 : vector<16xi32> to vector<16xi32>
    %swap3A_504 = arith.constant 32 : index
    %swap3A_505 = tpu.vector_load %arg8[%swap3A_504] {strides = array<i32>} : memref<64xi32, #tpu.memory_space<vmem>>, vector<16xi32>,
    %swap3A_506 = vector.shape_cast %swap3A_505 : vector<16xi32> to vector<16xi32>
    %swap3A_507 = vector.shape_cast %get3A_503 : vector<16xi32> to vector<16xi32>
    tpu.vector_store %arg8[%swap3A_504], %swap3A_507 {strides = array<i32>} : memref<64xi32, #tpu.memory_space<vmem>>, vector<16xi32>,
    %sub3A_508 = vector.broadcast %mul3A_2 : i32 to vector<16xi32>
    %sub3A_509 = arith.subi %get3A_503, %sub3A_508 : vector<16xi32>
    %ge3A_510 = arith.constant 0 : i32
    %ge3A_511 = vector.broadcast %ge3A_510 : i32 to vector<16xi32>
    %ge3A_512 = arith.cmpi sge, %sub3A_509, %ge3A_511 : vector<16xi32>
    %lt3A_513 = arith.constant 4096 : i32
    %lt3A_514 = vector.broadcast %lt3A_513 : i32 to vector<16xi32>
    %lt3A_515 = arith.cmpi slt, %sub3A_509, %lt3A_514 : vector<16xi32>
    %and3A_516 = arith.andi %ge3A_512, %lt3A_515 : vector<16xi1>
    %broadcast_in_dim3A_517 = vector.broadcast %add3A_5 : i32 to vector<16xi32>
    %select_n3A_518 = arith.select %and3A_516, %sub3A_509, %broadcast_in_dim3A_517 : vector<16xi1>, vector<16xi32>
    %swap3A_519 = arith.constant 32 : index
    %swap3A_520 = tpu.vector_load %arg10[%swap3A_519] {strides = array<i32>} : memref<64xi32, #tpu.memory_space<vmem>>, vector<16xi32>,
    %swap3A_521 = vector.shape_cast %swap3A_520 : vector<16xi32> to vector<16xi32>
    %swap3A_522 = vector.shape_cast %select_n3A_518 : vector<16xi32> to vector<16xi32>
    tpu.vector_store %arg10[%swap3A_519], %swap3A_522 {strides = array<i32>} : memref<64xi32, #tpu.memory_space<vmem>>, vector<16xi32>,
    %get3A_523 = arith.constant 240 : index
    %get3A_524 = tpu.vector_load %arg6[%get3A_523] {strides = array<i32>} : memref<1024xi32, #tpu.memory_space<vmem>>, vector<16xi32>,
    %get3A_525 = vector.shape_cast %get3A_524 : vector<16xi32> to vector<16xi32>
    %swap3A_526 = arith.constant 48 : index
    %swap3A_527 = tpu.vector_load %arg8[%swap3A_526] {strides = array<i32>} : memref<64xi32, #tpu.memory_space<vmem>>, vector<16xi32>,
    %swap3A_528 = vector.shape_cast %swap3A_527 : vector<16xi32> to vector<16xi32>
    %swap3A_529 = vector.shape_cast %get3A_525 : vector<16xi32> to vector<16xi32>
    tpu.vector_store %arg8[%swap3A_526], %swap3A_529 {strides = array<i32>} : memref<64xi32, #tpu.memory_space<vmem>>, vector<16xi32>,
    %sub3A_530 = vector.broadcast %mul3A_2 : i32 to vector<16xi32>
    %sub3A_531 = arith.subi %get3A_525, %sub3A_530 : vector<16xi32>
    %ge3A_532 = arith.constant 0 : i32
    %ge3A_533 = vector.broadcast %ge3A_532 : i32 to vector<16xi32>
    %ge3A_534 = arith.cmpi sge, %sub3A_531, %ge3A_533 : vector<16xi32>
    %lt3A_535 = arith.constant 4096 : i32
    %lt3A_536 = vector.broadcast %lt3A_535 : i32 to vector<16xi32>
    %lt3A_537 = arith.cmpi slt, %sub3A_531, %lt3A_536 : vector<16xi32>
    %and3A_538 = arith.andi %ge3A_534, %lt3A_537 : vector<16xi1>
    %broadcast_in_dim3A_539 = vector.broadcast %add3A_5 : i32 to vector<16xi32>
    %select_n3A_540 = arith.select %and3A_538, %sub3A_531, %broadcast_in_dim3A_539 : vector<16xi1>, vector<16xi32>
    %swap3A_541 = arith.constant 48 : index
    %swap3A_542 = tpu.vector_load %arg10[%swap3A_541] {strides = array<i32>} : memref<64xi32, #tpu.memory_space<vmem>>, vector<16xi32>,
    %swap3A_543 = vector.shape_cast %swap3A_542 : vector<16xi32> to vector<16xi32>
    %swap3A_544 = vector.shape_cast %select_n3A_540 : vector<16xi32> to vector<16xi32>
    tpu.vector_store %arg10[%swap3A_541], %swap3A_544 {strides = array<i32>} : memref<64xi32, #tpu.memory_space<vmem>>, vector<16xi32>,
    %add3A_545 = arith.constant 192 : i32
    %add3A_546 = arith.addi %mul3A_4, %add3A_545 : i32
    %dma_start3A_547 = tpu.memref_slice %arg2[%add3A_546, %mul3A_0] : memref<16384x256xf32, #tpu.memory_space<hbm>> -> memref<64x128xf32, #tpu.memory_space<hbm>>
    %dma_start3A_548 = tpu.memref_slice %arg2[%add3A_546, %mul3A_0] : memref<16384x256xf32, #tpu.memory_space<hbm>> -> memref<64x128xf32, #tpu.memory_space<hbm>>
    tpu.enqueue_dma source(%dma_start3A_548 : memref<64x128xf32, #tpu.memory_space<hbm>>) target(%arg12 : memref<64x128xf32, #tpu.memory_space<vmem>>) target_semaphore(%arg17 : memref<!tpu.dma_semaphore, #tpu.memory_space<semaphore_mem>>)
    %dma_wait3A_549 = tpu.memref_slice %arg2[%add3A_440, %mul3A_0] : memref<16384x256xf32, #tpu.memory_space<hbm>> -> memref<64x128xf32, #tpu.memory_space<hbm>>
    %dma_wait3A_550 = tpu.memref_slice %arg2[%add3A_440, %mul3A_0] : memref<16384x256xf32, #tpu.memory_space<hbm>> -> memref<64x128xf32, #tpu.memory_space<hbm>>
    tpu.wait_dma2 semaphore(%arg16 : memref<!tpu.dma_semaphore, #tpu.memory_space<semaphore_mem>>) src(%dma_wait3A_550 : memref<64x128xf32, #tpu.memory_space<hbm>>) dst(%arg11 : memref<64x128xf32, #tpu.memory_space<vmem>>)
    %dma_start3A_551 = arith.constant 0 : i32
    %dma_start3A_552 = arith.constant 0 : i32
    %dma_start3A_553 = tpu.memref_slice %arg14[%dma_start3A_551, %dma_start3A_552] : memref<8192x128xf32, #tpu.memory_space<vmem_shared>> -> memref<8192x128xf32, #tpu.memory_space<vmem_shared>>
    tpu.enqueue_indirect_dma source(%arg11 : memref<64x128xf32, #tpu.memory_space<vmem>>) target(%dma_start3A_553 : memref<8192x128xf32, #tpu.memory_space<vmem_shared>>) offsets(%arg7 : memref<64xi32, #tpu.memory_space<vmem>>) semaphore(%arg18 : memref<!tpu.dma_semaphore, #tpu.memory_space<semaphore_mem>>) {add = true}
    %dma_start3A_554 = arith.constant 0 : i32
    %dma_start3A_555 = arith.constant 0 : i32
    %dma_start3A_556 = tpu.memref_slice %arg15[%dma_start3A_554, %dma_start3A_555] : memref<4112x128xf32, #tpu.memory_space<vmem_shared>> -> memref<4112x128xf32, #tpu.memory_space<vmem_shared>>
    tpu.enqueue_indirect_dma source(%arg13 : memref<64x128xf32, #tpu.memory_space<vmem>>) target(%dma_start3A_556 : memref<4112x128xf32, #tpu.memory_space<vmem_shared>>) offsets(%arg9 : memref<64xi32, #tpu.memory_space<vmem>>) semaphore(%arg20 : memref<!tpu.dma_semaphore, #tpu.memory_space<semaphore_mem>>) {add = true}
    %dma_wait3A_557 = arith.constant 0 : i32
    %dma_wait3A_558 = arith.constant 0 : i32
    %dma_wait3A_559 = tpu.memref_slice %arg14[%dma_wait3A_557, %dma_wait3A_558] : memref<8192x128xf32, #tpu.memory_space<vmem_shared>> -> memref<8192x128xf32, #tpu.memory_space<vmem_shared>>
    tpu.wait_indirect_dma semaphore(%arg18 : memref<!tpu.dma_semaphore, #tpu.memory_space<semaphore_mem>>) src(%arg11 : memref<64x128xf32, #tpu.memory_space<vmem>>) dst(%dma_wait3A_559 : memref<8192x128xf32, #tpu.memory_space<vmem_shared>>)
    %dma_wait3A_560 = arith.constant 0 : i32
    %dma_wait3A_561 = arith.constant 0 : i32
    %dma_wait3A_562 = tpu.memref_slice %arg15[%dma_wait3A_560, %dma_wait3A_561] : memref<4112x128xf32, #tpu.memory_space<vmem_shared>> -> memref<4112x128xf32, #tpu.memory_space<vmem_shared>>
    tpu.wait_indirect_dma semaphore(%arg20 : memref<!tpu.dma_semaphore, #tpu.memory_space<semaphore_mem>>) src(%arg13 : memref<64x128xf32, #tpu.memory_space<vmem>>) dst(%dma_wait3A_562 : memref<4112x128xf32, #tpu.memory_space<vmem_shared>>)
    %get3A_563 = arith.constant 256 : index
    %get3A_564 = tpu.vector_load %arg6[%get3A_563] {strides = array<i32>} : memref<1024xi32, #tpu.memory_space<vmem>>, vector<16xi32>,
    %get3A_565 = vector.shape_cast %get3A_564 : vector<16xi32> to vector<16xi32>
    %swap3A_566 = arith.constant 0 : index
    %swap3A_567 = tpu.vector_load %arg7[%swap3A_566] {strides = array<i32>} : memref<64xi32, #tpu.memory_space<vmem>>, vector<16xi32>,
    %swap3A_568 = vector.shape_cast %swap3A_567 : vector<16xi32> to vector<16xi32>
    %swap3A_569 = vector.shape_cast %get3A_565 : vector<16xi32> to vector<16xi32>
    tpu.vector_store %arg7[%swap3A_566], %swap3A_569 {strides = array<i32>} : memref<64xi32, #tpu.memory_space<vmem>>, vector<16xi32>,
    %sub3A_570 = vector.broadcast %mul3A_2 : i32 to vector<16xi32>
    %sub3A_571 = arith.subi %get3A_565, %sub3A_570 : vector<16xi32>
    %ge3A_572 = arith.constant 0 : i32
    %ge3A_573 = vector.broadcast %ge3A_572 : i32 to vector<16xi32>
    %ge3A_574 = arith.cmpi sge, %sub3A_571, %ge3A_573 : vector<16xi32>
    %lt3A_575 = arith.constant 4096 : i32
    %lt3A_576 = vector.broadcast %lt3A_575 : i32 to vector<16xi32>
    %lt3A_577 = arith.cmpi slt, %sub3A_571, %lt3A_576 : vector<16xi32>
    %and3A_578 = arith.andi %ge3A_574, %lt3A_577 : vector<16xi1>
    %broadcast_in_dim3A_579 = vector.broadcast %add3A_5 : i32 to vector<16xi32>
    %select_n3A_580 = arith.select %and3A_578, %sub3A_571, %broadcast_in_dim3A_579 : vector<16xi1>, vector<16xi32>
    %swap3A_581 = arith.constant 0 : index
    %swap3A_582 = tpu.vector_load %arg9[%swap3A_581] {strides = array<i32>} : memref<64xi32, #tpu.memory_space<vmem>>, vector<16xi32>,
    %swap3A_583 = vector.shape_cast %swap3A_582 : vector<16xi32> to vector<16xi32>
    %swap3A_584 = vector.shape_cast %select_n3A_580 : vector<16xi32> to vector<16xi32>
    tpu.vector_store %arg9[%swap3A_581], %swap3A_584 {strides = array<i32>} : memref<64xi32, #tpu.memory_space<vmem>>, vector<16xi32>,
    %get3A_585 = arith.constant 272 : index
    %get3A_586 = tpu.vector_load %arg6[%get3A_585] {strides = array<i32>} : memref<1024xi32, #tpu.memory_space<vmem>>, vector<16xi32>,
    %get3A_587 = vector.shape_cast %get3A_586 : vector<16xi32> to vector<16xi32>
    %swap3A_588 = arith.constant 16 : index
    %swap3A_589 = tpu.vector_load %arg7[%swap3A_588] {strides = array<i32>} : memref<64xi32, #tpu.memory_space<vmem>>, vector<16xi32>,
    %swap3A_590 = vector.shape_cast %swap3A_589 : vector<16xi32> to vector<16xi32>
    %swap3A_591 = vector.shape_cast %get3A_587 : vector<16xi32> to vector<16xi32>
    tpu.vector_store %arg7[%swap3A_588], %swap3A_591 {strides = array<i32>} : memref<64xi32, #tpu.memory_space<vmem>>, vector<16xi32>,
    %sub3A_592 = vector.broadcast %mul3A_2 : i32 to vector<16xi32>
    %sub3A_593 = arith.subi %get3A_587, %sub3A_592 : vector<16xi32>
    %ge3A_594 = arith.constant 0 : i32
    %ge3A_595 = vector.broadcast %ge3A_594 : i32 to vector<16xi32>
    %ge3A_596 = arith.cmpi sge, %sub3A_593, %ge3A_595 : vector<16xi32>
    %lt3A_597 = arith.constant 4096 : i32
    %lt3A_598 = vector.broadcast %lt3A_597 : i32 to vector<16xi32>
    %lt3A_599 = arith.cmpi slt, %sub3A_593, %lt3A_598 : vector<16xi32>
    %and3A_600 = arith.andi %ge3A_596, %lt3A_599 : vector<16xi1>
    %broadcast_in_dim3A_601 = vector.broadcast %add3A_5 : i32 to vector<16xi32>
    %select_n3A_602 = arith.select %and3A_600, %sub3A_593, %broadcast_in_dim3A_601 : vector<16xi1>, vector<16xi32>
    %swap3A_603 = arith.constant 16 : index
    %swap3A_604 = tpu.vector_load %arg9[%swap3A_603] {strides = array<i32>} : memref<64xi32, #tpu.memory_space<vmem>>, vector<16xi32>,
    %swap3A_605 = vector.shape_cast %swap3A_604 : vector<16xi32> to vector<16xi32>
    %swap3A_606 = vector.shape_cast %select_n3A_602 : vector<16xi32> to vector<16xi32>
    tpu.vector_store %arg9[%swap3A_603], %swap3A_606 {strides = array<i32>} : memref<64xi32, #tpu.memory_space<vmem>>, vector<16xi32>,
    %get3A_607 = arith.constant 288 : index
    %get3A_608 = tpu.vector_load %arg6[%get3A_607] {strides = array<i32>} : memref<1024xi32, #tpu.memory_space<vmem>>, vector<16xi32>,
    %get3A_609 = vector.shape_cast %get3A_608 : vector<16xi32> to vector<16xi32>
    %swap3A_610 = arith.constant 32 : index
    %swap3A_611 = tpu.vector_load %arg7[%swap3A_610] {strides = array<i32>} : memref<64xi32, #tpu.memory_space<vmem>>, vector<16xi32>,
    %swap3A_612 = vector.shape_cast %swap3A_611 : vector<16xi32> to vector<16xi32>
    %swap3A_613 = vector.shape_cast %get3A_609 : vector<16xi32> to vector<16xi32>
    tpu.vector_store %arg7[%swap3A_610], %swap3A_613 {strides = array<i32>} : memref<64xi32, #tpu.memory_space<vmem>>, vector<16xi32>,
    %sub3A_614 = vector.broadcast %mul3A_2 : i32 to vector<16xi32>
    %sub3A_615 = arith.subi %get3A_609, %sub3A_614 : vector<16xi32>
    %ge3A_616 = arith.constant 0 : i32
    %ge3A_617 = vector.broadcast %ge3A_616 : i32 to vector<16xi32>
    %ge3A_618 = arith.cmpi sge, %sub3A_615, %ge3A_617 : vector<16xi32>
    %lt3A_619 = arith.constant 4096 : i32
    %lt3A_620 = vector.broadcast %lt3A_619 : i32 to vector<16xi32>
    %lt3A_621 = arith.cmpi slt, %sub3A_615, %lt3A_620 : vector<16xi32>
    %and3A_622 = arith.andi %ge3A_618, %lt3A_621 : vector<16xi1>
    %broadcast_in_dim3A_623 = vector.broadcast %add3A_5 : i32 to vector<16xi32>
    %select_n3A_624 = arith.select %and3A_622, %sub3A_615, %broadcast_in_dim3A_623 : vector<16xi1>, vector<16xi32>
    %swap3A_625 = arith.constant 32 : index
    %swap3A_626 = tpu.vector_load %arg9[%swap3A_625] {strides = array<i32>} : memref<64xi32, #tpu.memory_space<vmem>>, vector<16xi32>,
    %swap3A_627 = vector.shape_cast %swap3A_626 : vector<16xi32> to vector<16xi32>
    %swap3A_628 = vector.shape_cast %select_n3A_624 : vector<16xi32> to vector<16xi32>
    tpu.vector_store %arg9[%swap3A_625], %swap3A_628 {strides = array<i32>} : memref<64xi32, #tpu.memory_space<vmem>>, vector<16xi32>,
    %get3A_629 = arith.constant 304 : index
    %get3A_630 = tpu.vector_load %arg6[%get3A_629] {strides = array<i32>} : memref<1024xi32, #tpu.memory_space<vmem>>, vector<16xi32>,
    %get3A_631 = vector.shape_cast %get3A_630 : vector<16xi32> to vector<16xi32>
    %swap3A_632 = arith.constant 48 : index
    %swap3A_633 = tpu.vector_load %arg7[%swap3A_632] {strides = array<i32>} : memref<64xi32, #tpu.memory_space<vmem>>, vector<16xi32>,
    %swap3A_634 = vector.shape_cast %swap3A_633 : vector<16xi32> to vector<16xi32>
    %swap3A_635 = vector.shape_cast %get3A_631 : vector<16xi32> to vector<16xi32>
    tpu.vector_store %arg7[%swap3A_632], %swap3A_635 {strides = array<i32>} : memref<64xi32, #tpu.memory_space<vmem>>, vector<16xi32>,
    %sub3A_636 = vector.broadcast %mul3A_2 : i32 to vector<16xi32>
    %sub3A_637 = arith.subi %get3A_631, %sub3A_636 : vector<16xi32>
    %ge3A_638 = arith.constant 0 : i32
    %ge3A_639 = vector.broadcast %ge3A_638 : i32 to vector<16xi32>
    %ge3A_640 = arith.cmpi sge, %sub3A_637, %ge3A_639 : vector<16xi32>
    %lt3A_641 = arith.constant 4096 : i32
    %lt3A_642 = vector.broadcast %lt3A_641 : i32 to vector<16xi32>
    %lt3A_643 = arith.cmpi slt, %sub3A_637, %lt3A_642 : vector<16xi32>
    %and3A_644 = arith.andi %ge3A_640, %lt3A_643 : vector<16xi1>
    %broadcast_in_dim3A_645 = vector.broadcast %add3A_5 : i32 to vector<16xi32>
    %select_n3A_646 = arith.select %and3A_644, %sub3A_637, %broadcast_in_dim3A_645 : vector<16xi1>, vector<16xi32>
    %swap3A_647 = arith.constant 48 : index
    %swap3A_648 = tpu.vector_load %arg9[%swap3A_647] {strides = array<i32>} : memref<64xi32, #tpu.memory_space<vmem>>, vector<16xi32>,
    %swap3A_649 = vector.shape_cast %swap3A_648 : vector<16xi32> to vector<16xi32>
    %swap3A_650 = vector.shape_cast %select_n3A_646 : vector<16xi32> to vector<16xi32>
    tpu.vector_store %arg9[%swap3A_647], %swap3A_650 {strides = array<i32>} : memref<64xi32, #tpu.memory_space<vmem>>, vector<16xi32>,
    %add3A_651 = arith.constant 256 : i32
    %add3A_652 = arith.addi %mul3A_4, %add3A_651 : i32
    %dma_start3A_653 = tpu.memref_slice %arg2[%add3A_652, %mul3A_0] : memref<16384x256xf32, #tpu.memory_space<hbm>> -> memref<64x128xf32, #tpu.memory_space<hbm>>
    %dma_start3A_654 = tpu.memref_slice %arg2[%add3A_652, %mul3A_0] : memref<16384x256xf32, #tpu.memory_space<hbm>> -> memref<64x128xf32, #tpu.memory_space<hbm>>
    tpu.enqueue_dma source(%dma_start3A_654 : memref<64x128xf32, #tpu.memory_space<hbm>>) target(%arg11 : memref<64x128xf32, #tpu.memory_space<vmem>>) target_semaphore(%arg16 : memref<!tpu.dma_semaphore, #tpu.memory_space<semaphore_mem>>)
    %dma_wait3A_655 = tpu.memref_slice %arg2[%add3A_546, %mul3A_0] : memref<16384x256xf32, #tpu.memory_space<hbm>> -> memref<64x128xf32, #tpu.memory_space<hbm>>
    %dma_wait3A_656 = tpu.memref_slice %arg2[%add3A_546, %mul3A_0] : memref<16384x256xf32, #tpu.memory_space<hbm>> -> memref<64x128xf32, #tpu.memory_space<hbm>>
    tpu.wait_dma2 semaphore(%arg17 : memref<!tpu.dma_semaphore, #tpu.memory_space<semaphore_mem>>) src(%dma_wait3A_656 : memref<64x128xf32, #tpu.memory_space<hbm>>) dst(%arg12 : memref<64x128xf32, #tpu.memory_space<vmem>>)
    %dma_start3A_657 = arith.constant 0 : i32
    %dma_start3A_658 = arith.constant 0 : i32
    %dma_start3A_659 = tpu.memref_slice %arg14[%dma_start3A_657, %dma_start3A_658] : memref<8192x128xf32, #tpu.memory_space<vmem_shared>> -> memref<8192x128xf32, #tpu.memory_space<vmem_shared>>
    tpu.enqueue_indirect_dma source(%arg12 : memref<64x128xf32, #tpu.memory_space<vmem>>) target(%dma_start3A_659 : memref<8192x128xf32, #tpu.memory_space<vmem_shared>>) offsets(%arg8 : memref<64xi32, #tpu.memory_space<vmem>>) semaphore(%arg19 : memref<!tpu.dma_semaphore, #tpu.memory_space<semaphore_mem>>) {add = true}
    %dma_start3A_660 = arith.constant 0 : i32
    %dma_start3A_661 = arith.constant 0 : i32
    %dma_start3A_662 = tpu.memref_slice %arg15[%dma_start3A_660, %dma_start3A_661] : memref<4112x128xf32, #tpu.memory_space<vmem_shared>> -> memref<4112x128xf32, #tpu.memory_space<vmem_shared>>
    tpu.enqueue_indirect_dma source(%arg13 : memref<64x128xf32, #tpu.memory_space<vmem>>) target(%dma_start3A_662 : memref<4112x128xf32, #tpu.memory_space<vmem_shared>>) offsets(%arg10 : memref<64xi32, #tpu.memory_space<vmem>>) semaphore(%arg21 : memref<!tpu.dma_semaphore, #tpu.memory_space<semaphore_mem>>) {add = true}
    %dma_wait3A_663 = arith.constant 0 : i32
    %dma_wait3A_664 = arith.constant 0 : i32
    %dma_wait3A_665 = tpu.memref_slice %arg14[%dma_wait3A_663, %dma_wait3A_664] : memref<8192x128xf32, #tpu.memory_space<vmem_shared>> -> memref<8192x128xf32, #tpu.memory_space<vmem_shared>>
    tpu.wait_indirect_dma semaphore(%arg19 : memref<!tpu.dma_semaphore, #tpu.memory_space<semaphore_mem>>) src(%arg12 : memref<64x128xf32, #tpu.memory_space<vmem>>) dst(%dma_wait3A_665 : memref<8192x128xf32, #tpu.memory_space<vmem_shared>>)
    %dma_wait3A_666 = arith.constant 0 : i32
    %dma_wait3A_667 = arith.constant 0 : i32
    %dma_wait3A_668 = tpu.memref_slice %arg15[%dma_wait3A_666, %dma_wait3A_667] : memref<4112x128xf32, #tpu.memory_space<vmem_shared>> -> memref<4112x128xf32, #tpu.memory_space<vmem_shared>>
    tpu.wait_indirect_dma semaphore(%arg21 : memref<!tpu.dma_semaphore, #tpu.memory_space<semaphore_mem>>) src(%arg13 : memref<64x128xf32, #tpu.memory_space<vmem>>) dst(%dma_wait3A_668 : memref<4112x128xf32, #tpu.memory_space<vmem_shared>>)
    %get3A_669 = arith.constant 320 : index
    %get3A_670 = tpu.vector_load %arg6[%get3A_669] {strides = array<i32>} : memref<1024xi32, #tpu.memory_space<vmem>>, vector<16xi32>,
    %get3A_671 = vector.shape_cast %get3A_670 : vector<16xi32> to vector<16xi32>
    %swap3A_672 = arith.constant 0 : index
    %swap3A_673 = tpu.vector_load %arg8[%swap3A_672] {strides = array<i32>} : memref<64xi32, #tpu.memory_space<vmem>>, vector<16xi32>,
    %swap3A_674 = vector.shape_cast %swap3A_673 : vector<16xi32> to vector<16xi32>
    %swap3A_675 = vector.shape_cast %get3A_671 : vector<16xi32> to vector<16xi32>
    tpu.vector_store %arg8[%swap3A_672], %swap3A_675 {strides = array<i32>} : memref<64xi32, #tpu.memory_space<vmem>>, vector<16xi32>,
    %sub3A_676 = vector.broadcast %mul3A_2 : i32 to vector<16xi32>
    %sub3A_677 = arith.subi %get3A_671, %sub3A_676 : vector<16xi32>
    %ge3A_678 = arith.constant 0 : i32
    %ge3A_679 = vector.broadcast %ge3A_678 : i32 to vector<16xi32>
    %ge3A_680 = arith.cmpi sge, %sub3A_677, %ge3A_679 : vector<16xi32>
    %lt3A_681 = arith.constant 4096 : i32
    %lt3A_682 = vector.broadcast %lt3A_681 : i32 to vector<16xi32>
    %lt3A_683 = arith.cmpi slt, %sub3A_677, %lt3A_682 : vector<16xi32>
    %and3A_684 = arith.andi %ge3A_680, %lt3A_683 : vector<16xi1>
    %broadcast_in_dim3A_685 = vector.broadcast %add3A_5 : i32 to vector<16xi32>
    %select_n3A_686 = arith.select %and3A_684, %sub3A_677, %broadcast_in_dim3A_685 : vector<16xi1>, vector<16xi32>
    %swap3A_687 = arith.constant 0 : index
    %swap3A_688 = tpu.vector_load %arg10[%swap3A_687] {strides = array<i32>} : memref<64xi32, #tpu.memory_space<vmem>>, vector<16xi32>,
    %swap3A_689 = vector.shape_cast %swap3A_688 : vector<16xi32> to vector<16xi32>
    %swap3A_690 = vector.shape_cast %select_n3A_686 : vector<16xi32> to vector<16xi32>
    tpu.vector_store %arg10[%swap3A_687], %swap3A_690 {strides = array<i32>} : memref<64xi32, #tpu.memory_space<vmem>>, vector<16xi32>,
    %get3A_691 = arith.constant 336 : index
    %get3A_692 = tpu.vector_load %arg6[%get3A_691] {strides = array<i32>} : memref<1024xi32, #tpu.memory_space<vmem>>, vector<16xi32>,
    %get3A_693 = vector.shape_cast %get3A_692 : vector<16xi32> to vector<16xi32>
    %swap3A_694 = arith.constant 16 : index
    %swap3A_695 = tpu.vector_load %arg8[%swap3A_694] {strides = array<i32>} : memref<64xi32, #tpu.memory_space<vmem>>, vector<16xi32>,
    %swap3A_696 = vector.shape_cast %swap3A_695 : vector<16xi32> to vector<16xi32>
    %swap3A_697 = vector.shape_cast %get3A_693 : vector<16xi32> to vector<16xi32>
    tpu.vector_store %arg8[%swap3A_694], %swap3A_697 {strides = array<i32>} : memref<64xi32, #tpu.memory_space<vmem>>, vector<16xi32>,
    %sub3A_698 = vector.broadcast %mul3A_2 : i32 to vector<16xi32>
    %sub3A_699 = arith.subi %get3A_693, %sub3A_698 : vector<16xi32>
    %ge3A_700 = arith.constant 0 : i32
    %ge3A_701 = vector.broadcast %ge3A_700 : i32 to vector<16xi32>
    %ge3A_702 = arith.cmpi sge, %sub3A_699, %ge3A_701 : vector<16xi32>
    %lt3A_703 = arith.constant 4096 : i32
    %lt3A_704 = vector.broadcast %lt3A_703 : i32 to vector<16xi32>
    %lt3A_705 = arith.cmpi slt, %sub3A_699, %lt3A_704 : vector<16xi32>
    %and3A_706 = arith.andi %ge3A_702, %lt3A_705 : vector<16xi1>
    %broadcast_in_dim3A_707 = vector.broadcast %add3A_5 : i32 to vector<16xi32>
    %select_n3A_708 = arith.select %and3A_706, %sub3A_699, %broadcast_in_dim3A_707 : vector<16xi1>, vector<16xi32>
    %swap3A_709 = arith.constant 16 : index
    %swap3A_710 = tpu.vector_load %arg10[%swap3A_709] {strides = array<i32>} : memref<64xi32, #tpu.memory_space<vmem>>, vector<16xi32>,
    %swap3A_711 = vector.shape_cast %swap3A_710 : vector<16xi32> to vector<16xi32>
    %swap3A_712 = vector.shape_cast %select_n3A_708 : vector<16xi32> to vector<16xi32>
    tpu.vector_store %arg10[%swap3A_709], %swap3A_712 {strides = array<i32>} : memref<64xi32, #tpu.memory_space<vmem>>, vector<16xi32>,
    %get3A_713 = arith.constant 352 : index
    %get3A_714 = tpu.vector_load %arg6[%get3A_713] {strides = array<i32>} : memref<1024xi32, #tpu.memory_space<vmem>>, vector<16xi32>,
    %get3A_715 = vector.shape_cast %get3A_714 : vector<16xi32> to vector<16xi32>
    %swap3A_716 = arith.constant 32 : index
    %swap3A_717 = tpu.vector_load %arg8[%swap3A_716] {strides = array<i32>} : memref<64xi32, #tpu.memory_space<vmem>>, vector<16xi32>,
    %swap3A_718 = vector.shape_cast %swap3A_717 : vector<16xi32> to vector<16xi32>
    %swap3A_719 = vector.shape_cast %get3A_715 : vector<16xi32> to vector<16xi32>
    tpu.vector_store %arg8[%swap3A_716], %swap3A_719 {strides = array<i32>} : memref<64xi32, #tpu.memory_space<vmem>>, vector<16xi32>,
    %sub3A_720 = vector.broadcast %mul3A_2 : i32 to vector<16xi32>
    %sub3A_721 = arith.subi %get3A_715, %sub3A_720 : vector<16xi32>
    %ge3A_722 = arith.constant 0 : i32
    %ge3A_723 = vector.broadcast %ge3A_722 : i32 to vector<16xi32>
    %ge3A_724 = arith.cmpi sge, %sub3A_721, %ge3A_723 : vector<16xi32>
    %lt3A_725 = arith.constant 4096 : i32
    %lt3A_726 = vector.broadcast %lt3A_725 : i32 to vector<16xi32>
    %lt3A_727 = arith.cmpi slt, %sub3A_721, %lt3A_726 : vector<16xi32>
    %and3A_728 = arith.andi %ge3A_724, %lt3A_727 : vector<16xi1>
    %broadcast_in_dim3A_729 = vector.broadcast %add3A_5 : i32 to vector<16xi32>
    %select_n3A_730 = arith.select %and3A_728, %sub3A_721, %broadcast_in_dim3A_729 : vector<16xi1>, vector<16xi32>
    %swap3A_731 = arith.constant 32 : index
    %swap3A_732 = tpu.vector_load %arg10[%swap3A_731] {strides = array<i32>} : memref<64xi32, #tpu.memory_space<vmem>>, vector<16xi32>,
    %swap3A_733 = vector.shape_cast %swap3A_732 : vector<16xi32> to vector<16xi32>
    %swap3A_734 = vector.shape_cast %select_n3A_730 : vector<16xi32> to vector<16xi32>
    tpu.vector_store %arg10[%swap3A_731], %swap3A_734 {strides = array<i32>} : memref<64xi32, #tpu.memory_space<vmem>>, vector<16xi32>,
    %get3A_735 = arith.constant 368 : index
    %get3A_736 = tpu.vector_load %arg6[%get3A_735] {strides = array<i32>} : memref<1024xi32, #tpu.memory_space<vmem>>, vector<16xi32>,
    %get3A_737 = vector.shape_cast %get3A_736 : vector<16xi32> to vector<16xi32>
    %swap3A_738 = arith.constant 48 : index
    %swap3A_739 = tpu.vector_load %arg8[%swap3A_738] {strides = array<i32>} : memref<64xi32, #tpu.memory_space<vmem>>, vector<16xi32>,
    %swap3A_740 = vector.shape_cast %swap3A_739 : vector<16xi32> to vector<16xi32>
    %swap3A_741 = vector.shape_cast %get3A_737 : vector<16xi32> to vector<16xi32>
    tpu.vector_store %arg8[%swap3A_738], %swap3A_741 {strides = array<i32>} : memref<64xi32, #tpu.memory_space<vmem>>, vector<16xi32>,
    %sub3A_742 = vector.broadcast %mul3A_2 : i32 to vector<16xi32>
    %sub3A_743 = arith.subi %get3A_737, %sub3A_742 : vector<16xi32>
    %ge3A_744 = arith.constant 0 : i32
    %ge3A_745 = vector.broadcast %ge3A_744 : i32 to vector<16xi32>
    %ge3A_746 = arith.cmpi sge, %sub3A_743, %ge3A_745 : vector<16xi32>
    %lt3A_747 = arith.constant 4096 : i32
    %lt3A_748 = vector.broadcast %lt3A_747 : i32 to vector<16xi32>
    %lt3A_749 = arith.cmpi slt, %sub3A_743, %lt3A_748 : vector<16xi32>
    %and3A_750 = arith.andi %ge3A_746, %lt3A_749 : vector<16xi1>
    %broadcast_in_dim3A_751 = vector.broadcast %add3A_5 : i32 to vector<16xi32>
    %select_n3A_752 = arith.select %and3A_750, %sub3A_743, %broadcast_in_dim3A_751 : vector<16xi1>, vector<16xi32>
    %swap3A_753 = arith.constant 48 : index
    %swap3A_754 = tpu.vector_load %arg10[%swap3A_753] {strides = array<i32>} : memref<64xi32, #tpu.memory_space<vmem>>, vector<16xi32>,
    %swap3A_755 = vector.shape_cast %swap3A_754 : vector<16xi32> to vector<16xi32>
    %swap3A_756 = vector.shape_cast %select_n3A_752 : vector<16xi32> to vector<16xi32>
    tpu.vector_store %arg10[%swap3A_753], %swap3A_756 {strides = array<i32>} : memref<64xi32, #tpu.memory_space<vmem>>, vector<16xi32>,
    %add3A_757 = arith.constant 320 : i32
    %add3A_758 = arith.addi %mul3A_4, %add3A_757 : i32
    %dma_start3A_759 = tpu.memref_slice %arg2[%add3A_758, %mul3A_0] : memref<16384x256xf32, #tpu.memory_space<hbm>> -> memref<64x128xf32, #tpu.memory_space<hbm>>
    %dma_start3A_760 = tpu.memref_slice %arg2[%add3A_758, %mul3A_0] : memref<16384x256xf32, #tpu.memory_space<hbm>> -> memref<64x128xf32, #tpu.memory_space<hbm>>
    tpu.enqueue_dma source(%dma_start3A_760 : memref<64x128xf32, #tpu.memory_space<hbm>>) target(%arg12 : memref<64x128xf32, #tpu.memory_space<vmem>>) target_semaphore(%arg17 : memref<!tpu.dma_semaphore, #tpu.memory_space<semaphore_mem>>)
    %dma_wait3A_761 = tpu.memref_slice %arg2[%add3A_652, %mul3A_0] : memref<16384x256xf32, #tpu.memory_space<hbm>> -> memref<64x128xf32, #tpu.memory_space<hbm>>
    %dma_wait3A_762 = tpu.memref_slice %arg2[%add3A_652, %mul3A_0] : memref<16384x256xf32, #tpu.memory_space<hbm>> -> memref<64x128xf32, #tpu.memory_space<hbm>>
    tpu.wait_dma2 semaphore(%arg16 : memref<!tpu.dma_semaphore, #tpu.memory_space<semaphore_mem>>) src(%dma_wait3A_762 : memref<64x128xf32, #tpu.memory_space<hbm>>) dst(%arg11 : memref<64x128xf32, #tpu.memory_space<vmem>>)
    %dma_start3A_763 = arith.constant 0 : i32
    %dma_start3A_764 = arith.constant 0 : i32
    %dma_start3A_765 = tpu.memref_slice %arg14[%dma_start3A_763, %dma_start3A_764] : memref<8192x128xf32, #tpu.memory_space<vmem_shared>> -> memref<8192x128xf32, #tpu.memory_space<vmem_shared>>
    tpu.enqueue_indirect_dma source(%arg11 : memref<64x128xf32, #tpu.memory_space<vmem>>) target(%dma_start3A_765 : memref<8192x128xf32, #tpu.memory_space<vmem_shared>>) offsets(%arg7 : memref<64xi32, #tpu.memory_space<vmem>>) semaphore(%arg18 : memref<!tpu.dma_semaphore, #tpu.memory_space<semaphore_mem>>) {add = true}
    %dma_start3A_766 = arith.constant 0 : i32
    %dma_start3A_767 = arith.constant 0 : i32
    %dma_start3A_768 = tpu.memref_slice %arg15[%dma_start3A_766, %dma_start3A_767] : memref<4112x128xf32, #tpu.memory_space<vmem_shared>> -> memref<4112x128xf32, #tpu.memory_space<vmem_shared>>
    tpu.enqueue_indirect_dma source(%arg13 : memref<64x128xf32, #tpu.memory_space<vmem>>) target(%dma_start3A_768 : memref<4112x128xf32, #tpu.memory_space<vmem_shared>>) offsets(%arg9 : memref<64xi32, #tpu.memory_space<vmem>>) semaphore(%arg20 : memref<!tpu.dma_semaphore, #tpu.memory_space<semaphore_mem>>) {add = true}
    %dma_wait3A_769 = arith.constant 0 : i32
    %dma_wait3A_770 = arith.constant 0 : i32
    %dma_wait3A_771 = tpu.memref_slice %arg14[%dma_wait3A_769, %dma_wait3A_770] : memref<8192x128xf32, #tpu.memory_space<vmem_shared>> -> memref<8192x128xf32, #tpu.memory_space<vmem_shared>>
    tpu.wait_indirect_dma semaphore(%arg18 : memref<!tpu.dma_semaphore, #tpu.memory_space<semaphore_mem>>) src(%arg11 : memref<64x128xf32, #tpu.memory_space<vmem>>) dst(%dma_wait3A_771 : memref<8192x128xf32, #tpu.memory_space<vmem_shared>>)
    %dma_wait3A_772 = arith.constant 0 : i32
    %dma_wait3A_773 = arith.constant 0 : i32
    %dma_wait3A_774 = tpu.memref_slice %arg15[%dma_wait3A_772, %dma_wait3A_773] : memref<4112x128xf32, #tpu.memory_space<vmem_shared>> -> memref<4112x128xf32, #tpu.memory_space<vmem_shared>>
    tpu.wait_indirect_dma semaphore(%arg20 : memref<!tpu.dma_semaphore, #tpu.memory_space<semaphore_mem>>) src(%arg13 : memref<64x128xf32, #tpu.memory_space<vmem>>) dst(%dma_wait3A_774 : memref<4112x128xf32, #tpu.memory_space<vmem_shared>>)
    %get3A_775 = arith.constant 384 : index
    %get3A_776 = tpu.vector_load %arg6[%get3A_775] {strides = array<i32>} : memref<1024xi32, #tpu.memory_space<vmem>>, vector<16xi32>,
    %get3A_777 = vector.shape_cast %get3A_776 : vector<16xi32> to vector<16xi32>
    %swap3A_778 = arith.constant 0 : index
    %swap3A_779 = tpu.vector_load %arg7[%swap3A_778] {strides = array<i32>} : memref<64xi32, #tpu.memory_space<vmem>>, vector<16xi32>,
    %swap3A_780 = vector.shape_cast %swap3A_779 : vector<16xi32> to vector<16xi32>
    %swap3A_781 = vector.shape_cast %get3A_777 : vector<16xi32> to vector<16xi32>
    tpu.vector_store %arg7[%swap3A_778], %swap3A_781 {strides = array<i32>} : memref<64xi32, #tpu.memory_space<vmem>>, vector<16xi32>,
    %sub3A_782 = vector.broadcast %mul3A_2 : i32 to vector<16xi32>
    %sub3A_783 = arith.subi %get3A_777, %sub3A_782 : vector<16xi32>
    %ge3A_784 = arith.constant 0 : i32
    %ge3A_785 = vector.broadcast %ge3A_784 : i32 to vector<16xi32>
    %ge3A_786 = arith.cmpi sge, %sub3A_783, %ge3A_785 : vector<16xi32>
    %lt3A_787 = arith.constant 4096 : i32
    %lt3A_788 = vector.broadcast %lt3A_787 : i32 to vector<16xi32>
    %lt3A_789 = arith.cmpi slt, %sub3A_783, %lt3A_788 : vector<16xi32>
    %and3A_790 = arith.andi %ge3A_786, %lt3A_789 : vector<16xi1>
    %broadcast_in_dim3A_791 = vector.broadcast %add3A_5 : i32 to vector<16xi32>
    %select_n3A_792 = arith.select %and3A_790, %sub3A_783, %broadcast_in_dim3A_791 : vector<16xi1>, vector<16xi32>
    %swap3A_793 = arith.constant 0 : index
    %swap3A_794 = tpu.vector_load %arg9[%swap3A_793] {strides = array<i32>} : memref<64xi32, #tpu.memory_space<vmem>>, vector<16xi32>,
    %swap3A_795 = vector.shape_cast %swap3A_794 : vector<16xi32> to vector<16xi32>
    %swap3A_796 = vector.shape_cast %select_n3A_792 : vector<16xi32> to vector<16xi32>
    tpu.vector_store %arg9[%swap3A_793], %swap3A_796 {strides = array<i32>} : memref<64xi32, #tpu.memory_space<vmem>>, vector<16xi32>,
    %get3A_797 = arith.constant 400 : index
    %get3A_798 = tpu.vector_load %arg6[%get3A_797] {strides = array<i32>} : memref<1024xi32, #tpu.memory_space<vmem>>, vector<16xi32>,
    %get3A_799 = vector.shape_cast %get3A_798 : vector<16xi32> to vector<16xi32>
    %swap3A_800 = arith.constant 16 : index
    %swap3A_801 = tpu.vector_load %arg7[%swap3A_800] {strides = array<i32>} : memref<64xi32, #tpu.memory_space<vmem>>, vector<16xi32>,
    %swap3A_802 = vector.shape_cast %swap3A_801 : vector<16xi32> to vector<16xi32>
    %swap3A_803 = vector.shape_cast %get3A_799 : vector<16xi32> to vector<16xi32>
    tpu.vector_store %arg7[%swap3A_800], %swap3A_803 {strides = array<i32>} : memref<64xi32, #tpu.memory_space<vmem>>, vector<16xi32>,
    %sub3A_804 = vector.broadcast %mul3A_2 : i32 to vector<16xi32>
    %sub3A_805 = arith.subi %get3A_799, %sub3A_804 : vector<16xi32>
    %ge3A_806 = arith.constant 0 : i32
    %ge3A_807 = vector.broadcast %ge3A_806 : i32 to vector<16xi32>
    %ge3A_808 = arith.cmpi sge, %sub3A_805, %ge3A_807 : vector<16xi32>
    %lt3A_809 = arith.constant 4096 : i32
    %lt3A_810 = vector.broadcast %lt3A_809 : i32 to vector<16xi32>
    %lt3A_811 = arith.cmpi slt, %sub3A_805, %lt3A_810 : vector<16xi32>
    %and3A_812 = arith.andi %ge3A_808, %lt3A_811 : vector<16xi1>
    %broadcast_in_dim3A_813 = vector.broadcast %add3A_5 : i32 to vector<16xi32>
    %select_n3A_814 = arith.select %and3A_812, %sub3A_805, %broadcast_in_dim3A_813 : vector<16xi1>, vector<16xi32>
    %swap3A_815 = arith.constant 16 : index
    %swap3A_816 = tpu.vector_load %arg9[%swap3A_815] {strides = array<i32>} : memref<64xi32, #tpu.memory_space<vmem>>, vector<16xi32>,
    %swap3A_817 = vector.shape_cast %swap3A_816 : vector<16xi32> to vector<16xi32>
    %swap3A_818 = vector.shape_cast %select_n3A_814 : vector<16xi32> to vector<16xi32>
    tpu.vector_store %arg9[%swap3A_815], %swap3A_818 {strides = array<i32>} : memref<64xi32, #tpu.memory_space<vmem>>, vector<16xi32>,
    %get3A_819 = arith.constant 416 : index
    %get3A_820 = tpu.vector_load %arg6[%get3A_819] {strides = array<i32>} : memref<1024xi32, #tpu.memory_space<vmem>>, vector<16xi32>,
    %get3A_821 = vector.shape_cast %get3A_820 : vector<16xi32> to vector<16xi32>
    %swap3A_822 = arith.constant 32 : index
    %swap3A_823 = tpu.vector_load %arg7[%swap3A_822] {strides = array<i32>} : memref<64xi32, #tpu.memory_space<vmem>>, vector<16xi32>,
    %swap3A_824 = vector.shape_cast %swap3A_823 : vector<16xi32> to vector<16xi32>
    %swap3A_825 = vector.shape_cast %get3A_821 : vector<16xi32> to vector<16xi32>
    tpu.vector_store %arg7[%swap3A_822], %swap3A_825 {strides = array<i32>} : memref<64xi32, #tpu.memory_space<vmem>>, vector<16xi32>,
    %sub3A_826 = vector.broadcast %mul3A_2 : i32 to vector<16xi32>
    %sub3A_827 = arith.subi %get3A_821, %sub3A_826 : vector<16xi32>
    %ge3A_828 = arith.constant 0 : i32
    %ge3A_829 = vector.broadcast %ge3A_828 : i32 to vector<16xi32>
    %ge3A_830 = arith.cmpi sge, %sub3A_827, %ge3A_829 : vector<16xi32>
    %lt3A_831 = arith.constant 4096 : i32
    %lt3A_832 = vector.broadcast %lt3A_831 : i32 to vector<16xi32>
    %lt3A_833 = arith.cmpi slt, %sub3A_827, %lt3A_832 : vector<16xi32>
    %and3A_834 = arith.andi %ge3A_830, %lt3A_833 : vector<16xi1>
    %broadcast_in_dim3A_835 = vector.broadcast %add3A_5 : i32 to vector<16xi32>
    %select_n3A_836 = arith.select %and3A_834, %sub3A_827, %broadcast_in_dim3A_835 : vector<16xi1>, vector<16xi32>
    %swap3A_837 = arith.constant 32 : index
    %swap3A_838 = tpu.vector_load %arg9[%swap3A_837] {strides = array<i32>} : memref<64xi32, #tpu.memory_space<vmem>>, vector<16xi32>,
    %swap3A_839 = vector.shape_cast %swap3A_838 : vector<16xi32> to vector<16xi32>
    %swap3A_840 = vector.shape_cast %select_n3A_836 : vector<16xi32> to vector<16xi32>
    tpu.vector_store %arg9[%swap3A_837], %swap3A_840 {strides = array<i32>} : memref<64xi32, #tpu.memory_space<vmem>>, vector<16xi32>,
    %get3A_841 = arith.constant 432 : index
    %get3A_842 = tpu.vector_load %arg6[%get3A_841] {strides = array<i32>} : memref<1024xi32, #tpu.memory_space<vmem>>, vector<16xi32>,
    %get3A_843 = vector.shape_cast %get3A_842 : vector<16xi32> to vector<16xi32>
    %swap3A_844 = arith.constant 48 : index
    %swap3A_845 = tpu.vector_load %arg7[%swap3A_844] {strides = array<i32>} : memref<64xi32, #tpu.memory_space<vmem>>, vector<16xi32>,
    %swap3A_846 = vector.shape_cast %swap3A_845 : vector<16xi32> to vector<16xi32>
    %swap3A_847 = vector.shape_cast %get3A_843 : vector<16xi32> to vector<16xi32>
    tpu.vector_store %arg7[%swap3A_844], %swap3A_847 {strides = array<i32>} : memref<64xi32, #tpu.memory_space<vmem>>, vector<16xi32>,
    %sub3A_848 = vector.broadcast %mul3A_2 : i32 to vector<16xi32>
    %sub3A_849 = arith.subi %get3A_843, %sub3A_848 : vector<16xi32>
    %ge3A_850 = arith.constant 0 : i32
    %ge3A_851 = vector.broadcast %ge3A_850 : i32 to vector<16xi32>
    %ge3A_852 = arith.cmpi sge, %sub3A_849, %ge3A_851 : vector<16xi32>
    %lt3A_853 = arith.constant 4096 : i32
    %lt3A_854 = vector.broadcast %lt3A_853 : i32 to vector<16xi32>
    %lt3A_855 = arith.cmpi slt, %sub3A_849, %lt3A_854 : vector<16xi32>
    %and3A_856 = arith.andi %ge3A_852, %lt3A_855 : vector<16xi1>
    %broadcast_in_dim3A_857 = vector.broadcast %add3A_5 : i32 to vector<16xi32>
    %select_n3A_858 = arith.select %and3A_856, %sub3A_849, %broadcast_in_dim3A_857 : vector<16xi1>, vector<16xi32>
    %swap3A_859 = arith.constant 48 : index
    %swap3A_860 = tpu.vector_load %arg9[%swap3A_859] {strides = array<i32>} : memref<64xi32, #tpu.memory_space<vmem>>, vector<16xi32>,
    %swap3A_861 = vector.shape_cast %swap3A_860 : vector<16xi32> to vector<16xi32>
    %swap3A_862 = vector.shape_cast %select_n3A_858 : vector<16xi32> to vector<16xi32>
    tpu.vector_store %arg9[%swap3A_859], %swap3A_862 {strides = array<i32>} : memref<64xi32, #tpu.memory_space<vmem>>, vector<16xi32>,
    %add3A_863 = arith.constant 384 : i32
    %add3A_864 = arith.addi %mul3A_4, %add3A_863 : i32
    %dma_start3A_865 = tpu.memref_slice %arg2[%add3A_864, %mul3A_0] : memref<16384x256xf32, #tpu.memory_space<hbm>> -> memref<64x128xf32, #tpu.memory_space<hbm>>
    %dma_start3A_866 = tpu.memref_slice %arg2[%add3A_864, %mul3A_0] : memref<16384x256xf32, #tpu.memory_space<hbm>> -> memref<64x128xf32, #tpu.memory_space<hbm>>
    tpu.enqueue_dma source(%dma_start3A_866 : memref<64x128xf32, #tpu.memory_space<hbm>>) target(%arg11 : memref<64x128xf32, #tpu.memory_space<vmem>>) target_semaphore(%arg16 : memref<!tpu.dma_semaphore, #tpu.memory_space<semaphore_mem>>)
    %dma_wait3A_867 = tpu.memref_slice %arg2[%add3A_758, %mul3A_0] : memref<16384x256xf32, #tpu.memory_space<hbm>> -> memref<64x128xf32, #tpu.memory_space<hbm>>
    %dma_wait3A_868 = tpu.memref_slice %arg2[%add3A_758, %mul3A_0] : memref<16384x256xf32, #tpu.memory_space<hbm>> -> memref<64x128xf32, #tpu.memory_space<hbm>>
    tpu.wait_dma2 semaphore(%arg17 : memref<!tpu.dma_semaphore, #tpu.memory_space<semaphore_mem>>) src(%dma_wait3A_868 : memref<64x128xf32, #tpu.memory_space<hbm>>) dst(%arg12 : memref<64x128xf32, #tpu.memory_space<vmem>>)
    %dma_start3A_869 = arith.constant 0 : i32
    %dma_start3A_870 = arith.constant 0 : i32
    %dma_start3A_871 = tpu.memref_slice %arg14[%dma_start3A_869, %dma_start3A_870] : memref<8192x128xf32, #tpu.memory_space<vmem_shared>> -> memref<8192x128xf32, #tpu.memory_space<vmem_shared>>
    tpu.enqueue_indirect_dma source(%arg12 : memref<64x128xf32, #tpu.memory_space<vmem>>) target(%dma_start3A_871 : memref<8192x128xf32, #tpu.memory_space<vmem_shared>>) offsets(%arg8 : memref<64xi32, #tpu.memory_space<vmem>>) semaphore(%arg19 : memref<!tpu.dma_semaphore, #tpu.memory_space<semaphore_mem>>) {add = true}
    %dma_start3A_872 = arith.constant 0 : i32
    %dma_start3A_873 = arith.constant 0 : i32
    %dma_start3A_874 = tpu.memref_slice %arg15[%dma_start3A_872, %dma_start3A_873] : memref<4112x128xf32, #tpu.memory_space<vmem_shared>> -> memref<4112x128xf32, #tpu.memory_space<vmem_shared>>
    tpu.enqueue_indirect_dma source(%arg13 : memref<64x128xf32, #tpu.memory_space<vmem>>) target(%dma_start3A_874 : memref<4112x128xf32, #tpu.memory_space<vmem_shared>>) offsets(%arg10 : memref<64xi32, #tpu.memory_space<vmem>>) semaphore(%arg21 : memref<!tpu.dma_semaphore, #tpu.memory_space<semaphore_mem>>) {add = true}
    %dma_wait3A_875 = arith.constant 0 : i32
    %dma_wait3A_876 = arith.constant 0 : i32
    %dma_wait3A_877 = tpu.memref_slice %arg14[%dma_wait3A_875, %dma_wait3A_876] : memref<8192x128xf32, #tpu.memory_space<vmem_shared>> -> memref<8192x128xf32, #tpu.memory_space<vmem_shared>>
    tpu.wait_indirect_dma semaphore(%arg19 : memref<!tpu.dma_semaphore, #tpu.memory_space<semaphore_mem>>) src(%arg12 : memref<64x128xf32, #tpu.memory_space<vmem>>) dst(%dma_wait3A_877 : memref<8192x128xf32, #tpu.memory_space<vmem_shared>>)
    %dma_wait3A_878 = arith.constant 0 : i32
    %dma_wait3A_879 = arith.constant 0 : i32
    %dma_wait3A_880 = tpu.memref_slice %arg15[%dma_wait3A_878, %dma_wait3A_879] : memref<4112x128xf32, #tpu.memory_space<vmem_shared>> -> memref<4112x128xf32, #tpu.memory_space<vmem_shared>>
    tpu.wait_indirect_dma semaphore(%arg21 : memref<!tpu.dma_semaphore, #tpu.memory_space<semaphore_mem>>) src(%arg13 : memref<64x128xf32, #tpu.memory_space<vmem>>) dst(%dma_wait3A_880 : memref<4112x128xf32, #tpu.memory_space<vmem_shared>>)
    %get3A_881 = arith.constant 448 : index
    %get3A_882 = tpu.vector_load %arg6[%get3A_881] {strides = array<i32>} : memref<1024xi32, #tpu.memory_space<vmem>>, vector<16xi32>,
    %get3A_883 = vector.shape_cast %get3A_882 : vector<16xi32> to vector<16xi32>
    %swap3A_884 = arith.constant 0 : index
    %swap3A_885 = tpu.vector_load %arg8[%swap3A_884] {strides = array<i32>} : memref<64xi32, #tpu.memory_space<vmem>>, vector<16xi32>,
    %swap3A_886 = vector.shape_cast %swap3A_885 : vector<16xi32> to vector<16xi32>
    %swap3A_887 = vector.shape_cast %get3A_883 : vector<16xi32> to vector<16xi32>
    tpu.vector_store %arg8[%swap3A_884], %swap3A_887 {strides = array<i32>} : memref<64xi32, #tpu.memory_space<vmem>>, vector<16xi32>,
    %sub3A_888 = vector.broadcast %mul3A_2 : i32 to vector<16xi32>
    %sub3A_889 = arith.subi %get3A_883, %sub3A_888 : vector<16xi32>
    %ge3A_890 = arith.constant 0 : i32
    %ge3A_891 = vector.broadcast %ge3A_890 : i32 to vector<16xi32>
    %ge3A_892 = arith.cmpi sge, %sub3A_889, %ge3A_891 : vector<16xi32>
    %lt3A_893 = arith.constant 4096 : i32
    %lt3A_894 = vector.broadcast %lt3A_893 : i32 to vector<16xi32>
    %lt3A_895 = arith.cmpi slt, %sub3A_889, %lt3A_894 : vector<16xi32>
    %and3A_896 = arith.andi %ge3A_892, %lt3A_895 : vector<16xi1>
    %broadcast_in_dim3A_897 = vector.broadcast %add3A_5 : i32 to vector<16xi32>
    %select_n3A_898 = arith.select %and3A_896, %sub3A_889, %broadcast_in_dim3A_897 : vector<16xi1>, vector<16xi32>
    %swap3A_899 = arith.constant 0 : index
    %swap3A_900 = tpu.vector_load %arg10[%swap3A_899] {strides = array<i32>} : memref<64xi32, #tpu.memory_space<vmem>>, vector<16xi32>,
    %swap3A_901 = vector.shape_cast %swap3A_900 : vector<16xi32> to vector<16xi32>
    %swap3A_902 = vector.shape_cast %select_n3A_898 : vector<16xi32> to vector<16xi32>
    tpu.vector_store %arg10[%swap3A_899], %swap3A_902 {strides = array<i32>} : memref<64xi32, #tpu.memory_space<vmem>>, vector<16xi32>,
    %get3A_903 = arith.constant 464 : index
    %get3A_904 = tpu.vector_load %arg6[%get3A_903] {strides = array<i32>} : memref<1024xi32, #tpu.memory_space<vmem>>, vector<16xi32>,
    %get3A_905 = vector.shape_cast %get3A_904 : vector<16xi32> to vector<16xi32>
    %swap3A_906 = arith.constant 16 : index
    %swap3A_907 = tpu.vector_load %arg8[%swap3A_906] {strides = array<i32>} : memref<64xi32, #tpu.memory_space<vmem>>, vector<16xi32>,
    %swap3A_908 = vector.shape_cast %swap3A_907 : vector<16xi32> to vector<16xi32>
    %swap3A_909 = vector.shape_cast %get3A_905 : vector<16xi32> to vector<16xi32>
    tpu.vector_store %arg8[%swap3A_906], %swap3A_909 {strides = array<i32>} : memref<64xi32, #tpu.memory_space<vmem>>, vector<16xi32>,
    %sub3A_910 = vector.broadcast %mul3A_2 : i32 to vector<16xi32>
    %sub3A_911 = arith.subi %get3A_905, %sub3A_910 : vector<16xi32>
    %ge3A_912 = arith.constant 0 : i32
    %ge3A_913 = vector.broadcast %ge3A_912 : i32 to vector<16xi32>
    %ge3A_914 = arith.cmpi sge, %sub3A_911, %ge3A_913 : vector<16xi32>
    %lt3A_915 = arith.constant 4096 : i32
    %lt3A_916 = vector.broadcast %lt3A_915 : i32 to vector<16xi32>
    %lt3A_917 = arith.cmpi slt, %sub3A_911, %lt3A_916 : vector<16xi32>
    %and3A_918 = arith.andi %ge3A_914, %lt3A_917 : vector<16xi1>
    %broadcast_in_dim3A_919 = vector.broadcast %add3A_5 : i32 to vector<16xi32>
    %select_n3A_920 = arith.select %and3A_918, %sub3A_911, %broadcast_in_dim3A_919 : vector<16xi1>, vector<16xi32>
    %swap3A_921 = arith.constant 16 : index
    %swap3A_922 = tpu.vector_load %arg10[%swap3A_921] {strides = array<i32>} : memref<64xi32, #tpu.memory_space<vmem>>, vector<16xi32>,
    %swap3A_923 = vector.shape_cast %swap3A_922 : vector<16xi32> to vector<16xi32>
    %swap3A_924 = vector.shape_cast %select_n3A_920 : vector<16xi32> to vector<16xi32>
    tpu.vector_store %arg10[%swap3A_921], %swap3A_924 {strides = array<i32>} : memref<64xi32, #tpu.memory_space<vmem>>, vector<16xi32>,
    %get3A_925 = arith.constant 480 : index
    %get3A_926 = tpu.vector_load %arg6[%get3A_925] {strides = array<i32>} : memref<1024xi32, #tpu.memory_space<vmem>>, vector<16xi32>,
    %get3A_927 = vector.shape_cast %get3A_926 : vector<16xi32> to vector<16xi32>
    %swap3A_928 = arith.constant 32 : index
    %swap3A_929 = tpu.vector_load %arg8[%swap3A_928] {strides = array<i32>} : memref<64xi32, #tpu.memory_space<vmem>>, vector<16xi32>,
    %swap3A_930 = vector.shape_cast %swap3A_929 : vector<16xi32> to vector<16xi32>
    %swap3A_931 = vector.shape_cast %get3A_927 : vector<16xi32> to vector<16xi32>
    tpu.vector_store %arg8[%swap3A_928], %swap3A_931 {strides = array<i32>} : memref<64xi32, #tpu.memory_space<vmem>>, vector<16xi32>,
    %sub3A_932 = vector.broadcast %mul3A_2 : i32 to vector<16xi32>
    %sub3A_933 = arith.subi %get3A_927, %sub3A_932 : vector<16xi32>
    %ge3A_934 = arith.constant 0 : i32
    %ge3A_935 = vector.broadcast %ge3A_934 : i32 to vector<16xi32>
    %ge3A_936 = arith.cmpi sge, %sub3A_933, %ge3A_935 : vector<16xi32>
    %lt3A_937 = arith.constant 4096 : i32
    %lt3A_938 = vector.broadcast %lt3A_937 : i32 to vector<16xi32>
    %lt3A_939 = arith.cmpi slt, %sub3A_933, %lt3A_938 : vector<16xi32>
    %and3A_940 = arith.andi %ge3A_936, %lt3A_939 : vector<16xi1>
    %broadcast_in_dim3A_941 = vector.broadcast %add3A_5 : i32 to vector<16xi32>
    %select_n3A_942 = arith.select %and3A_940, %sub3A_933, %broadcast_in_dim3A_941 : vector<16xi1>, vector<16xi32>
    %swap3A_943 = arith.constant 32 : index
    %swap3A_944 = tpu.vector_load %arg10[%swap3A_943] {strides = array<i32>} : memref<64xi32, #tpu.memory_space<vmem>>, vector<16xi32>,
    %swap3A_945 = vector.shape_cast %swap3A_944 : vector<16xi32> to vector<16xi32>
    %swap3A_946 = vector.shape_cast %select_n3A_942 : vector<16xi32> to vector<16xi32>
    tpu.vector_store %arg10[%swap3A_943], %swap3A_946 {strides = array<i32>} : memref<64xi32, #tpu.memory_space<vmem>>, vector<16xi32>,
    %get3A_947 = arith.constant 496 : index
    %get3A_948 = tpu.vector_load %arg6[%get3A_947] {strides = array<i32>} : memref<1024xi32, #tpu.memory_space<vmem>>, vector<16xi32>,
    %get3A_949 = vector.shape_cast %get3A_948 : vector<16xi32> to vector<16xi32>
    %swap3A_950 = arith.constant 48 : index
    %swap3A_951 = tpu.vector_load %arg8[%swap3A_950] {strides = array<i32>} : memref<64xi32, #tpu.memory_space<vmem>>, vector<16xi32>,
    %swap3A_952 = vector.shape_cast %swap3A_951 : vector<16xi32> to vector<16xi32>
    %swap3A_953 = vector.shape_cast %get3A_949 : vector<16xi32> to vector<16xi32>
    tpu.vector_store %arg8[%swap3A_950], %swap3A_953 {strides = array<i32>} : memref<64xi32, #tpu.memory_space<vmem>>, vector<16xi32>,
    %sub3A_954 = vector.broadcast %mul3A_2 : i32 to vector<16xi32>
    %sub3A_955 = arith.subi %get3A_949, %sub3A_954 : vector<16xi32>
    %ge3A_956 = arith.constant 0 : i32
    %ge3A_957 = vector.broadcast %ge3A_956 : i32 to vector<16xi32>
    %ge3A_958 = arith.cmpi sge, %sub3A_955, %ge3A_957 : vector<16xi32>
    %lt3A_959 = arith.constant 4096 : i32
    %lt3A_960 = vector.broadcast %lt3A_959 : i32 to vector<16xi32>
    %lt3A_961 = arith.cmpi slt, %sub3A_955, %lt3A_960 : vector<16xi32>
    %and3A_962 = arith.andi %ge3A_958, %lt3A_961 : vector<16xi1>
    %broadcast_in_dim3A_963 = vector.broadcast %add3A_5 : i32 to vector<16xi32>
    %select_n3A_964 = arith.select %and3A_962, %sub3A_955, %broadcast_in_dim3A_963 : vector<16xi1>, vector<16xi32>
    %swap3A_965 = arith.constant 48 : index
    %swap3A_966 = tpu.vector_load %arg10[%swap3A_965] {strides = array<i32>} : memref<64xi32, #tpu.memory_space<vmem>>, vector<16xi32>,
    %swap3A_967 = vector.shape_cast %swap3A_966 : vector<16xi32> to vector<16xi32>
    %swap3A_968 = vector.shape_cast %select_n3A_964 : vector<16xi32> to vector<16xi32>
    tpu.vector_store %arg10[%swap3A_965], %swap3A_968 {strides = array<i32>} : memref<64xi32, #tpu.memory_space<vmem>>, vector<16xi32>,
    %add3A_969 = arith.constant 448 : i32
    %add3A_970 = arith.addi %mul3A_4, %add3A_969 : i32
    %dma_start3A_971 = tpu.memref_slice %arg2[%add3A_970, %mul3A_0] : memref<16384x256xf32, #tpu.memory_space<hbm>> -> memref<64x128xf32, #tpu.memory_space<hbm>>
    %dma_start3A_972 = tpu.memref_slice %arg2[%add3A_970, %mul3A_0] : memref<16384x256xf32, #tpu.memory_space<hbm>> -> memref<64x128xf32, #tpu.memory_space<hbm>>
    tpu.enqueue_dma source(%dma_start3A_972 : memref<64x128xf32, #tpu.memory_space<hbm>>) target(%arg12 : memref<64x128xf32, #tpu.memory_space<vmem>>) target_semaphore(%arg17 : memref<!tpu.dma_semaphore, #tpu.memory_space<semaphore_mem>>)
    %dma_wait3A_973 = tpu.memref_slice %arg2[%add3A_864, %mul3A_0] : memref<16384x256xf32, #tpu.memory_space<hbm>> -> memref<64x128xf32, #tpu.memory_space<hbm>>
    %dma_wait3A_974 = tpu.memref_slice %arg2[%add3A_864, %mul3A_0] : memref<16384x256xf32, #tpu.memory_space<hbm>> -> memref<64x128xf32, #tpu.memory_space<hbm>>
    tpu.wait_dma2 semaphore(%arg16 : memref<!tpu.dma_semaphore, #tpu.memory_space<semaphore_mem>>) src(%dma_wait3A_974 : memref<64x128xf32, #tpu.memory_space<hbm>>) dst(%arg11 : memref<64x128xf32, #tpu.memory_space<vmem>>)
    %dma_start3A_975 = arith.constant 0 : i32
    %dma_start3A_976 = arith.constant 0 : i32
    %dma_start3A_977 = tpu.memref_slice %arg14[%dma_start3A_975, %dma_start3A_976] : memref<8192x128xf32, #tpu.memory_space<vmem_shared>> -> memref<8192x128xf32, #tpu.memory_space<vmem_shared>>
    tpu.enqueue_indirect_dma source(%arg11 : memref<64x128xf32, #tpu.memory_space<vmem>>) target(%dma_start3A_977 : memref<8192x128xf32, #tpu.memory_space<vmem_shared>>) offsets(%arg7 : memref<64xi32, #tpu.memory_space<vmem>>) semaphore(%arg18 : memref<!tpu.dma_semaphore, #tpu.memory_space<semaphore_mem>>) {add = true}
    %dma_start3A_978 = arith.constant 0 : i32
    %dma_start3A_979 = arith.constant 0 : i32
    %dma_start3A_980 = tpu.memref_slice %arg15[%dma_start3A_978, %dma_start3A_979] : memref<4112x128xf32, #tpu.memory_space<vmem_shared>> -> memref<4112x128xf32, #tpu.memory_space<vmem_shared>>
    tpu.enqueue_indirect_dma source(%arg13 : memref<64x128xf32, #tpu.memory_space<vmem>>) target(%dma_start3A_980 : memref<4112x128xf32, #tpu.memory_space<vmem_shared>>) offsets(%arg9 : memref<64xi32, #tpu.memory_space<vmem>>) semaphore(%arg20 : memref<!tpu.dma_semaphore, #tpu.memory_space<semaphore_mem>>) {add = true}
    %dma_wait3A_981 = arith.constant 0 : i32
    %dma_wait3A_982 = arith.constant 0 : i32
    %dma_wait3A_983 = tpu.memref_slice %arg14[%dma_wait3A_981, %dma_wait3A_982] : memref<8192x128xf32, #tpu.memory_space<vmem_shared>> -> memref<8192x128xf32, #tpu.memory_space<vmem_shared>>
    tpu.wait_indirect_dma semaphore(%arg18 : memref<!tpu.dma_semaphore, #tpu.memory_space<semaphore_mem>>) src(%arg11 : memref<64x128xf32, #tpu.memory_space<vmem>>) dst(%dma_wait3A_983 : memref<8192x128xf32, #tpu.memory_space<vmem_shared>>)
    %dma_wait3A_984 = arith.constant 0 : i32
    %dma_wait3A_985 = arith.constant 0 : i32
    %dma_wait3A_986 = tpu.memref_slice %arg15[%dma_wait3A_984, %dma_wait3A_985] : memref<4112x128xf32, #tpu.memory_space<vmem_shared>> -> memref<4112x128xf32, #tpu.memory_space<vmem_shared>>
    tpu.wait_indirect_dma semaphore(%arg20 : memref<!tpu.dma_semaphore, #tpu.memory_space<semaphore_mem>>) src(%arg13 : memref<64x128xf32, #tpu.memory_space<vmem>>) dst(%dma_wait3A_986 : memref<4112x128xf32, #tpu.memory_space<vmem_shared>>)
    %get3A_987 = arith.constant 512 : index
    %get3A_988 = tpu.vector_load %arg6[%get3A_987] {strides = array<i32>} : memref<1024xi32, #tpu.memory_space<vmem>>, vector<16xi32>,
    %get3A_989 = vector.shape_cast %get3A_988 : vector<16xi32> to vector<16xi32>
    %swap3A_990 = arith.constant 0 : index
    %swap3A_991 = tpu.vector_load %arg7[%swap3A_990] {strides = array<i32>} : memref<64xi32, #tpu.memory_space<vmem>>, vector<16xi32>,
    %swap3A_992 = vector.shape_cast %swap3A_991 : vector<16xi32> to vector<16xi32>
    %swap3A_993 = vector.shape_cast %get3A_989 : vector<16xi32> to vector<16xi32>
    tpu.vector_store %arg7[%swap3A_990], %swap3A_993 {strides = array<i32>} : memref<64xi32, #tpu.memory_space<vmem>>, vector<16xi32>,
    %sub3A_994 = vector.broadcast %mul3A_2 : i32 to vector<16xi32>
    %sub3A_995 = arith.subi %get3A_989, %sub3A_994 : vector<16xi32>
    %ge3A_996 = arith.constant 0 : i32
    %ge3A_997 = vector.broadcast %ge3A_996 : i32 to vector<16xi32>
    %ge3A_998 = arith.cmpi sge, %sub3A_995, %ge3A_997 : vector<16xi32>
    %lt3A_999 = arith.constant 4096 : i32
    %lt3A_1000 = vector.broadcast %lt3A_999 : i32 to vector<16xi32>
    %lt3A_1001 = arith.cmpi slt, %sub3A_995, %lt3A_1000 : vector<16xi32>
    %and3A_1002 = arith.andi %ge3A_998, %lt3A_1001 : vector<16xi1>
    %broadcast_in_dim3A_1003 = vector.broadcast %add3A_5 : i32 to vector<16xi32>
    %select_n3A_1004 = arith.select %and3A_1002, %sub3A_995, %broadcast_in_dim3A_1003 : vector<16xi1>, vector<16xi32>
    %swap3A_1005 = arith.constant 0 : index
    %swap3A_1006 = tpu.vector_load %arg9[%swap3A_1005] {strides = array<i32>} : memref<64xi32, #tpu.memory_space<vmem>>, vector<16xi32>,
    %swap3A_1007 = vector.shape_cast %swap3A_1006 : vector<16xi32> to vector<16xi32>
    %swap3A_1008 = vector.shape_cast %select_n3A_1004 : vector<16xi32> to vector<16xi32>
    tpu.vector_store %arg9[%swap3A_1005], %swap3A_1008 {strides = array<i32>} : memref<64xi32, #tpu.memory_space<vmem>>, vector<16xi32>,
    %get3A_1009 = arith.constant 528 : index
    %get3A_1010 = tpu.vector_load %arg6[%get3A_1009] {strides = array<i32>} : memref<1024xi32, #tpu.memory_space<vmem>>, vector<16xi32>,
    %get3A_1011 = vector.shape_cast %get3A_1010 : vector<16xi32> to vector<16xi32>
    %swap3A_1012 = arith.constant 16 : index
    %swap3A_1013 = tpu.vector_load %arg7[%swap3A_1012] {strides = array<i32>} : memref<64xi32, #tpu.memory_space<vmem>>, vector<16xi32>,
    %swap3A_1014 = vector.shape_cast %swap3A_1013 : vector<16xi32> to vector<16xi32>
    %swap3A_1015 = vector.shape_cast %get3A_1011 : vector<16xi32> to vector<16xi32>
    tpu.vector_store %arg7[%swap3A_1012], %swap3A_1015 {strides = array<i32>} : memref<64xi32, #tpu.memory_space<vmem>>, vector<16xi32>,
    %sub3A_1016 = vector.broadcast %mul3A_2 : i32 to vector<16xi32>
    %sub3A_1017 = arith.subi %get3A_1011, %sub3A_1016 : vector<16xi32>
    %ge3A_1018 = arith.constant 0 : i32
    %ge3A_1019 = vector.broadcast %ge3A_1018 : i32 to vector<16xi32>
    %ge3A_1020 = arith.cmpi sge, %sub3A_1017, %ge3A_1019 : vector<16xi32>
    %lt3A_1021 = arith.constant 4096 : i32
    %lt3A_1022 = vector.broadcast %lt3A_1021 : i32 to vector<16xi32>
    %lt3A_1023 = arith.cmpi slt, %sub3A_1017, %lt3A_1022 : vector<16xi32>
    %and3A_1024 = arith.andi %ge3A_1020, %lt3A_1023 : vector<16xi1>
    %broadcast_in_dim3A_1025 = vector.broadcast %add3A_5 : i32 to vector<16xi32>
    %select_n3A_1026 = arith.select %and3A_1024, %sub3A_1017, %broadcast_in_dim3A_1025 : vector<16xi1>, vector<16xi32>
    %swap3A_1027 = arith.constant 16 : index
    %swap3A_1028 = tpu.vector_load %arg9[%swap3A_1027] {strides = array<i32>} : memref<64xi32, #tpu.memory_space<vmem>>, vector<16xi32>,
    %swap3A_1029 = vector.shape_cast %swap3A_1028 : vector<16xi32> to vector<16xi32>
    %swap3A_1030 = vector.shape_cast %select_n3A_1026 : vector<16xi32> to vector<16xi32>
    tpu.vector_store %arg9[%swap3A_1027], %swap3A_1030 {strides = array<i32>} : memref<64xi32, #tpu.memory_space<vmem>>, vector<16xi32>,
    %get3A_1031 = arith.constant 544 : index
    %get3A_1032 = tpu.vector_load %arg6[%get3A_1031] {strides = array<i32>} : memref<1024xi32, #tpu.memory_space<vmem>>, vector<16xi32>,
    %get3A_1033 = vector.shape_cast %get3A_1032 : vector<16xi32> to vector<16xi32>
    %swap3A_1034 = arith.constant 32 : index
    %swap3A_1035 = tpu.vector_load %arg7[%swap3A_1034] {strides = array<i32>} : memref<64xi32, #tpu.memory_space<vmem>>, vector<16xi32>,
    %swap3A_1036 = vector.shape_cast %swap3A_1035 : vector<16xi32> to vector<16xi32>
    %swap3A_1037 = vector.shape_cast %get3A_1033 : vector<16xi32> to vector<16xi32>
    tpu.vector_store %arg7[%swap3A_1034], %swap3A_1037 {strides = array<i32>} : memref<64xi32, #tpu.memory_space<vmem>>, vector<16xi32>,
    %sub3A_1038 = vector.broadcast %mul3A_2 : i32 to vector<16xi32>
    %sub3A_1039 = arith.subi %get3A_1033, %sub3A_1038 : vector<16xi32>
    %ge3A_1040 = arith.constant 0 : i32
    %ge3A_1041 = vector.broadcast %ge3A_1040 : i32 to vector<16xi32>
    %ge3A_1042 = arith.cmpi sge, %sub3A_1039, %ge3A_1041 : vector<16xi32>
    %lt3A_1043 = arith.constant 4096 : i32
    %lt3A_1044 = vector.broadcast %lt3A_1043 : i32 to vector<16xi32>
    %lt3A_1045 = arith.cmpi slt, %sub3A_1039, %lt3A_1044 : vector<16xi32>
    %and3A_1046 = arith.andi %ge3A_1042, %lt3A_1045 : vector<16xi1>
    %broadcast_in_dim3A_1047 = vector.broadcast %add3A_5 : i32 to vector<16xi32>
    %select_n3A_1048 = arith.select %and3A_1046, %sub3A_1039, %broadcast_in_dim3A_1047 : vector<16xi1>, vector<16xi32>
    %swap3A_1049 = arith.constant 32 : index
    %swap3A_1050 = tpu.vector_load %arg9[%swap3A_1049] {strides = array<i32>} : memref<64xi32, #tpu.memory_space<vmem>>, vector<16xi32>,
    %swap3A_1051 = vector.shape_cast %swap3A_1050 : vector<16xi32> to vector<16xi32>
    %swap3A_1052 = vector.shape_cast %select_n3A_1048 : vector<16xi32> to vector<16xi32>
    tpu.vector_store %arg9[%swap3A_1049], %swap3A_1052 {strides = array<i32>} : memref<64xi32, #tpu.memory_space<vmem>>, vector<16xi32>,
    %get3A_1053 = arith.constant 560 : index
    %get3A_1054 = tpu.vector_load %arg6[%get3A_1053] {strides = array<i32>} : memref<1024xi32, #tpu.memory_space<vmem>>, vector<16xi32>,
    %get3A_1055 = vector.shape_cast %get3A_1054 : vector<16xi32> to vector<16xi32>
    %swap3A_1056 = arith.constant 48 : index
    %swap3A_1057 = tpu.vector_load %arg7[%swap3A_1056] {strides = array<i32>} : memref<64xi32, #tpu.memory_space<vmem>>, vector<16xi32>,
    %swap3A_1058 = vector.shape_cast %swap3A_1057 : vector<16xi32> to vector<16xi32>
    %swap3A_1059 = vector.shape_cast %get3A_1055 : vector<16xi32> to vector<16xi32>
    tpu.vector_store %arg7[%swap3A_1056], %swap3A_1059 {strides = array<i32>} : memref<64xi32, #tpu.memory_space<vmem>>, vector<16xi32>,
    %sub3A_1060 = vector.broadcast %mul3A_2 : i32 to vector<16xi32>
    %sub3A_1061 = arith.subi %get3A_1055, %sub3A_1060 : vector<16xi32>
    %ge3A_1062 = arith.constant 0 : i32
    %ge3A_1063 = vector.broadcast %ge3A_1062 : i32 to vector<16xi32>
    %ge3A_1064 = arith.cmpi sge, %sub3A_1061, %ge3A_1063 : vector<16xi32>
    %lt3A_1065 = arith.constant 4096 : i32
    %lt3A_1066 = vector.broadcast %lt3A_1065 : i32 to vector<16xi32>
    %lt3A_1067 = arith.cmpi slt, %sub3A_1061, %lt3A_1066 : vector<16xi32>
    %and3A_1068 = arith.andi %ge3A_1064, %lt3A_1067 : vector<16xi1>
    %broadcast_in_dim3A_1069 = vector.broadcast %add3A_5 : i32 to vector<16xi32>
    %select_n3A_1070 = arith.select %and3A_1068, %sub3A_1061, %broadcast_in_dim3A_1069 : vector<16xi1>, vector<16xi32>
    %swap3A_1071 = arith.constant 48 : index
    %swap3A_1072 = tpu.vector_load %arg9[%swap3A_1071] {strides = array<i32>} : memref<64xi32, #tpu.memory_space<vmem>>, vector<16xi32>,
    %swap3A_1073 = vector.shape_cast %swap3A_1072 : vector<16xi32> to vector<16xi32>
    %swap3A_1074 = vector.shape_cast %select_n3A_1070 : vector<16xi32> to vector<16xi32>
    tpu.vector_store %arg9[%swap3A_1071], %swap3A_1074 {strides = array<i32>} : memref<64xi32, #tpu.memory_space<vmem>>, vector<16xi32>,
    %add3A_1075 = arith.constant 512 : i32
    %add3A_1076 = arith.addi %mul3A_4, %add3A_1075 : i32
    %dma_start3A_1077 = tpu.memref_slice %arg2[%add3A_1076, %mul3A_0] : memref<16384x256xf32, #tpu.memory_space<hbm>> -> memref<64x128xf32, #tpu.memory_space<hbm>>
    %dma_start3A_1078 = tpu.memref_slice %arg2[%add3A_1076, %mul3A_0] : memref<16384x256xf32, #tpu.memory_space<hbm>> -> memref<64x128xf32, #tpu.memory_space<hbm>>
    tpu.enqueue_dma source(%dma_start3A_1078 : memref<64x128xf32, #tpu.memory_space<hbm>>) target(%arg11 : memref<64x128xf32, #tpu.memory_space<vmem>>) target_semaphore(%arg16 : memref<!tpu.dma_semaphore, #tpu.memory_space<semaphore_mem>>)
    %dma_wait3A_1079 = tpu.memref_slice %arg2[%add3A_970, %mul3A_0] : memref<16384x256xf32, #tpu.memory_space<hbm>> -> memref<64x128xf32, #tpu.memory_space<hbm>>
    %dma_wait3A_1080 = tpu.memref_slice %arg2[%add3A_970, %mul3A_0] : memref<16384x256xf32, #tpu.memory_space<hbm>> -> memref<64x128xf32, #tpu.memory_space<hbm>>
    tpu.wait_dma2 semaphore(%arg17 : memref<!tpu.dma_semaphore, #tpu.memory_space<semaphore_mem>>) src(%dma_wait3A_1080 : memref<64x128xf32, #tpu.memory_space<hbm>>) dst(%arg12 : memref<64x128xf32, #tpu.memory_space<vmem>>)
    %dma_start3A_1081 = arith.constant 0 : i32
    %dma_start3A_1082 = arith.constant 0 : i32
    %dma_start3A_1083 = tpu.memref_slice %arg14[%dma_start3A_1081, %dma_start3A_1082] : memref<8192x128xf32, #tpu.memory_space<vmem_shared>> -> memref<8192x128xf32, #tpu.memory_space<vmem_shared>>
    tpu.enqueue_indirect_dma source(%arg12 : memref<64x128xf32, #tpu.memory_space<vmem>>) target(%dma_start3A_1083 : memref<8192x128xf32, #tpu.memory_space<vmem_shared>>) offsets(%arg8 : memref<64xi32, #tpu.memory_space<vmem>>) semaphore(%arg19 : memref<!tpu.dma_semaphore, #tpu.memory_space<semaphore_mem>>) {add = true}
    %dma_start3A_1084 = arith.constant 0 : i32
    %dma_start3A_1085 = arith.constant 0 : i32
    %dma_start3A_1086 = tpu.memref_slice %arg15[%dma_start3A_1084, %dma_start3A_1085] : memref<4112x128xf32, #tpu.memory_space<vmem_shared>> -> memref<4112x128xf32, #tpu.memory_space<vmem_shared>>
    tpu.enqueue_indirect_dma source(%arg13 : memref<64x128xf32, #tpu.memory_space<vmem>>) target(%dma_start3A_1086 : memref<4112x128xf32, #tpu.memory_space<vmem_shared>>) offsets(%arg10 : memref<64xi32, #tpu.memory_space<vmem>>) semaphore(%arg21 : memref<!tpu.dma_semaphore, #tpu.memory_space<semaphore_mem>>) {add = true}
    %dma_wait3A_1087 = arith.constant 0 : i32
    %dma_wait3A_1088 = arith.constant 0 : i32
    %dma_wait3A_1089 = tpu.memref_slice %arg14[%dma_wait3A_1087, %dma_wait3A_1088] : memref<8192x128xf32, #tpu.memory_space<vmem_shared>> -> memref<8192x128xf32, #tpu.memory_space<vmem_shared>>
    tpu.wait_indirect_dma semaphore(%arg19 : memref<!tpu.dma_semaphore, #tpu.memory_space<semaphore_mem>>) src(%arg12 : memref<64x128xf32, #tpu.memory_space<vmem>>) dst(%dma_wait3A_1089 : memref<8192x128xf32, #tpu.memory_space<vmem_shared>>)
    %dma_wait3A_1090 = arith.constant 0 : i32
    %dma_wait3A_1091 = arith.constant 0 : i32
    %dma_wait3A_1092 = tpu.memref_slice %arg15[%dma_wait3A_1090, %dma_wait3A_1091] : memref<4112x128xf32, #tpu.memory_space<vmem_shared>> -> memref<4112x128xf32, #tpu.memory_space<vmem_shared>>
    tpu.wait_indirect_dma semaphore(%arg21 : memref<!tpu.dma_semaphore, #tpu.memory_space<semaphore_mem>>) src(%arg13 : memref<64x128xf32, #tpu.memory_space<vmem>>) dst(%dma_wait3A_1092 : memref<4112x128xf32, #tpu.memory_space<vmem_shared>>)
    %get3A_1093 = arith.constant 576 : index
    %get3A_1094 = tpu.vector_load %arg6[%get3A_1093] {strides = array<i32>} : memref<1024xi32, #tpu.memory_space<vmem>>, vector<16xi32>,
    %get3A_1095 = vector.shape_cast %get3A_1094 : vector<16xi32> to vector<16xi32>
    %swap3A_1096 = arith.constant 0 : index
    %swap3A_1097 = tpu.vector_load %arg8[%swap3A_1096] {strides = array<i32>} : memref<64xi32, #tpu.memory_space<vmem>>, vector<16xi32>,
    %swap3A_1098 = vector.shape_cast %swap3A_1097 : vector<16xi32> to vector<16xi32>
    %swap3A_1099 = vector.shape_cast %get3A_1095 : vector<16xi32> to vector<16xi32>
    tpu.vector_store %arg8[%swap3A_1096], %swap3A_1099 {strides = array<i32>} : memref<64xi32, #tpu.memory_space<vmem>>, vector<16xi32>,
    %sub3A_1100 = vector.broadcast %mul3A_2 : i32 to vector<16xi32>
    %sub3A_1101 = arith.subi %get3A_1095, %sub3A_1100 : vector<16xi32>
    %ge3A_1102 = arith.constant 0 : i32
    %ge3A_1103 = vector.broadcast %ge3A_1102 : i32 to vector<16xi32>
    %ge3A_1104 = arith.cmpi sge, %sub3A_1101, %ge3A_1103 : vector<16xi32>
    %lt3A_1105 = arith.constant 4096 : i32
    %lt3A_1106 = vector.broadcast %lt3A_1105 : i32 to vector<16xi32>
    %lt3A_1107 = arith.cmpi slt, %sub3A_1101, %lt3A_1106 : vector<16xi32>
    %and3A_1108 = arith.andi %ge3A_1104, %lt3A_1107 : vector<16xi1>
    %broadcast_in_dim3A_1109 = vector.broadcast %add3A_5 : i32 to vector<16xi32>
    %select_n3A_1110 = arith.select %and3A_1108, %sub3A_1101, %broadcast_in_dim3A_1109 : vector<16xi1>, vector<16xi32>
    %swap3A_1111 = arith.constant 0 : index
    %swap3A_1112 = tpu.vector_load %arg10[%swap3A_1111] {strides = array<i32>} : memref<64xi32, #tpu.memory_space<vmem>>, vector<16xi32>,
    %swap3A_1113 = vector.shape_cast %swap3A_1112 : vector<16xi32> to vector<16xi32>
    %swap3A_1114 = vector.shape_cast %select_n3A_1110 : vector<16xi32> to vector<16xi32>
    tpu.vector_store %arg10[%swap3A_1111], %swap3A_1114 {strides = array<i32>} : memref<64xi32, #tpu.memory_space<vmem>>, vector<16xi32>,
    %get3A_1115 = arith.constant 592 : index
    %get3A_1116 = tpu.vector_load %arg6[%get3A_1115] {strides = array<i32>} : memref<1024xi32, #tpu.memory_space<vmem>>, vector<16xi32>,
    %get3A_1117 = vector.shape_cast %get3A_1116 : vector<16xi32> to vector<16xi32>
    %swap3A_1118 = arith.constant 16 : index
    %swap3A_1119 = tpu.vector_load %arg8[%swap3A_1118] {strides = array<i32>} : memref<64xi32, #tpu.memory_space<vmem>>, vector<16xi32>,
    %swap3A_1120 = vector.shape_cast %swap3A_1119 : vector<16xi32> to vector<16xi32>
    %swap3A_1121 = vector.shape_cast %get3A_1117 : vector<16xi32> to vector<16xi32>
    tpu.vector_store %arg8[%swap3A_1118], %swap3A_1121 {strides = array<i32>} : memref<64xi32, #tpu.memory_space<vmem>>, vector<16xi32>,
    %sub3A_1122 = vector.broadcast %mul3A_2 : i32 to vector<16xi32>
    %sub3A_1123 = arith.subi %get3A_1117, %sub3A_1122 : vector<16xi32>
    %ge3A_1124 = arith.constant 0 : i32
    %ge3A_1125 = vector.broadcast %ge3A_1124 : i32 to vector<16xi32>
    %ge3A_1126 = arith.cmpi sge, %sub3A_1123, %ge3A_1125 : vector<16xi32>
    %lt3A_1127 = arith.constant 4096 : i32
    %lt3A_1128 = vector.broadcast %lt3A_1127 : i32 to vector<16xi32>
    %lt3A_1129 = arith.cmpi slt, %sub3A_1123, %lt3A_1128 : vector<16xi32>
    %and3A_1130 = arith.andi %ge3A_1126, %lt3A_1129 : vector<16xi1>
    %broadcast_in_dim3A_1131 = vector.broadcast %add3A_5 : i32 to vector<16xi32>
    %select_n3A_1132 = arith.select %and3A_1130, %sub3A_1123, %broadcast_in_dim3A_1131 : vector<16xi1>, vector<16xi32>
    %swap3A_1133 = arith.constant 16 : index
    %swap3A_1134 = tpu.vector_load %arg10[%swap3A_1133] {strides = array<i32>} : memref<64xi32, #tpu.memory_space<vmem>>, vector<16xi32>,
    %swap3A_1135 = vector.shape_cast %swap3A_1134 : vector<16xi32> to vector<16xi32>
    %swap3A_1136 = vector.shape_cast %select_n3A_1132 : vector<16xi32> to vector<16xi32>
    tpu.vector_store %arg10[%swap3A_1133], %swap3A_1136 {strides = array<i32>} : memref<64xi32, #tpu.memory_space<vmem>>, vector<16xi32>,
    %get3A_1137 = arith.constant 608 : index
    %get3A_1138 = tpu.vector_load %arg6[%get3A_1137] {strides = array<i32>} : memref<1024xi32, #tpu.memory_space<vmem>>, vector<16xi32>,
    %get3A_1139 = vector.shape_cast %get3A_1138 : vector<16xi32> to vector<16xi32>
    %swap3A_1140 = arith.constant 32 : index
    %swap3A_1141 = tpu.vector_load %arg8[%swap3A_1140] {strides = array<i32>} : memref<64xi32, #tpu.memory_space<vmem>>, vector<16xi32>,
    %swap3A_1142 = vector.shape_cast %swap3A_1141 : vector<16xi32> to vector<16xi32>
    %swap3A_1143 = vector.shape_cast %get3A_1139 : vector<16xi32> to vector<16xi32>
    tpu.vector_store %arg8[%swap3A_1140], %swap3A_1143 {strides = array<i32>} : memref<64xi32, #tpu.memory_space<vmem>>, vector<16xi32>,
    %sub3A_1144 = vector.broadcast %mul3A_2 : i32 to vector<16xi32>
    %sub3A_1145 = arith.subi %get3A_1139, %sub3A_1144 : vector<16xi32>
    %ge3A_1146 = arith.constant 0 : i32
    %ge3A_1147 = vector.broadcast %ge3A_1146 : i32 to vector<16xi32>
    %ge3A_1148 = arith.cmpi sge, %sub3A_1145, %ge3A_1147 : vector<16xi32>
    %lt3A_1149 = arith.constant 4096 : i32
    %lt3A_1150 = vector.broadcast %lt3A_1149 : i32 to vector<16xi32>
    %lt3A_1151 = arith.cmpi slt, %sub3A_1145, %lt3A_1150 : vector<16xi32>
    %and3A_1152 = arith.andi %ge3A_1148, %lt3A_1151 : vector<16xi1>
    %broadcast_in_dim3A_1153 = vector.broadcast %add3A_5 : i32 to vector<16xi32>
    %select_n3A_1154 = arith.select %and3A_1152, %sub3A_1145, %broadcast_in_dim3A_1153 : vector<16xi1>, vector<16xi32>
    %swap3A_1155 = arith.constant 32 : index
    %swap3A_1156 = tpu.vector_load %arg10[%swap3A_1155] {strides = array<i32>} : memref<64xi32, #tpu.memory_space<vmem>>, vector<16xi32>,
    %swap3A_1157 = vector.shape_cast %swap3A_1156 : vector<16xi32> to vector<16xi32>
    %swap3A_1158 = vector.shape_cast %select_n3A_1154 : vector<16xi32> to vector<16xi32>
    tpu.vector_store %arg10[%swap3A_1155], %swap3A_1158 {strides = array<i32>} : memref<64xi32, #tpu.memory_space<vmem>>, vector<16xi32>,
    %get3A_1159 = arith.constant 624 : index
    %get3A_1160 = tpu.vector_load %arg6[%get3A_1159] {strides = array<i32>} : memref<1024xi32, #tpu.memory_space<vmem>>, vector<16xi32>,
    %get3A_1161 = vector.shape_cast %get3A_1160 : vector<16xi32> to vector<16xi32>
    %swap3A_1162 = arith.constant 48 : index
    %swap3A_1163 = tpu.vector_load %arg8[%swap3A_1162] {strides = array<i32>} : memref<64xi32, #tpu.memory_space<vmem>>, vector<16xi32>,
    %swap3A_1164 = vector.shape_cast %swap3A_1163 : vector<16xi32> to vector<16xi32>
    %swap3A_1165 = vector.shape_cast %get3A_1161 : vector<16xi32> to vector<16xi32>
    tpu.vector_store %arg8[%swap3A_1162], %swap3A_1165 {strides = array<i32>} : memref<64xi32, #tpu.memory_space<vmem>>, vector<16xi32>,
    %sub3A_1166 = vector.broadcast %mul3A_2 : i32 to vector<16xi32>
    %sub3A_1167 = arith.subi %get3A_1161, %sub3A_1166 : vector<16xi32>
    %ge3A_1168 = arith.constant 0 : i32
    %ge3A_1169 = vector.broadcast %ge3A_1168 : i32 to vector<16xi32>
    %ge3A_1170 = arith.cmpi sge, %sub3A_1167, %ge3A_1169 : vector<16xi32>
    %lt3A_1171 = arith.constant 4096 : i32
    %lt3A_1172 = vector.broadcast %lt3A_1171 : i32 to vector<16xi32>
    %lt3A_1173 = arith.cmpi slt, %sub3A_1167, %lt3A_1172 : vector<16xi32>
    %and3A_1174 = arith.andi %ge3A_1170, %lt3A_1173 : vector<16xi1>
    %broadcast_in_dim3A_1175 = vector.broadcast %add3A_5 : i32 to vector<16xi32>
    %select_n3A_1176 = arith.select %and3A_1174, %sub3A_1167, %broadcast_in_dim3A_1175 : vector<16xi1>, vector<16xi32>
    %swap3A_1177 = arith.constant 48 : index
    %swap3A_1178 = tpu.vector_load %arg10[%swap3A_1177] {strides = array<i32>} : memref<64xi32, #tpu.memory_space<vmem>>, vector<16xi32>,
    %swap3A_1179 = vector.shape_cast %swap3A_1178 : vector<16xi32> to vector<16xi32>
    %swap3A_1180 = vector.shape_cast %select_n3A_1176 : vector<16xi32> to vector<16xi32>
    tpu.vector_store %arg10[%swap3A_1177], %swap3A_1180 {strides = array<i32>} : memref<64xi32, #tpu.memory_space<vmem>>, vector<16xi32>,
    %add3A_1181 = arith.constant 576 : i32
    %add3A_1182 = arith.addi %mul3A_4, %add3A_1181 : i32
    %dma_start3A_1183 = tpu.memref_slice %arg2[%add3A_1182, %mul3A_0] : memref<16384x256xf32, #tpu.memory_space<hbm>> -> memref<64x128xf32, #tpu.memory_space<hbm>>
    %dma_start3A_1184 = tpu.memref_slice %arg2[%add3A_1182, %mul3A_0] : memref<16384x256xf32, #tpu.memory_space<hbm>> -> memref<64x128xf32, #tpu.memory_space<hbm>>
    tpu.enqueue_dma source(%dma_start3A_1184 : memref<64x128xf32, #tpu.memory_space<hbm>>) target(%arg12 : memref<64x128xf32, #tpu.memory_space<vmem>>) target_semaphore(%arg17 : memref<!tpu.dma_semaphore, #tpu.memory_space<semaphore_mem>>)
    %dma_wait3A_1185 = tpu.memref_slice %arg2[%add3A_1076, %mul3A_0] : memref<16384x256xf32, #tpu.memory_space<hbm>> -> memref<64x128xf32, #tpu.memory_space<hbm>>
    %dma_wait3A_1186 = tpu.memref_slice %arg2[%add3A_1076, %mul3A_0] : memref<16384x256xf32, #tpu.memory_space<hbm>> -> memref<64x128xf32, #tpu.memory_space<hbm>>
    tpu.wait_dma2 semaphore(%arg16 : memref<!tpu.dma_semaphore, #tpu.memory_space<semaphore_mem>>) src(%dma_wait3A_1186 : memref<64x128xf32, #tpu.memory_space<hbm>>) dst(%arg11 : memref<64x128xf32, #tpu.memory_space<vmem>>)
    %dma_start3A_1187 = arith.constant 0 : i32
    %dma_start3A_1188 = arith.constant 0 : i32
    %dma_start3A_1189 = tpu.memref_slice %arg14[%dma_start3A_1187, %dma_start3A_1188] : memref<8192x128xf32, #tpu.memory_space<vmem_shared>> -> memref<8192x128xf32, #tpu.memory_space<vmem_shared>>
    tpu.enqueue_indirect_dma source(%arg11 : memref<64x128xf32, #tpu.memory_space<vmem>>) target(%dma_start3A_1189 : memref<8192x128xf32, #tpu.memory_space<vmem_shared>>) offsets(%arg7 : memref<64xi32, #tpu.memory_space<vmem>>) semaphore(%arg18 : memref<!tpu.dma_semaphore, #tpu.memory_space<semaphore_mem>>) {add = true}
    %dma_start3A_1190 = arith.constant 0 : i32
    %dma_start3A_1191 = arith.constant 0 : i32
    %dma_start3A_1192 = tpu.memref_slice %arg15[%dma_start3A_1190, %dma_start3A_1191] : memref<4112x128xf32, #tpu.memory_space<vmem_shared>> -> memref<4112x128xf32, #tpu.memory_space<vmem_shared>>
    tpu.enqueue_indirect_dma source(%arg13 : memref<64x128xf32, #tpu.memory_space<vmem>>) target(%dma_start3A_1192 : memref<4112x128xf32, #tpu.memory_space<vmem_shared>>) offsets(%arg9 : memref<64xi32, #tpu.memory_space<vmem>>) semaphore(%arg20 : memref<!tpu.dma_semaphore, #tpu.memory_space<semaphore_mem>>) {add = true}
    %dma_wait3A_1193 = arith.constant 0 : i32
    %dma_wait3A_1194 = arith.constant 0 : i32
    %dma_wait3A_1195 = tpu.memref_slice %arg14[%dma_wait3A_1193, %dma_wait3A_1194] : memref<8192x128xf32, #tpu.memory_space<vmem_shared>> -> memref<8192x128xf32, #tpu.memory_space<vmem_shared>>
    tpu.wait_indirect_dma semaphore(%arg18 : memref<!tpu.dma_semaphore, #tpu.memory_space<semaphore_mem>>) src(%arg11 : memref<64x128xf32, #tpu.memory_space<vmem>>) dst(%dma_wait3A_1195 : memref<8192x128xf32, #tpu.memory_space<vmem_shared>>)
    %dma_wait3A_1196 = arith.constant 0 : i32
    %dma_wait3A_1197 = arith.constant 0 : i32
    %dma_wait3A_1198 = tpu.memref_slice %arg15[%dma_wait3A_1196, %dma_wait3A_1197] : memref<4112x128xf32, #tpu.memory_space<vmem_shared>> -> memref<4112x128xf32, #tpu.memory_space<vmem_shared>>
    tpu.wait_indirect_dma semaphore(%arg20 : memref<!tpu.dma_semaphore, #tpu.memory_space<semaphore_mem>>) src(%arg13 : memref<64x128xf32, #tpu.memory_space<vmem>>) dst(%dma_wait3A_1198 : memref<4112x128xf32, #tpu.memory_space<vmem_shared>>)
    %get3A_1199 = arith.constant 640 : index
    %get3A_1200 = tpu.vector_load %arg6[%get3A_1199] {strides = array<i32>} : memref<1024xi32, #tpu.memory_space<vmem>>, vector<16xi32>,
    %get3A_1201 = vector.shape_cast %get3A_1200 : vector<16xi32> to vector<16xi32>
    %swap3A_1202 = arith.constant 0 : index
    %swap3A_1203 = tpu.vector_load %arg7[%swap3A_1202] {strides = array<i32>} : memref<64xi32, #tpu.memory_space<vmem>>, vector<16xi32>,
    %swap3A_1204 = vector.shape_cast %swap3A_1203 : vector<16xi32> to vector<16xi32>
    %swap3A_1205 = vector.shape_cast %get3A_1201 : vector<16xi32> to vector<16xi32>
    tpu.vector_store %arg7[%swap3A_1202], %swap3A_1205 {strides = array<i32>} : memref<64xi32, #tpu.memory_space<vmem>>, vector<16xi32>,
    %sub3A_1206 = vector.broadcast %mul3A_2 : i32 to vector<16xi32>
    %sub3A_1207 = arith.subi %get3A_1201, %sub3A_1206 : vector<16xi32>
    %ge3A_1208 = arith.constant 0 : i32
    %ge3A_1209 = vector.broadcast %ge3A_1208 : i32 to vector<16xi32>
    %ge3A_1210 = arith.cmpi sge, %sub3A_1207, %ge3A_1209 : vector<16xi32>
    %lt3A_1211 = arith.constant 4096 : i32
    %lt3A_1212 = vector.broadcast %lt3A_1211 : i32 to vector<16xi32>
    %lt3A_1213 = arith.cmpi slt, %sub3A_1207, %lt3A_1212 : vector<16xi32>
    %and3A_1214 = arith.andi %ge3A_1210, %lt3A_1213 : vector<16xi1>
    %broadcast_in_dim3A_1215 = vector.broadcast %add3A_5 : i32 to vector<16xi32>
    %select_n3A_1216 = arith.select %and3A_1214, %sub3A_1207, %broadcast_in_dim3A_1215 : vector<16xi1>, vector<16xi32>
    %swap3A_1217 = arith.constant 0 : index
    %swap3A_1218 = tpu.vector_load %arg9[%swap3A_1217] {strides = array<i32>} : memref<64xi32, #tpu.memory_space<vmem>>, vector<16xi32>,
    %swap3A_1219 = vector.shape_cast %swap3A_1218 : vector<16xi32> to vector<16xi32>
    %swap3A_1220 = vector.shape_cast %select_n3A_1216 : vector<16xi32> to vector<16xi32>
    tpu.vector_store %arg9[%swap3A_1217], %swap3A_1220 {strides = array<i32>} : memref<64xi32, #tpu.memory_space<vmem>>, vector<16xi32>,
    %get3A_1221 = arith.constant 656 : index
    %get3A_1222 = tpu.vector_load %arg6[%get3A_1221] {strides = array<i32>} : memref<1024xi32, #tpu.memory_space<vmem>>, vector<16xi32>,
    %get3A_1223 = vector.shape_cast %get3A_1222 : vector<16xi32> to vector<16xi32>
    %swap3A_1224 = arith.constant 16 : index
    %swap3A_1225 = tpu.vector_load %arg7[%swap3A_1224] {strides = array<i32>} : memref<64xi32, #tpu.memory_space<vmem>>, vector<16xi32>,
    %swap3A_1226 = vector.shape_cast %swap3A_1225 : vector<16xi32> to vector<16xi32>
    %swap3A_1227 = vector.shape_cast %get3A_1223 : vector<16xi32> to vector<16xi32>
    tpu.vector_store %arg7[%swap3A_1224], %swap3A_1227 {strides = array<i32>} : memref<64xi32, #tpu.memory_space<vmem>>, vector<16xi32>,
    %sub3A_1228 = vector.broadcast %mul3A_2 : i32 to vector<16xi32>
    %sub3A_1229 = arith.subi %get3A_1223, %sub3A_1228 : vector<16xi32>
    %ge3A_1230 = arith.constant 0 : i32
    %ge3A_1231 = vector.broadcast %ge3A_1230 : i32 to vector<16xi32>
    %ge3A_1232 = arith.cmpi sge, %sub3A_1229, %ge3A_1231 : vector<16xi32>
    %lt3A_1233 = arith.constant 4096 : i32
    %lt3A_1234 = vector.broadcast %lt3A_1233 : i32 to vector<16xi32>
    %lt3A_1235 = arith.cmpi slt, %sub3A_1229, %lt3A_1234 : vector<16xi32>
    %and3A_1236 = arith.andi %ge3A_1232, %lt3A_1235 : vector<16xi1>
    %broadcast_in_dim3A_1237 = vector.broadcast %add3A_5 : i32 to vector<16xi32>
    %select_n3A_1238 = arith.select %and3A_1236, %sub3A_1229, %broadcast_in_dim3A_1237 : vector<16xi1>, vector<16xi32>
    %swap3A_1239 = arith.constant 16 : index
    %swap3A_1240 = tpu.vector_load %arg9[%swap3A_1239] {strides = array<i32>} : memref<64xi32, #tpu.memory_space<vmem>>, vector<16xi32>,
    %swap3A_1241 = vector.shape_cast %swap3A_1240 : vector<16xi32> to vector<16xi32>
    %swap3A_1242 = vector.shape_cast %select_n3A_1238 : vector<16xi32> to vector<16xi32>
    tpu.vector_store %arg9[%swap3A_1239], %swap3A_1242 {strides = array<i32>} : memref<64xi32, #tpu.memory_space<vmem>>, vector<16xi32>,
    %get3A_1243 = arith.constant 672 : index
    %get3A_1244 = tpu.vector_load %arg6[%get3A_1243] {strides = array<i32>} : memref<1024xi32, #tpu.memory_space<vmem>>, vector<16xi32>,
    %get3A_1245 = vector.shape_cast %get3A_1244 : vector<16xi32> to vector<16xi32>
    %swap3A_1246 = arith.constant 32 : index
    %swap3A_1247 = tpu.vector_load %arg7[%swap3A_1246] {strides = array<i32>} : memref<64xi32, #tpu.memory_space<vmem>>, vector<16xi32>,
    %swap3A_1248 = vector.shape_cast %swap3A_1247 : vector<16xi32> to vector<16xi32>
    %swap3A_1249 = vector.shape_cast %get3A_1245 : vector<16xi32> to vector<16xi32>
    tpu.vector_store %arg7[%swap3A_1246], %swap3A_1249 {strides = array<i32>} : memref<64xi32, #tpu.memory_space<vmem>>, vector<16xi32>,
    %sub3A_1250 = vector.broadcast %mul3A_2 : i32 to vector<16xi32>
    %sub3A_1251 = arith.subi %get3A_1245, %sub3A_1250 : vector<16xi32>
    %ge3A_1252 = arith.constant 0 : i32
    %ge3A_1253 = vector.broadcast %ge3A_1252 : i32 to vector<16xi32>
    %ge3A_1254 = arith.cmpi sge, %sub3A_1251, %ge3A_1253 : vector<16xi32>
    %lt3A_1255 = arith.constant 4096 : i32
    %lt3A_1256 = vector.broadcast %lt3A_1255 : i32 to vector<16xi32>
    %lt3A_1257 = arith.cmpi slt, %sub3A_1251, %lt3A_1256 : vector<16xi32>
    %and3A_1258 = arith.andi %ge3A_1254, %lt3A_1257 : vector<16xi1>
    %broadcast_in_dim3A_1259 = vector.broadcast %add3A_5 : i32 to vector<16xi32>
    %select_n3A_1260 = arith.select %and3A_1258, %sub3A_1251, %broadcast_in_dim3A_1259 : vector<16xi1>, vector<16xi32>
    %swap3A_1261 = arith.constant 32 : index
    %swap3A_1262 = tpu.vector_load %arg9[%swap3A_1261] {strides = array<i32>} : memref<64xi32, #tpu.memory_space<vmem>>, vector<16xi32>,
    %swap3A_1263 = vector.shape_cast %swap3A_1262 : vector<16xi32> to vector<16xi32>
    %swap3A_1264 = vector.shape_cast %select_n3A_1260 : vector<16xi32> to vector<16xi32>
    tpu.vector_store %arg9[%swap3A_1261], %swap3A_1264 {strides = array<i32>} : memref<64xi32, #tpu.memory_space<vmem>>, vector<16xi32>,
    %get3A_1265 = arith.constant 688 : index
    %get3A_1266 = tpu.vector_load %arg6[%get3A_1265] {strides = array<i32>} : memref<1024xi32, #tpu.memory_space<vmem>>, vector<16xi32>,
    %get3A_1267 = vector.shape_cast %get3A_1266 : vector<16xi32> to vector<16xi32>
    %swap3A_1268 = arith.constant 48 : index
    %swap3A_1269 = tpu.vector_load %arg7[%swap3A_1268] {strides = array<i32>} : memref<64xi32, #tpu.memory_space<vmem>>, vector<16xi32>,
    %swap3A_1270 = vector.shape_cast %swap3A_1269 : vector<16xi32> to vector<16xi32>
    %swap3A_1271 = vector.shape_cast %get3A_1267 : vector<16xi32> to vector<16xi32>
    tpu.vector_store %arg7[%swap3A_1268], %swap3A_1271 {strides = array<i32>} : memref<64xi32, #tpu.memory_space<vmem>>, vector<16xi32>,
    %sub3A_1272 = vector.broadcast %mul3A_2 : i32 to vector<16xi32>
    %sub3A_1273 = arith.subi %get3A_1267, %sub3A_1272 : vector<16xi32>
    %ge3A_1274 = arith.constant 0 : i32
    %ge3A_1275 = vector.broadcast %ge3A_1274 : i32 to vector<16xi32>
    %ge3A_1276 = arith.cmpi sge, %sub3A_1273, %ge3A_1275 : vector<16xi32>
    %lt3A_1277 = arith.constant 4096 : i32
    %lt3A_1278 = vector.broadcast %lt3A_1277 : i32 to vector<16xi32>
    %lt3A_1279 = arith.cmpi slt, %sub3A_1273, %lt3A_1278 : vector<16xi32>
    %and3A_1280 = arith.andi %ge3A_1276, %lt3A_1279 : vector<16xi1>
    %broadcast_in_dim3A_1281 = vector.broadcast %add3A_5 : i32 to vector<16xi32>
    %select_n3A_1282 = arith.select %and3A_1280, %sub3A_1273, %broadcast_in_dim3A_1281 : vector<16xi1>, vector<16xi32>
    %swap3A_1283 = arith.constant 48 : index
    %swap3A_1284 = tpu.vector_load %arg9[%swap3A_1283] {strides = array<i32>} : memref<64xi32, #tpu.memory_space<vmem>>, vector<16xi32>,
    %swap3A_1285 = vector.shape_cast %swap3A_1284 : vector<16xi32> to vector<16xi32>
    %swap3A_1286 = vector.shape_cast %select_n3A_1282 : vector<16xi32> to vector<16xi32>
    tpu.vector_store %arg9[%swap3A_1283], %swap3A_1286 {strides = array<i32>} : memref<64xi32, #tpu.memory_space<vmem>>, vector<16xi32>,
    %add3A_1287 = arith.constant 640 : i32
    %add3A_1288 = arith.addi %mul3A_4, %add3A_1287 : i32
    %dma_start3A_1289 = tpu.memref_slice %arg2[%add3A_1288, %mul3A_0] : memref<16384x256xf32, #tpu.memory_space<hbm>> -> memref<64x128xf32, #tpu.memory_space<hbm>>
    %dma_start3A_1290 = tpu.memref_slice %arg2[%add3A_1288, %mul3A_0] : memref<16384x256xf32, #tpu.memory_space<hbm>> -> memref<64x128xf32, #tpu.memory_space<hbm>>
    tpu.enqueue_dma source(%dma_start3A_1290 : memref<64x128xf32, #tpu.memory_space<hbm>>) target(%arg11 : memref<64x128xf32, #tpu.memory_space<vmem>>) target_semaphore(%arg16 : memref<!tpu.dma_semaphore, #tpu.memory_space<semaphore_mem>>)
    %dma_wait3A_1291 = tpu.memref_slice %arg2[%add3A_1182, %mul3A_0] : memref<16384x256xf32, #tpu.memory_space<hbm>> -> memref<64x128xf32, #tpu.memory_space<hbm>>
    %dma_wait3A_1292 = tpu.memref_slice %arg2[%add3A_1182, %mul3A_0] : memref<16384x256xf32, #tpu.memory_space<hbm>> -> memref<64x128xf32, #tpu.memory_space<hbm>>
    tpu.wait_dma2 semaphore(%arg17 : memref<!tpu.dma_semaphore, #tpu.memory_space<semaphore_mem>>) src(%dma_wait3A_1292 : memref<64x128xf32, #tpu.memory_space<hbm>>) dst(%arg12 : memref<64x128xf32, #tpu.memory_space<vmem>>)
    %dma_start3A_1293 = arith.constant 0 : i32
    %dma_start3A_1294 = arith.constant 0 : i32
    %dma_start3A_1295 = tpu.memref_slice %arg14[%dma_start3A_1293, %dma_start3A_1294] : memref<8192x128xf32, #tpu.memory_space<vmem_shared>> -> memref<8192x128xf32, #tpu.memory_space<vmem_shared>>
    tpu.enqueue_indirect_dma source(%arg12 : memref<64x128xf32, #tpu.memory_space<vmem>>) target(%dma_start3A_1295 : memref<8192x128xf32, #tpu.memory_space<vmem_shared>>) offsets(%arg8 : memref<64xi32, #tpu.memory_space<vmem>>) semaphore(%arg19 : memref<!tpu.dma_semaphore, #tpu.memory_space<semaphore_mem>>) {add = true}
    %dma_start3A_1296 = arith.constant 0 : i32
    %dma_start3A_1297 = arith.constant 0 : i32
    %dma_start3A_1298 = tpu.memref_slice %arg15[%dma_start3A_1296, %dma_start3A_1297] : memref<4112x128xf32, #tpu.memory_space<vmem_shared>> -> memref<4112x128xf32, #tpu.memory_space<vmem_shared>>
    tpu.enqueue_indirect_dma source(%arg13 : memref<64x128xf32, #tpu.memory_space<vmem>>) target(%dma_start3A_1298 : memref<4112x128xf32, #tpu.memory_space<vmem_shared>>) offsets(%arg10 : memref<64xi32, #tpu.memory_space<vmem>>) semaphore(%arg21 : memref<!tpu.dma_semaphore, #tpu.memory_space<semaphore_mem>>) {add = true}
    %dma_wait3A_1299 = arith.constant 0 : i32
    %dma_wait3A_1300 = arith.constant 0 : i32
    %dma_wait3A_1301 = tpu.memref_slice %arg14[%dma_wait3A_1299, %dma_wait3A_1300] : memref<8192x128xf32, #tpu.memory_space<vmem_shared>> -> memref<8192x128xf32, #tpu.memory_space<vmem_shared>>
    tpu.wait_indirect_dma semaphore(%arg19 : memref<!tpu.dma_semaphore, #tpu.memory_space<semaphore_mem>>) src(%arg12 : memref<64x128xf32, #tpu.memory_space<vmem>>) dst(%dma_wait3A_1301 : memref<8192x128xf32, #tpu.memory_space<vmem_shared>>)
    %dma_wait3A_1302 = arith.constant 0 : i32
    %dma_wait3A_1303 = arith.constant 0 : i32
    %dma_wait3A_1304 = tpu.memref_slice %arg15[%dma_wait3A_1302, %dma_wait3A_1303] : memref<4112x128xf32, #tpu.memory_space<vmem_shared>> -> memref<4112x128xf32, #tpu.memory_space<vmem_shared>>
    tpu.wait_indirect_dma semaphore(%arg21 : memref<!tpu.dma_semaphore, #tpu.memory_space<semaphore_mem>>) src(%arg13 : memref<64x128xf32, #tpu.memory_space<vmem>>) dst(%dma_wait3A_1304 : memref<4112x128xf32, #tpu.memory_space<vmem_shared>>)
    %get3A_1305 = arith.constant 704 : index
    %get3A_1306 = tpu.vector_load %arg6[%get3A_1305] {strides = array<i32>} : memref<1024xi32, #tpu.memory_space<vmem>>, vector<16xi32>,
    %get3A_1307 = vector.shape_cast %get3A_1306 : vector<16xi32> to vector<16xi32>
    %swap3A_1308 = arith.constant 0 : index
    %swap3A_1309 = tpu.vector_load %arg8[%swap3A_1308] {strides = array<i32>} : memref<64xi32, #tpu.memory_space<vmem>>, vector<16xi32>,
    %swap3A_1310 = vector.shape_cast %swap3A_1309 : vector<16xi32> to vector<16xi32>
    %swap3A_1311 = vector.shape_cast %get3A_1307 : vector<16xi32> to vector<16xi32>
    tpu.vector_store %arg8[%swap3A_1308], %swap3A_1311 {strides = array<i32>} : memref<64xi32, #tpu.memory_space<vmem>>, vector<16xi32>,
    %sub3A_1312 = vector.broadcast %mul3A_2 : i32 to vector<16xi32>
    %sub3A_1313 = arith.subi %get3A_1307, %sub3A_1312 : vector<16xi32>
    %ge3A_1314 = arith.constant 0 : i32
    %ge3A_1315 = vector.broadcast %ge3A_1314 : i32 to vector<16xi32>
    %ge3A_1316 = arith.cmpi sge, %sub3A_1313, %ge3A_1315 : vector<16xi32>
    %lt3A_1317 = arith.constant 4096 : i32
    %lt3A_1318 = vector.broadcast %lt3A_1317 : i32 to vector<16xi32>
    %lt3A_1319 = arith.cmpi slt, %sub3A_1313, %lt3A_1318 : vector<16xi32>
    %and3A_1320 = arith.andi %ge3A_1316, %lt3A_1319 : vector<16xi1>
    %broadcast_in_dim3A_1321 = vector.broadcast %add3A_5 : i32 to vector<16xi32>
    %select_n3A_1322 = arith.select %and3A_1320, %sub3A_1313, %broadcast_in_dim3A_1321 : vector<16xi1>, vector<16xi32>
    %swap3A_1323 = arith.constant 0 : index
    %swap3A_1324 = tpu.vector_load %arg10[%swap3A_1323] {strides = array<i32>} : memref<64xi32, #tpu.memory_space<vmem>>, vector<16xi32>,
    %swap3A_1325 = vector.shape_cast %swap3A_1324 : vector<16xi32> to vector<16xi32>
    %swap3A_1326 = vector.shape_cast %select_n3A_1322 : vector<16xi32> to vector<16xi32>
    tpu.vector_store %arg10[%swap3A_1323], %swap3A_1326 {strides = array<i32>} : memref<64xi32, #tpu.memory_space<vmem>>, vector<16xi32>,
    %get3A_1327 = arith.constant 720 : index
    %get3A_1328 = tpu.vector_load %arg6[%get3A_1327] {strides = array<i32>} : memref<1024xi32, #tpu.memory_space<vmem>>, vector<16xi32>,
    %get3A_1329 = vector.shape_cast %get3A_1328 : vector<16xi32> to vector<16xi32>
    %swap3A_1330 = arith.constant 16 : index
    %swap3A_1331 = tpu.vector_load %arg8[%swap3A_1330] {strides = array<i32>} : memref<64xi32, #tpu.memory_space<vmem>>, vector<16xi32>,
    %swap3A_1332 = vector.shape_cast %swap3A_1331 : vector<16xi32> to vector<16xi32>
    %swap3A_1333 = vector.shape_cast %get3A_1329 : vector<16xi32> to vector<16xi32>
    tpu.vector_store %arg8[%swap3A_1330], %swap3A_1333 {strides = array<i32>} : memref<64xi32, #tpu.memory_space<vmem>>, vector<16xi32>,
    %sub3A_1334 = vector.broadcast %mul3A_2 : i32 to vector<16xi32>
    %sub3A_1335 = arith.subi %get3A_1329, %sub3A_1334 : vector<16xi32>
    %ge3A_1336 = arith.constant 0 : i32
    %ge3A_1337 = vector.broadcast %ge3A_1336 : i32 to vector<16xi32>
    %ge3A_1338 = arith.cmpi sge, %sub3A_1335, %ge3A_1337 : vector<16xi32>
    %lt3A_1339 = arith.constant 4096 : i32
    %lt3A_1340 = vector.broadcast %lt3A_1339 : i32 to vector<16xi32>
    %lt3A_1341 = arith.cmpi slt, %sub3A_1335, %lt3A_1340 : vector<16xi32>
    %and3A_1342 = arith.andi %ge3A_1338, %lt3A_1341 : vector<16xi1>
    %broadcast_in_dim3A_1343 = vector.broadcast %add3A_5 : i32 to vector<16xi32>
    %select_n3A_1344 = arith.select %and3A_1342, %sub3A_1335, %broadcast_in_dim3A_1343 : vector<16xi1>, vector<16xi32>
    %swap3A_1345 = arith.constant 16 : index
    %swap3A_1346 = tpu.vector_load %arg10[%swap3A_1345] {strides = array<i32>} : memref<64xi32, #tpu.memory_space<vmem>>, vector<16xi32>,
    %swap3A_1347 = vector.shape_cast %swap3A_1346 : vector<16xi32> to vector<16xi32>
    %swap3A_1348 = vector.shape_cast %select_n3A_1344 : vector<16xi32> to vector<16xi32>
    tpu.vector_store %arg10[%swap3A_1345], %swap3A_1348 {strides = array<i32>} : memref<64xi32, #tpu.memory_space<vmem>>, vector<16xi32>,
    %get3A_1349 = arith.constant 736 : index
    %get3A_1350 = tpu.vector_load %arg6[%get3A_1349] {strides = array<i32>} : memref<1024xi32, #tpu.memory_space<vmem>>, vector<16xi32>,
    %get3A_1351 = vector.shape_cast %get3A_1350 : vector<16xi32> to vector<16xi32>
    %swap3A_1352 = arith.constant 32 : index
    %swap3A_1353 = tpu.vector_load %arg8[%swap3A_1352] {strides = array<i32>} : memref<64xi32, #tpu.memory_space<vmem>>, vector<16xi32>,
    %swap3A_1354 = vector.shape_cast %swap3A_1353 : vector<16xi32> to vector<16xi32>
    %swap3A_1355 = vector.shape_cast %get3A_1351 : vector<16xi32> to vector<16xi32>
    tpu.vector_store %arg8[%swap3A_1352], %swap3A_1355 {strides = array<i32>} : memref<64xi32, #tpu.memory_space<vmem>>, vector<16xi32>,
    %sub3A_1356 = vector.broadcast %mul3A_2 : i32 to vector<16xi32>
    %sub3A_1357 = arith.subi %get3A_1351, %sub3A_1356 : vector<16xi32>
    %ge3A_1358 = arith.constant 0 : i32
    %ge3A_1359 = vector.broadcast %ge3A_1358 : i32 to vector<16xi32>
    %ge3A_1360 = arith.cmpi sge, %sub3A_1357, %ge3A_1359 : vector<16xi32>
    %lt3A_1361 = arith.constant 4096 : i32
    %lt3A_1362 = vector.broadcast %lt3A_1361 : i32 to vector<16xi32>
    %lt3A_1363 = arith.cmpi slt, %sub3A_1357, %lt3A_1362 : vector<16xi32>
    %and3A_1364 = arith.andi %ge3A_1360, %lt3A_1363 : vector<16xi1>
    %broadcast_in_dim3A_1365 = vector.broadcast %add3A_5 : i32 to vector<16xi32>
    %select_n3A_1366 = arith.select %and3A_1364, %sub3A_1357, %broadcast_in_dim3A_1365 : vector<16xi1>, vector<16xi32>
    %swap3A_1367 = arith.constant 32 : index
    %swap3A_1368 = tpu.vector_load %arg10[%swap3A_1367] {strides = array<i32>} : memref<64xi32, #tpu.memory_space<vmem>>, vector<16xi32>,
    %swap3A_1369 = vector.shape_cast %swap3A_1368 : vector<16xi32> to vector<16xi32>
    %swap3A_1370 = vector.shape_cast %select_n3A_1366 : vector<16xi32> to vector<16xi32>
    tpu.vector_store %arg10[%swap3A_1367], %swap3A_1370 {strides = array<i32>} : memref<64xi32, #tpu.memory_space<vmem>>, vector<16xi32>,
    %get3A_1371 = arith.constant 752 : index
    %get3A_1372 = tpu.vector_load %arg6[%get3A_1371] {strides = array<i32>} : memref<1024xi32, #tpu.memory_space<vmem>>, vector<16xi32>,
    %get3A_1373 = vector.shape_cast %get3A_1372 : vector<16xi32> to vector<16xi32>
    %swap3A_1374 = arith.constant 48 : index
    %swap3A_1375 = tpu.vector_load %arg8[%swap3A_1374] {strides = array<i32>} : memref<64xi32, #tpu.memory_space<vmem>>, vector<16xi32>,
    %swap3A_1376 = vector.shape_cast %swap3A_1375 : vector<16xi32> to vector<16xi32>
    %swap3A_1377 = vector.shape_cast %get3A_1373 : vector<16xi32> to vector<16xi32>
    tpu.vector_store %arg8[%swap3A_1374], %swap3A_1377 {strides = array<i32>} : memref<64xi32, #tpu.memory_space<vmem>>, vector<16xi32>,
    %sub3A_1378 = vector.broadcast %mul3A_2 : i32 to vector<16xi32>
    %sub3A_1379 = arith.subi %get3A_1373, %sub3A_1378 : vector<16xi32>
    %ge3A_1380 = arith.constant 0 : i32
    %ge3A_1381 = vector.broadcast %ge3A_1380 : i32 to vector<16xi32>
    %ge3A_1382 = arith.cmpi sge, %sub3A_1379, %ge3A_1381 : vector<16xi32>
    %lt3A_1383 = arith.constant 4096 : i32
    %lt3A_1384 = vector.broadcast %lt3A_1383 : i32 to vector<16xi32>
    %lt3A_1385 = arith.cmpi slt, %sub3A_1379, %lt3A_1384 : vector<16xi32>
    %and3A_1386 = arith.andi %ge3A_1382, %lt3A_1385 : vector<16xi1>
    %broadcast_in_dim3A_1387 = vector.broadcast %add3A_5 : i32 to vector<16xi32>
    %select_n3A_1388 = arith.select %and3A_1386, %sub3A_1379, %broadcast_in_dim3A_1387 : vector<16xi1>, vector<16xi32>
    %swap3A_1389 = arith.constant 48 : index
    %swap3A_1390 = tpu.vector_load %arg10[%swap3A_1389] {strides = array<i32>} : memref<64xi32, #tpu.memory_space<vmem>>, vector<16xi32>,
    %swap3A_1391 = vector.shape_cast %swap3A_1390 : vector<16xi32> to vector<16xi32>
    %swap3A_1392 = vector.shape_cast %select_n3A_1388 : vector<16xi32> to vector<16xi32>
    tpu.vector_store %arg10[%swap3A_1389], %swap3A_1392 {strides = array<i32>} : memref<64xi32, #tpu.memory_space<vmem>>, vector<16xi32>,
    %add3A_1393 = arith.constant 704 : i32
    %add3A_1394 = arith.addi %mul3A_4, %add3A_1393 : i32
    %dma_start3A_1395 = tpu.memref_slice %arg2[%add3A_1394, %mul3A_0] : memref<16384x256xf32, #tpu.memory_space<hbm>> -> memref<64x128xf32, #tpu.memory_space<hbm>>
    %dma_start3A_1396 = tpu.memref_slice %arg2[%add3A_1394, %mul3A_0] : memref<16384x256xf32, #tpu.memory_space<hbm>> -> memref<64x128xf32, #tpu.memory_space<hbm>>
    tpu.enqueue_dma source(%dma_start3A_1396 : memref<64x128xf32, #tpu.memory_space<hbm>>) target(%arg12 : memref<64x128xf32, #tpu.memory_space<vmem>>) target_semaphore(%arg17 : memref<!tpu.dma_semaphore, #tpu.memory_space<semaphore_mem>>)
    %dma_wait3A_1397 = tpu.memref_slice %arg2[%add3A_1288, %mul3A_0] : memref<16384x256xf32, #tpu.memory_space<hbm>> -> memref<64x128xf32, #tpu.memory_space<hbm>>
    %dma_wait3A_1398 = tpu.memref_slice %arg2[%add3A_1288, %mul3A_0] : memref<16384x256xf32, #tpu.memory_space<hbm>> -> memref<64x128xf32, #tpu.memory_space<hbm>>
    tpu.wait_dma2 semaphore(%arg16 : memref<!tpu.dma_semaphore, #tpu.memory_space<semaphore_mem>>) src(%dma_wait3A_1398 : memref<64x128xf32, #tpu.memory_space<hbm>>) dst(%arg11 : memref<64x128xf32, #tpu.memory_space<vmem>>)
    %dma_start3A_1399 = arith.constant 0 : i32
    %dma_start3A_1400 = arith.constant 0 : i32
    %dma_start3A_1401 = tpu.memref_slice %arg14[%dma_start3A_1399, %dma_start3A_1400] : memref<8192x128xf32, #tpu.memory_space<vmem_shared>> -> memref<8192x128xf32, #tpu.memory_space<vmem_shared>>
    tpu.enqueue_indirect_dma source(%arg11 : memref<64x128xf32, #tpu.memory_space<vmem>>) target(%dma_start3A_1401 : memref<8192x128xf32, #tpu.memory_space<vmem_shared>>) offsets(%arg7 : memref<64xi32, #tpu.memory_space<vmem>>) semaphore(%arg18 : memref<!tpu.dma_semaphore, #tpu.memory_space<semaphore_mem>>) {add = true}
    %dma_start3A_1402 = arith.constant 0 : i32
    %dma_start3A_1403 = arith.constant 0 : i32
    %dma_start3A_1404 = tpu.memref_slice %arg15[%dma_start3A_1402, %dma_start3A_1403] : memref<4112x128xf32, #tpu.memory_space<vmem_shared>> -> memref<4112x128xf32, #tpu.memory_space<vmem_shared>>
    tpu.enqueue_indirect_dma source(%arg13 : memref<64x128xf32, #tpu.memory_space<vmem>>) target(%dma_start3A_1404 : memref<4112x128xf32, #tpu.memory_space<vmem_shared>>) offsets(%arg9 : memref<64xi32, #tpu.memory_space<vmem>>) semaphore(%arg20 : memref<!tpu.dma_semaphore, #tpu.memory_space<semaphore_mem>>) {add = true}
    %dma_wait3A_1405 = arith.constant 0 : i32
    %dma_wait3A_1406 = arith.constant 0 : i32
    %dma_wait3A_1407 = tpu.memref_slice %arg14[%dma_wait3A_1405, %dma_wait3A_1406] : memref<8192x128xf32, #tpu.memory_space<vmem_shared>> -> memref<8192x128xf32, #tpu.memory_space<vmem_shared>>
    tpu.wait_indirect_dma semaphore(%arg18 : memref<!tpu.dma_semaphore, #tpu.memory_space<semaphore_mem>>) src(%arg11 : memref<64x128xf32, #tpu.memory_space<vmem>>) dst(%dma_wait3A_1407 : memref<8192x128xf32, #tpu.memory_space<vmem_shared>>)
    %dma_wait3A_1408 = arith.constant 0 : i32
    %dma_wait3A_1409 = arith.constant 0 : i32
    %dma_wait3A_1410 = tpu.memref_slice %arg15[%dma_wait3A_1408, %dma_wait3A_1409] : memref<4112x128xf32, #tpu.memory_space<vmem_shared>> -> memref<4112x128xf32, #tpu.memory_space<vmem_shared>>
    tpu.wait_indirect_dma semaphore(%arg20 : memref<!tpu.dma_semaphore, #tpu.memory_space<semaphore_mem>>) src(%arg13 : memref<64x128xf32, #tpu.memory_space<vmem>>) dst(%dma_wait3A_1410 : memref<4112x128xf32, #tpu.memory_space<vmem_shared>>)
    %get3A_1411 = arith.constant 768 : index
    %get3A_1412 = tpu.vector_load %arg6[%get3A_1411] {strides = array<i32>} : memref<1024xi32, #tpu.memory_space<vmem>>, vector<16xi32>,
    %get3A_1413 = vector.shape_cast %get3A_1412 : vector<16xi32> to vector<16xi32>
    %swap3A_1414 = arith.constant 0 : index
    %swap3A_1415 = tpu.vector_load %arg7[%swap3A_1414] {strides = array<i32>} : memref<64xi32, #tpu.memory_space<vmem>>, vector<16xi32>,
    %swap3A_1416 = vector.shape_cast %swap3A_1415 : vector<16xi32> to vector<16xi32>
    %swap3A_1417 = vector.shape_cast %get3A_1413 : vector<16xi32> to vector<16xi32>
    tpu.vector_store %arg7[%swap3A_1414], %swap3A_1417 {strides = array<i32>} : memref<64xi32, #tpu.memory_space<vmem>>, vector<16xi32>,
    %sub3A_1418 = vector.broadcast %mul3A_2 : i32 to vector<16xi32>
    %sub3A_1419 = arith.subi %get3A_1413, %sub3A_1418 : vector<16xi32>
    %ge3A_1420 = arith.constant 0 : i32
    %ge3A_1421 = vector.broadcast %ge3A_1420 : i32 to vector<16xi32>
    %ge3A_1422 = arith.cmpi sge, %sub3A_1419, %ge3A_1421 : vector<16xi32>
    %lt3A_1423 = arith.constant 4096 : i32
    %lt3A_1424 = vector.broadcast %lt3A_1423 : i32 to vector<16xi32>
    %lt3A_1425 = arith.cmpi slt, %sub3A_1419, %lt3A_1424 : vector<16xi32>
    %and3A_1426 = arith.andi %ge3A_1422, %lt3A_1425 : vector<16xi1>
    %broadcast_in_dim3A_1427 = vector.broadcast %add3A_5 : i32 to vector<16xi32>
    %select_n3A_1428 = arith.select %and3A_1426, %sub3A_1419, %broadcast_in_dim3A_1427 : vector<16xi1>, vector<16xi32>
    %swap3A_1429 = arith.constant 0 : index
    %swap3A_1430 = tpu.vector_load %arg9[%swap3A_1429] {strides = array<i32>} : memref<64xi32, #tpu.memory_space<vmem>>, vector<16xi32>,
    %swap3A_1431 = vector.shape_cast %swap3A_1430 : vector<16xi32> to vector<16xi32>
    %swap3A_1432 = vector.shape_cast %select_n3A_1428 : vector<16xi32> to vector<16xi32>
    tpu.vector_store %arg9[%swap3A_1429], %swap3A_1432 {strides = array<i32>} : memref<64xi32, #tpu.memory_space<vmem>>, vector<16xi32>,
    %get3A_1433 = arith.constant 784 : index
    %get3A_1434 = tpu.vector_load %arg6[%get3A_1433] {strides = array<i32>} : memref<1024xi32, #tpu.memory_space<vmem>>, vector<16xi32>,
    %get3A_1435 = vector.shape_cast %get3A_1434 : vector<16xi32> to vector<16xi32>
    %swap3A_1436 = arith.constant 16 : index
    %swap3A_1437 = tpu.vector_load %arg7[%swap3A_1436] {strides = array<i32>} : memref<64xi32, #tpu.memory_space<vmem>>, vector<16xi32>,
    %swap3A_1438 = vector.shape_cast %swap3A_1437 : vector<16xi32> to vector<16xi32>
    %swap3A_1439 = vector.shape_cast %get3A_1435 : vector<16xi32> to vector<16xi32>
    tpu.vector_store %arg7[%swap3A_1436], %swap3A_1439 {strides = array<i32>} : memref<64xi32, #tpu.memory_space<vmem>>, vector<16xi32>,
    %sub3A_1440 = vector.broadcast %mul3A_2 : i32 to vector<16xi32>
    %sub3A_1441 = arith.subi %get3A_1435, %sub3A_1440 : vector<16xi32>
    %ge3A_1442 = arith.constant 0 : i32
    %ge3A_1443 = vector.broadcast %ge3A_1442 : i32 to vector<16xi32>
    %ge3A_1444 = arith.cmpi sge, %sub3A_1441, %ge3A_1443 : vector<16xi32>
    %lt3A_1445 = arith.constant 4096 : i32
    %lt3A_1446 = vector.broadcast %lt3A_1445 : i32 to vector<16xi32>
    %lt3A_1447 = arith.cmpi slt, %sub3A_1441, %lt3A_1446 : vector<16xi32>
    %and3A_1448 = arith.andi %ge3A_1444, %lt3A_1447 : vector<16xi1>
    %broadcast_in_dim3A_1449 = vector.broadcast %add3A_5 : i32 to vector<16xi32>
    %select_n3A_1450 = arith.select %and3A_1448, %sub3A_1441, %broadcast_in_dim3A_1449 : vector<16xi1>, vector<16xi32>
    %swap3A_1451 = arith.constant 16 : index
    %swap3A_1452 = tpu.vector_load %arg9[%swap3A_1451] {strides = array<i32>} : memref<64xi32, #tpu.memory_space<vmem>>, vector<16xi32>,
    %swap3A_1453 = vector.shape_cast %swap3A_1452 : vector<16xi32> to vector<16xi32>
    %swap3A_1454 = vector.shape_cast %select_n3A_1450 : vector<16xi32> to vector<16xi32>
    tpu.vector_store %arg9[%swap3A_1451], %swap3A_1454 {strides = array<i32>} : memref<64xi32, #tpu.memory_space<vmem>>, vector<16xi32>,
    %get3A_1455 = arith.constant 800 : index
    %get3A_1456 = tpu.vector_load %arg6[%get3A_1455] {strides = array<i32>} : memref<1024xi32, #tpu.memory_space<vmem>>, vector<16xi32>,
    %get3A_1457 = vector.shape_cast %get3A_1456 : vector<16xi32> to vector<16xi32>
    %swap3A_1458 = arith.constant 32 : index
    %swap3A_1459 = tpu.vector_load %arg7[%swap3A_1458] {strides = array<i32>} : memref<64xi32, #tpu.memory_space<vmem>>, vector<16xi32>,
    %swap3A_1460 = vector.shape_cast %swap3A_1459 : vector<16xi32> to vector<16xi32>
    %swap3A_1461 = vector.shape_cast %get3A_1457 : vector<16xi32> to vector<16xi32>
    tpu.vector_store %arg7[%swap3A_1458], %swap3A_1461 {strides = array<i32>} : memref<64xi32, #tpu.memory_space<vmem>>, vector<16xi32>,
    %sub3A_1462 = vector.broadcast %mul3A_2 : i32 to vector<16xi32>
    %sub3A_1463 = arith.subi %get3A_1457, %sub3A_1462 : vector<16xi32>
    %ge3A_1464 = arith.constant 0 : i32
    %ge3A_1465 = vector.broadcast %ge3A_1464 : i32 to vector<16xi32>
    %ge3A_1466 = arith.cmpi sge, %sub3A_1463, %ge3A_1465 : vector<16xi32>
    %lt3A_1467 = arith.constant 4096 : i32
    %lt3A_1468 = vector.broadcast %lt3A_1467 : i32 to vector<16xi32>
    %lt3A_1469 = arith.cmpi slt, %sub3A_1463, %lt3A_1468 : vector<16xi32>
    %and3A_1470 = arith.andi %ge3A_1466, %lt3A_1469 : vector<16xi1>
    %broadcast_in_dim3A_1471 = vector.broadcast %add3A_5 : i32 to vector<16xi32>
    %select_n3A_1472 = arith.select %and3A_1470, %sub3A_1463, %broadcast_in_dim3A_1471 : vector<16xi1>, vector<16xi32>
    %swap3A_1473 = arith.constant 32 : index
    %swap3A_1474 = tpu.vector_load %arg9[%swap3A_1473] {strides = array<i32>} : memref<64xi32, #tpu.memory_space<vmem>>, vector<16xi32>,
    %swap3A_1475 = vector.shape_cast %swap3A_1474 : vector<16xi32> to vector<16xi32>
    %swap3A_1476 = vector.shape_cast %select_n3A_1472 : vector<16xi32> to vector<16xi32>
    tpu.vector_store %arg9[%swap3A_1473], %swap3A_1476 {strides = array<i32>} : memref<64xi32, #tpu.memory_space<vmem>>, vector<16xi32>,
    %get3A_1477 = arith.constant 816 : index
    %get3A_1478 = tpu.vector_load %arg6[%get3A_1477] {strides = array<i32>} : memref<1024xi32, #tpu.memory_space<vmem>>, vector<16xi32>,
    %get3A_1479 = vector.shape_cast %get3A_1478 : vector<16xi32> to vector<16xi32>
    %swap3A_1480 = arith.constant 48 : index
    %swap3A_1481 = tpu.vector_load %arg7[%swap3A_1480] {strides = array<i32>} : memref<64xi32, #tpu.memory_space<vmem>>, vector<16xi32>,
    %swap3A_1482 = vector.shape_cast %swap3A_1481 : vector<16xi32> to vector<16xi32>
    %swap3A_1483 = vector.shape_cast %get3A_1479 : vector<16xi32> to vector<16xi32>
    tpu.vector_store %arg7[%swap3A_1480], %swap3A_1483 {strides = array<i32>} : memref<64xi32, #tpu.memory_space<vmem>>, vector<16xi32>,
    %sub3A_1484 = vector.broadcast %mul3A_2 : i32 to vector<16xi32>
    %sub3A_1485 = arith.subi %get3A_1479, %sub3A_1484 : vector<16xi32>
    %ge3A_1486 = arith.constant 0 : i32
    %ge3A_1487 = vector.broadcast %ge3A_1486 : i32 to vector<16xi32>
    %ge3A_1488 = arith.cmpi sge, %sub3A_1485, %ge3A_1487 : vector<16xi32>
    %lt3A_1489 = arith.constant 4096 : i32
    %lt3A_1490 = vector.broadcast %lt3A_1489 : i32 to vector<16xi32>
    %lt3A_1491 = arith.cmpi slt, %sub3A_1485, %lt3A_1490 : vector<16xi32>
    %and3A_1492 = arith.andi %ge3A_1488, %lt3A_1491 : vector<16xi1>
    %broadcast_in_dim3A_1493 = vector.broadcast %add3A_5 : i32 to vector<16xi32>
    %select_n3A_1494 = arith.select %and3A_1492, %sub3A_1485, %broadcast_in_dim3A_1493 : vector<16xi1>, vector<16xi32>
    %swap3A_1495 = arith.constant 48 : index
    %swap3A_1496 = tpu.vector_load %arg9[%swap3A_1495] {strides = array<i32>} : memref<64xi32, #tpu.memory_space<vmem>>, vector<16xi32>,
    %swap3A_1497 = vector.shape_cast %swap3A_1496 : vector<16xi32> to vector<16xi32>
    %swap3A_1498 = vector.shape_cast %select_n3A_1494 : vector<16xi32> to vector<16xi32>
    tpu.vector_store %arg9[%swap3A_1495], %swap3A_1498 {strides = array<i32>} : memref<64xi32, #tpu.memory_space<vmem>>, vector<16xi32>,
    %add3A_1499 = arith.constant 768 : i32
    %add3A_1500 = arith.addi %mul3A_4, %add3A_1499 : i32
    %dma_start3A_1501 = tpu.memref_slice %arg2[%add3A_1500, %mul3A_0] : memref<16384x256xf32, #tpu.memory_space<hbm>> -> memref<64x128xf32, #tpu.memory_space<hbm>>
    %dma_start3A_1502 = tpu.memref_slice %arg2[%add3A_1500, %mul3A_0] : memref<16384x256xf32, #tpu.memory_space<hbm>> -> memref<64x128xf32, #tpu.memory_space<hbm>>
    tpu.enqueue_dma source(%dma_start3A_1502 : memref<64x128xf32, #tpu.memory_space<hbm>>) target(%arg11 : memref<64x128xf32, #tpu.memory_space<vmem>>) target_semaphore(%arg16 : memref<!tpu.dma_semaphore, #tpu.memory_space<semaphore_mem>>)
    %dma_wait3A_1503 = tpu.memref_slice %arg2[%add3A_1394, %mul3A_0] : memref<16384x256xf32, #tpu.memory_space<hbm>> -> memref<64x128xf32, #tpu.memory_space<hbm>>
    %dma_wait3A_1504 = tpu.memref_slice %arg2[%add3A_1394, %mul3A_0] : memref<16384x256xf32, #tpu.memory_space<hbm>> -> memref<64x128xf32, #tpu.memory_space<hbm>>
    tpu.wait_dma2 semaphore(%arg17 : memref<!tpu.dma_semaphore, #tpu.memory_space<semaphore_mem>>) src(%dma_wait3A_1504 : memref<64x128xf32, #tpu.memory_space<hbm>>) dst(%arg12 : memref<64x128xf32, #tpu.memory_space<vmem>>)
    %dma_start3A_1505 = arith.constant 0 : i32
    %dma_start3A_1506 = arith.constant 0 : i32
    %dma_start3A_1507 = tpu.memref_slice %arg14[%dma_start3A_1505, %dma_start3A_1506] : memref<8192x128xf32, #tpu.memory_space<vmem_shared>> -> memref<8192x128xf32, #tpu.memory_space<vmem_shared>>
    tpu.enqueue_indirect_dma source(%arg12 : memref<64x128xf32, #tpu.memory_space<vmem>>) target(%dma_start3A_1507 : memref<8192x128xf32, #tpu.memory_space<vmem_shared>>) offsets(%arg8 : memref<64xi32, #tpu.memory_space<vmem>>) semaphore(%arg19 : memref<!tpu.dma_semaphore, #tpu.memory_space<semaphore_mem>>) {add = true}
    %dma_start3A_1508 = arith.constant 0 : i32
    %dma_start3A_1509 = arith.constant 0 : i32
    %dma_start3A_1510 = tpu.memref_slice %arg15[%dma_start3A_1508, %dma_start3A_1509] : memref<4112x128xf32, #tpu.memory_space<vmem_shared>> -> memref<4112x128xf32, #tpu.memory_space<vmem_shared>>
    tpu.enqueue_indirect_dma source(%arg13 : memref<64x128xf32, #tpu.memory_space<vmem>>) target(%dma_start3A_1510 : memref<4112x128xf32, #tpu.memory_space<vmem_shared>>) offsets(%arg10 : memref<64xi32, #tpu.memory_space<vmem>>) semaphore(%arg21 : memref<!tpu.dma_semaphore, #tpu.memory_space<semaphore_mem>>) {add = true}
    %dma_wait3A_1511 = arith.constant 0 : i32
    %dma_wait3A_1512 = arith.constant 0 : i32
    %dma_wait3A_1513 = tpu.memref_slice %arg14[%dma_wait3A_1511, %dma_wait3A_1512] : memref<8192x128xf32, #tpu.memory_space<vmem_shared>> -> memref<8192x128xf32, #tpu.memory_space<vmem_shared>>
    tpu.wait_indirect_dma semaphore(%arg19 : memref<!tpu.dma_semaphore, #tpu.memory_space<semaphore_mem>>) src(%arg12 : memref<64x128xf32, #tpu.memory_space<vmem>>) dst(%dma_wait3A_1513 : memref<8192x128xf32, #tpu.memory_space<vmem_shared>>)
    %dma_wait3A_1514 = arith.constant 0 : i32
    %dma_wait3A_1515 = arith.constant 0 : i32
    %dma_wait3A_1516 = tpu.memref_slice %arg15[%dma_wait3A_1514, %dma_wait3A_1515] : memref<4112x128xf32, #tpu.memory_space<vmem_shared>> -> memref<4112x128xf32, #tpu.memory_space<vmem_shared>>
    tpu.wait_indirect_dma semaphore(%arg21 : memref<!tpu.dma_semaphore, #tpu.memory_space<semaphore_mem>>) src(%arg13 : memref<64x128xf32, #tpu.memory_space<vmem>>) dst(%dma_wait3A_1516 : memref<4112x128xf32, #tpu.memory_space<vmem_shared>>)
    %get3A_1517 = arith.constant 832 : index
    %get3A_1518 = tpu.vector_load %arg6[%get3A_1517] {strides = array<i32>} : memref<1024xi32, #tpu.memory_space<vmem>>, vector<16xi32>,
    %get3A_1519 = vector.shape_cast %get3A_1518 : vector<16xi32> to vector<16xi32>
    %swap3A_1520 = arith.constant 0 : index
    %swap3A_1521 = tpu.vector_load %arg8[%swap3A_1520] {strides = array<i32>} : memref<64xi32, #tpu.memory_space<vmem>>, vector<16xi32>,
    %swap3A_1522 = vector.shape_cast %swap3A_1521 : vector<16xi32> to vector<16xi32>
    %swap3A_1523 = vector.shape_cast %get3A_1519 : vector<16xi32> to vector<16xi32>
    tpu.vector_store %arg8[%swap3A_1520], %swap3A_1523 {strides = array<i32>} : memref<64xi32, #tpu.memory_space<vmem>>, vector<16xi32>,
    %sub3A_1524 = vector.broadcast %mul3A_2 : i32 to vector<16xi32>
    %sub3A_1525 = arith.subi %get3A_1519, %sub3A_1524 : vector<16xi32>
    %ge3A_1526 = arith.constant 0 : i32
    %ge3A_1527 = vector.broadcast %ge3A_1526 : i32 to vector<16xi32>
    %ge3A_1528 = arith.cmpi sge, %sub3A_1525, %ge3A_1527 : vector<16xi32>
    %lt3A_1529 = arith.constant 4096 : i32
    %lt3A_1530 = vector.broadcast %lt3A_1529 : i32 to vector<16xi32>
    %lt3A_1531 = arith.cmpi slt, %sub3A_1525, %lt3A_1530 : vector<16xi32>
    %and3A_1532 = arith.andi %ge3A_1528, %lt3A_1531 : vector<16xi1>
    %broadcast_in_dim3A_1533 = vector.broadcast %add3A_5 : i32 to vector<16xi32>
    %select_n3A_1534 = arith.select %and3A_1532, %sub3A_1525, %broadcast_in_dim3A_1533 : vector<16xi1>, vector<16xi32>
    %swap3A_1535 = arith.constant 0 : index
    %swap3A_1536 = tpu.vector_load %arg10[%swap3A_1535] {strides = array<i32>} : memref<64xi32, #tpu.memory_space<vmem>>, vector<16xi32>,
    %swap3A_1537 = vector.shape_cast %swap3A_1536 : vector<16xi32> to vector<16xi32>
    %swap3A_1538 = vector.shape_cast %select_n3A_1534 : vector<16xi32> to vector<16xi32>
    tpu.vector_store %arg10[%swap3A_1535], %swap3A_1538 {strides = array<i32>} : memref<64xi32, #tpu.memory_space<vmem>>, vector<16xi32>,
    %get3A_1539 = arith.constant 848 : index
    %get3A_1540 = tpu.vector_load %arg6[%get3A_1539] {strides = array<i32>} : memref<1024xi32, #tpu.memory_space<vmem>>, vector<16xi32>,
    %get3A_1541 = vector.shape_cast %get3A_1540 : vector<16xi32> to vector<16xi32>
    %swap3A_1542 = arith.constant 16 : index
    %swap3A_1543 = tpu.vector_load %arg8[%swap3A_1542] {strides = array<i32>} : memref<64xi32, #tpu.memory_space<vmem>>, vector<16xi32>,
    %swap3A_1544 = vector.shape_cast %swap3A_1543 : vector<16xi32> to vector<16xi32>
    %swap3A_1545 = vector.shape_cast %get3A_1541 : vector<16xi32> to vector<16xi32>
    tpu.vector_store %arg8[%swap3A_1542], %swap3A_1545 {strides = array<i32>} : memref<64xi32, #tpu.memory_space<vmem>>, vector<16xi32>,
    %sub3A_1546 = vector.broadcast %mul3A_2 : i32 to vector<16xi32>
    %sub3A_1547 = arith.subi %get3A_1541, %sub3A_1546 : vector<16xi32>
    %ge3A_1548 = arith.constant 0 : i32
    %ge3A_1549 = vector.broadcast %ge3A_1548 : i32 to vector<16xi32>
    %ge3A_1550 = arith.cmpi sge, %sub3A_1547, %ge3A_1549 : vector<16xi32>
    %lt3A_1551 = arith.constant 4096 : i32
    %lt3A_1552 = vector.broadcast %lt3A_1551 : i32 to vector<16xi32>
    %lt3A_1553 = arith.cmpi slt, %sub3A_1547, %lt3A_1552 : vector<16xi32>
    %and3A_1554 = arith.andi %ge3A_1550, %lt3A_1553 : vector<16xi1>
    %broadcast_in_dim3A_1555 = vector.broadcast %add3A_5 : i32 to vector<16xi32>
    %select_n3A_1556 = arith.select %and3A_1554, %sub3A_1547, %broadcast_in_dim3A_1555 : vector<16xi1>, vector<16xi32>
    %swap3A_1557 = arith.constant 16 : index
    %swap3A_1558 = tpu.vector_load %arg10[%swap3A_1557] {strides = array<i32>} : memref<64xi32, #tpu.memory_space<vmem>>, vector<16xi32>,
    %swap3A_1559 = vector.shape_cast %swap3A_1558 : vector<16xi32> to vector<16xi32>
    %swap3A_1560 = vector.shape_cast %select_n3A_1556 : vector<16xi32> to vector<16xi32>
    tpu.vector_store %arg10[%swap3A_1557], %swap3A_1560 {strides = array<i32>} : memref<64xi32, #tpu.memory_space<vmem>>, vector<16xi32>,
    %get3A_1561 = arith.constant 864 : index
    %get3A_1562 = tpu.vector_load %arg6[%get3A_1561] {strides = array<i32>} : memref<1024xi32, #tpu.memory_space<vmem>>, vector<16xi32>,
    %get3A_1563 = vector.shape_cast %get3A_1562 : vector<16xi32> to vector<16xi32>
    %swap3A_1564 = arith.constant 32 : index
    %swap3A_1565 = tpu.vector_load %arg8[%swap3A_1564] {strides = array<i32>} : memref<64xi32, #tpu.memory_space<vmem>>, vector<16xi32>,
    %swap3A_1566 = vector.shape_cast %swap3A_1565 : vector<16xi32> to vector<16xi32>
    %swap3A_1567 = vector.shape_cast %get3A_1563 : vector<16xi32> to vector<16xi32>
    tpu.vector_store %arg8[%swap3A_1564], %swap3A_1567 {strides = array<i32>} : memref<64xi32, #tpu.memory_space<vmem>>, vector<16xi32>,
    %sub3A_1568 = vector.broadcast %mul3A_2 : i32 to vector<16xi32>
    %sub3A_1569 = arith.subi %get3A_1563, %sub3A_1568 : vector<16xi32>
    %ge3A_1570 = arith.constant 0 : i32
    %ge3A_1571 = vector.broadcast %ge3A_1570 : i32 to vector<16xi32>
    %ge3A_1572 = arith.cmpi sge, %sub3A_1569, %ge3A_1571 : vector<16xi32>
    %lt3A_1573 = arith.constant 4096 : i32
    %lt3A_1574 = vector.broadcast %lt3A_1573 : i32 to vector<16xi32>
    %lt3A_1575 = arith.cmpi slt, %sub3A_1569, %lt3A_1574 : vector<16xi32>
    %and3A_1576 = arith.andi %ge3A_1572, %lt3A_1575 : vector<16xi1>
    %broadcast_in_dim3A_1577 = vector.broadcast %add3A_5 : i32 to vector<16xi32>
    %select_n3A_1578 = arith.select %and3A_1576, %sub3A_1569, %broadcast_in_dim3A_1577 : vector<16xi1>, vector<16xi32>
    %swap3A_1579 = arith.constant 32 : index
    %swap3A_1580 = tpu.vector_load %arg10[%swap3A_1579] {strides = array<i32>} : memref<64xi32, #tpu.memory_space<vmem>>, vector<16xi32>,
    %swap3A_1581 = vector.shape_cast %swap3A_1580 : vector<16xi32> to vector<16xi32>
    %swap3A_1582 = vector.shape_cast %select_n3A_1578 : vector<16xi32> to vector<16xi32>
    tpu.vector_store %arg10[%swap3A_1579], %swap3A_1582 {strides = array<i32>} : memref<64xi32, #tpu.memory_space<vmem>>, vector<16xi32>,
    %get3A_1583 = arith.constant 880 : index
    %get3A_1584 = tpu.vector_load %arg6[%get3A_1583] {strides = array<i32>} : memref<1024xi32, #tpu.memory_space<vmem>>, vector<16xi32>,
    %get3A_1585 = vector.shape_cast %get3A_1584 : vector<16xi32> to vector<16xi32>
    %swap3A_1586 = arith.constant 48 : index
    %swap3A_1587 = tpu.vector_load %arg8[%swap3A_1586] {strides = array<i32>} : memref<64xi32, #tpu.memory_space<vmem>>, vector<16xi32>,
    %swap3A_1588 = vector.shape_cast %swap3A_1587 : vector<16xi32> to vector<16xi32>
    %swap3A_1589 = vector.shape_cast %get3A_1585 : vector<16xi32> to vector<16xi32>
    tpu.vector_store %arg8[%swap3A_1586], %swap3A_1589 {strides = array<i32>} : memref<64xi32, #tpu.memory_space<vmem>>, vector<16xi32>,
    %sub3A_1590 = vector.broadcast %mul3A_2 : i32 to vector<16xi32>
    %sub3A_1591 = arith.subi %get3A_1585, %sub3A_1590 : vector<16xi32>
    %ge3A_1592 = arith.constant 0 : i32
    %ge3A_1593 = vector.broadcast %ge3A_1592 : i32 to vector<16xi32>
    %ge3A_1594 = arith.cmpi sge, %sub3A_1591, %ge3A_1593 : vector<16xi32>
    %lt3A_1595 = arith.constant 4096 : i32
    %lt3A_1596 = vector.broadcast %lt3A_1595 : i32 to vector<16xi32>
    %lt3A_1597 = arith.cmpi slt, %sub3A_1591, %lt3A_1596 : vector<16xi32>
    %and3A_1598 = arith.andi %ge3A_1594, %lt3A_1597 : vector<16xi1>
    %broadcast_in_dim3A_1599 = vector.broadcast %add3A_5 : i32 to vector<16xi32>
    %select_n3A_1600 = arith.select %and3A_1598, %sub3A_1591, %broadcast_in_dim3A_1599 : vector<16xi1>, vector<16xi32>
    %swap3A_1601 = arith.constant 48 : index
    %swap3A_1602 = tpu.vector_load %arg10[%swap3A_1601] {strides = array<i32>} : memref<64xi32, #tpu.memory_space<vmem>>, vector<16xi32>,
    %swap3A_1603 = vector.shape_cast %swap3A_1602 : vector<16xi32> to vector<16xi32>
    %swap3A_1604 = vector.shape_cast %select_n3A_1600 : vector<16xi32> to vector<16xi32>
    tpu.vector_store %arg10[%swap3A_1601], %swap3A_1604 {strides = array<i32>} : memref<64xi32, #tpu.memory_space<vmem>>, vector<16xi32>,
    %add3A_1605 = arith.constant 832 : i32
    %add3A_1606 = arith.addi %mul3A_4, %add3A_1605 : i32
    %dma_start3A_1607 = tpu.memref_slice %arg2[%add3A_1606, %mul3A_0] : memref<16384x256xf32, #tpu.memory_space<hbm>> -> memref<64x128xf32, #tpu.memory_space<hbm>>
    %dma_start3A_1608 = tpu.memref_slice %arg2[%add3A_1606, %mul3A_0] : memref<16384x256xf32, #tpu.memory_space<hbm>> -> memref<64x128xf32, #tpu.memory_space<hbm>>
    tpu.enqueue_dma source(%dma_start3A_1608 : memref<64x128xf32, #tpu.memory_space<hbm>>) target(%arg12 : memref<64x128xf32, #tpu.memory_space<vmem>>) target_semaphore(%arg17 : memref<!tpu.dma_semaphore, #tpu.memory_space<semaphore_mem>>)
    %dma_wait3A_1609 = tpu.memref_slice %arg2[%add3A_1500, %mul3A_0] : memref<16384x256xf32, #tpu.memory_space<hbm>> -> memref<64x128xf32, #tpu.memory_space<hbm>>
    %dma_wait3A_1610 = tpu.memref_slice %arg2[%add3A_1500, %mul3A_0] : memref<16384x256xf32, #tpu.memory_space<hbm>> -> memref<64x128xf32, #tpu.memory_space<hbm>>
    tpu.wait_dma2 semaphore(%arg16 : memref<!tpu.dma_semaphore, #tpu.memory_space<semaphore_mem>>) src(%dma_wait3A_1610 : memref<64x128xf32, #tpu.memory_space<hbm>>) dst(%arg11 : memref<64x128xf32, #tpu.memory_space<vmem>>)
    %dma_start3A_1611 = arith.constant 0 : i32
    %dma_start3A_1612 = arith.constant 0 : i32
    %dma_start3A_1613 = tpu.memref_slice %arg14[%dma_start3A_1611, %dma_start3A_1612] : memref<8192x128xf32, #tpu.memory_space<vmem_shared>> -> memref<8192x128xf32, #tpu.memory_space<vmem_shared>>
    tpu.enqueue_indirect_dma source(%arg11 : memref<64x128xf32, #tpu.memory_space<vmem>>) target(%dma_start3A_1613 : memref<8192x128xf32, #tpu.memory_space<vmem_shared>>) offsets(%arg7 : memref<64xi32, #tpu.memory_space<vmem>>) semaphore(%arg18 : memref<!tpu.dma_semaphore, #tpu.memory_space<semaphore_mem>>) {add = true}
    %dma_start3A_1614 = arith.constant 0 : i32
    %dma_start3A_1615 = arith.constant 0 : i32
    %dma_start3A_1616 = tpu.memref_slice %arg15[%dma_start3A_1614, %dma_start3A_1615] : memref<4112x128xf32, #tpu.memory_space<vmem_shared>> -> memref<4112x128xf32, #tpu.memory_space<vmem_shared>>
    tpu.enqueue_indirect_dma source(%arg13 : memref<64x128xf32, #tpu.memory_space<vmem>>) target(%dma_start3A_1616 : memref<4112x128xf32, #tpu.memory_space<vmem_shared>>) offsets(%arg9 : memref<64xi32, #tpu.memory_space<vmem>>) semaphore(%arg20 : memref<!tpu.dma_semaphore, #tpu.memory_space<semaphore_mem>>) {add = true}
    %dma_wait3A_1617 = arith.constant 0 : i32
    %dma_wait3A_1618 = arith.constant 0 : i32
    %dma_wait3A_1619 = tpu.memref_slice %arg14[%dma_wait3A_1617, %dma_wait3A_1618] : memref<8192x128xf32, #tpu.memory_space<vmem_shared>> -> memref<8192x128xf32, #tpu.memory_space<vmem_shared>>
    tpu.wait_indirect_dma semaphore(%arg18 : memref<!tpu.dma_semaphore, #tpu.memory_space<semaphore_mem>>) src(%arg11 : memref<64x128xf32, #tpu.memory_space<vmem>>) dst(%dma_wait3A_1619 : memref<8192x128xf32, #tpu.memory_space<vmem_shared>>)
    %dma_wait3A_1620 = arith.constant 0 : i32
    %dma_wait3A_1621 = arith.constant 0 : i32
    %dma_wait3A_1622 = tpu.memref_slice %arg15[%dma_wait3A_1620, %dma_wait3A_1621] : memref<4112x128xf32, #tpu.memory_space<vmem_shared>> -> memref<4112x128xf32, #tpu.memory_space<vmem_shared>>
    tpu.wait_indirect_dma semaphore(%arg20 : memref<!tpu.dma_semaphore, #tpu.memory_space<semaphore_mem>>) src(%arg13 : memref<64x128xf32, #tpu.memory_space<vmem>>) dst(%dma_wait3A_1622 : memref<4112x128xf32, #tpu.memory_space<vmem_shared>>)
    %get3A_1623 = arith.constant 896 : index
    %get3A_1624 = tpu.vector_load %arg6[%get3A_1623] {strides = array<i32>} : memref<1024xi32, #tpu.memory_space<vmem>>, vector<16xi32>,
    %get3A_1625 = vector.shape_cast %get3A_1624 : vector<16xi32> to vector<16xi32>
    %swap3A_1626 = arith.constant 0 : index
    %swap3A_1627 = tpu.vector_load %arg7[%swap3A_1626] {strides = array<i32>} : memref<64xi32, #tpu.memory_space<vmem>>, vector<16xi32>,
    %swap3A_1628 = vector.shape_cast %swap3A_1627 : vector<16xi32> to vector<16xi32>
    %swap3A_1629 = vector.shape_cast %get3A_1625 : vector<16xi32> to vector<16xi32>
    tpu.vector_store %arg7[%swap3A_1626], %swap3A_1629 {strides = array<i32>} : memref<64xi32, #tpu.memory_space<vmem>>, vector<16xi32>,
    %sub3A_1630 = vector.broadcast %mul3A_2 : i32 to vector<16xi32>
    %sub3A_1631 = arith.subi %get3A_1625, %sub3A_1630 : vector<16xi32>
    %ge3A_1632 = arith.constant 0 : i32
    %ge3A_1633 = vector.broadcast %ge3A_1632 : i32 to vector<16xi32>
    %ge3A_1634 = arith.cmpi sge, %sub3A_1631, %ge3A_1633 : vector<16xi32>
    %lt3A_1635 = arith.constant 4096 : i32
    %lt3A_1636 = vector.broadcast %lt3A_1635 : i32 to vector<16xi32>
    %lt3A_1637 = arith.cmpi slt, %sub3A_1631, %lt3A_1636 : vector<16xi32>
    %and3A_1638 = arith.andi %ge3A_1634, %lt3A_1637 : vector<16xi1>
    %broadcast_in_dim3A_1639 = vector.broadcast %add3A_5 : i32 to vector<16xi32>
    %select_n3A_1640 = arith.select %and3A_1638, %sub3A_1631, %broadcast_in_dim3A_1639 : vector<16xi1>, vector<16xi32>
    %swap3A_1641 = arith.constant 0 : index
    %swap3A_1642 = tpu.vector_load %arg9[%swap3A_1641] {strides = array<i32>} : memref<64xi32, #tpu.memory_space<vmem>>, vector<16xi32>,
    %swap3A_1643 = vector.shape_cast %swap3A_1642 : vector<16xi32> to vector<16xi32>
    %swap3A_1644 = vector.shape_cast %select_n3A_1640 : vector<16xi32> to vector<16xi32>
    tpu.vector_store %arg9[%swap3A_1641], %swap3A_1644 {strides = array<i32>} : memref<64xi32, #tpu.memory_space<vmem>>, vector<16xi32>,
    %get3A_1645 = arith.constant 912 : index
    %get3A_1646 = tpu.vector_load %arg6[%get3A_1645] {strides = array<i32>} : memref<1024xi32, #tpu.memory_space<vmem>>, vector<16xi32>,
    %get3A_1647 = vector.shape_cast %get3A_1646 : vector<16xi32> to vector<16xi32>
    %swap3A_1648 = arith.constant 16 : index
    %swap3A_1649 = tpu.vector_load %arg7[%swap3A_1648] {strides = array<i32>} : memref<64xi32, #tpu.memory_space<vmem>>, vector<16xi32>,
    %swap3A_1650 = vector.shape_cast %swap3A_1649 : vector<16xi32> to vector<16xi32>
    %swap3A_1651 = vector.shape_cast %get3A_1647 : vector<16xi32> to vector<16xi32>
    tpu.vector_store %arg7[%swap3A_1648], %swap3A_1651 {strides = array<i32>} : memref<64xi32, #tpu.memory_space<vmem>>, vector<16xi32>,
    %sub3A_1652 = vector.broadcast %mul3A_2 : i32 to vector<16xi32>
    %sub3A_1653 = arith.subi %get3A_1647, %sub3A_1652 : vector<16xi32>
    %ge3A_1654 = arith.constant 0 : i32
    %ge3A_1655 = vector.broadcast %ge3A_1654 : i32 to vector<16xi32>
    %ge3A_1656 = arith.cmpi sge, %sub3A_1653, %ge3A_1655 : vector<16xi32>
    %lt3A_1657 = arith.constant 4096 : i32
    %lt3A_1658 = vector.broadcast %lt3A_1657 : i32 to vector<16xi32>
    %lt3A_1659 = arith.cmpi slt, %sub3A_1653, %lt3A_1658 : vector<16xi32>
    %and3A_1660 = arith.andi %ge3A_1656, %lt3A_1659 : vector<16xi1>
    %broadcast_in_dim3A_1661 = vector.broadcast %add3A_5 : i32 to vector<16xi32>
    %select_n3A_1662 = arith.select %and3A_1660, %sub3A_1653, %broadcast_in_dim3A_1661 : vector<16xi1>, vector<16xi32>
    %swap3A_1663 = arith.constant 16 : index
    %swap3A_1664 = tpu.vector_load %arg9[%swap3A_1663] {strides = array<i32>} : memref<64xi32, #tpu.memory_space<vmem>>, vector<16xi32>,
    %swap3A_1665 = vector.shape_cast %swap3A_1664 : vector<16xi32> to vector<16xi32>
    %swap3A_1666 = vector.shape_cast %select_n3A_1662 : vector<16xi32> to vector<16xi32>
    tpu.vector_store %arg9[%swap3A_1663], %swap3A_1666 {strides = array<i32>} : memref<64xi32, #tpu.memory_space<vmem>>, vector<16xi32>,
    %get3A_1667 = arith.constant 928 : index
    %get3A_1668 = tpu.vector_load %arg6[%get3A_1667] {strides = array<i32>} : memref<1024xi32, #tpu.memory_space<vmem>>, vector<16xi32>,
    %get3A_1669 = vector.shape_cast %get3A_1668 : vector<16xi32> to vector<16xi32>
    %swap3A_1670 = arith.constant 32 : index
    %swap3A_1671 = tpu.vector_load %arg7[%swap3A_1670] {strides = array<i32>} : memref<64xi32, #tpu.memory_space<vmem>>, vector<16xi32>,
    %swap3A_1672 = vector.shape_cast %swap3A_1671 : vector<16xi32> to vector<16xi32>
    %swap3A_1673 = vector.shape_cast %get3A_1669 : vector<16xi32> to vector<16xi32>
    tpu.vector_store %arg7[%swap3A_1670], %swap3A_1673 {strides = array<i32>} : memref<64xi32, #tpu.memory_space<vmem>>, vector<16xi32>,
    %sub3A_1674 = vector.broadcast %mul3A_2 : i32 to vector<16xi32>
    %sub3A_1675 = arith.subi %get3A_1669, %sub3A_1674 : vector<16xi32>
    %ge3A_1676 = arith.constant 0 : i32
    %ge3A_1677 = vector.broadcast %ge3A_1676 : i32 to vector<16xi32>
    %ge3A_1678 = arith.cmpi sge, %sub3A_1675, %ge3A_1677 : vector<16xi32>
    %lt3A_1679 = arith.constant 4096 : i32
    %lt3A_1680 = vector.broadcast %lt3A_1679 : i32 to vector<16xi32>
    %lt3A_1681 = arith.cmpi slt, %sub3A_1675, %lt3A_1680 : vector<16xi32>
    %and3A_1682 = arith.andi %ge3A_1678, %lt3A_1681 : vector<16xi1>
    %broadcast_in_dim3A_1683 = vector.broadcast %add3A_5 : i32 to vector<16xi32>
    %select_n3A_1684 = arith.select %and3A_1682, %sub3A_1675, %broadcast_in_dim3A_1683 : vector<16xi1>, vector<16xi32>
    %swap3A_1685 = arith.constant 32 : index
    %swap3A_1686 = tpu.vector_load %arg9[%swap3A_1685] {strides = array<i32>} : memref<64xi32, #tpu.memory_space<vmem>>, vector<16xi32>,
    %swap3A_1687 = vector.shape_cast %swap3A_1686 : vector<16xi32> to vector<16xi32>
    %swap3A_1688 = vector.shape_cast %select_n3A_1684 : vector<16xi32> to vector<16xi32>
    tpu.vector_store %arg9[%swap3A_1685], %swap3A_1688 {strides = array<i32>} : memref<64xi32, #tpu.memory_space<vmem>>, vector<16xi32>,
    %get3A_1689 = arith.constant 944 : index
    %get3A_1690 = tpu.vector_load %arg6[%get3A_1689] {strides = array<i32>} : memref<1024xi32, #tpu.memory_space<vmem>>, vector<16xi32>,
    %get3A_1691 = vector.shape_cast %get3A_1690 : vector<16xi32> to vector<16xi32>
    %swap3A_1692 = arith.constant 48 : index
    %swap3A_1693 = tpu.vector_load %arg7[%swap3A_1692] {strides = array<i32>} : memref<64xi32, #tpu.memory_space<vmem>>, vector<16xi32>,
    %swap3A_1694 = vector.shape_cast %swap3A_1693 : vector<16xi32> to vector<16xi32>
    %swap3A_1695 = vector.shape_cast %get3A_1691 : vector<16xi32> to vector<16xi32>
    tpu.vector_store %arg7[%swap3A_1692], %swap3A_1695 {strides = array<i32>} : memref<64xi32, #tpu.memory_space<vmem>>, vector<16xi32>,
    %sub3A_1696 = vector.broadcast %mul3A_2 : i32 to vector<16xi32>
    %sub3A_1697 = arith.subi %get3A_1691, %sub3A_1696 : vector<16xi32>
    %ge3A_1698 = arith.constant 0 : i32
    %ge3A_1699 = vector.broadcast %ge3A_1698 : i32 to vector<16xi32>
    %ge3A_1700 = arith.cmpi sge, %sub3A_1697, %ge3A_1699 : vector<16xi32>
    %lt3A_1701 = arith.constant 4096 : i32
    %lt3A_1702 = vector.broadcast %lt3A_1701 : i32 to vector<16xi32>
    %lt3A_1703 = arith.cmpi slt, %sub3A_1697, %lt3A_1702 : vector<16xi32>
    %and3A_1704 = arith.andi %ge3A_1700, %lt3A_1703 : vector<16xi1>
    %broadcast_in_dim3A_1705 = vector.broadcast %add3A_5 : i32 to vector<16xi32>
    %select_n3A_1706 = arith.select %and3A_1704, %sub3A_1697, %broadcast_in_dim3A_1705 : vector<16xi1>, vector<16xi32>
    %swap3A_1707 = arith.constant 48 : index
    %swap3A_1708 = tpu.vector_load %arg9[%swap3A_1707] {strides = array<i32>} : memref<64xi32, #tpu.memory_space<vmem>>, vector<16xi32>,
    %swap3A_1709 = vector.shape_cast %swap3A_1708 : vector<16xi32> to vector<16xi32>
    %swap3A_1710 = vector.shape_cast %select_n3A_1706 : vector<16xi32> to vector<16xi32>
    tpu.vector_store %arg9[%swap3A_1707], %swap3A_1710 {strides = array<i32>} : memref<64xi32, #tpu.memory_space<vmem>>, vector<16xi32>,
    %add3A_1711 = arith.constant 896 : i32
    %add3A_1712 = arith.addi %mul3A_4, %add3A_1711 : i32
    %dma_start3A_1713 = tpu.memref_slice %arg2[%add3A_1712, %mul3A_0] : memref<16384x256xf32, #tpu.memory_space<hbm>> -> memref<64x128xf32, #tpu.memory_space<hbm>>
    %dma_start3A_1714 = tpu.memref_slice %arg2[%add3A_1712, %mul3A_0] : memref<16384x256xf32, #tpu.memory_space<hbm>> -> memref<64x128xf32, #tpu.memory_space<hbm>>
    tpu.enqueue_dma source(%dma_start3A_1714 : memref<64x128xf32, #tpu.memory_space<hbm>>) target(%arg11 : memref<64x128xf32, #tpu.memory_space<vmem>>) target_semaphore(%arg16 : memref<!tpu.dma_semaphore, #tpu.memory_space<semaphore_mem>>)
    %dma_wait3A_1715 = tpu.memref_slice %arg2[%add3A_1606, %mul3A_0] : memref<16384x256xf32, #tpu.memory_space<hbm>> -> memref<64x128xf32, #tpu.memory_space<hbm>>
    %dma_wait3A_1716 = tpu.memref_slice %arg2[%add3A_1606, %mul3A_0] : memref<16384x256xf32, #tpu.memory_space<hbm>> -> memref<64x128xf32, #tpu.memory_space<hbm>>
    tpu.wait_dma2 semaphore(%arg17 : memref<!tpu.dma_semaphore, #tpu.memory_space<semaphore_mem>>) src(%dma_wait3A_1716 : memref<64x128xf32, #tpu.memory_space<hbm>>) dst(%arg12 : memref<64x128xf32, #tpu.memory_space<vmem>>)
    %dma_start3A_1717 = arith.constant 0 : i32
    %dma_start3A_1718 = arith.constant 0 : i32
    %dma_start3A_1719 = tpu.memref_slice %arg14[%dma_start3A_1717, %dma_start3A_1718] : memref<8192x128xf32, #tpu.memory_space<vmem_shared>> -> memref<8192x128xf32, #tpu.memory_space<vmem_shared>>
    tpu.enqueue_indirect_dma source(%arg12 : memref<64x128xf32, #tpu.memory_space<vmem>>) target(%dma_start3A_1719 : memref<8192x128xf32, #tpu.memory_space<vmem_shared>>) offsets(%arg8 : memref<64xi32, #tpu.memory_space<vmem>>) semaphore(%arg19 : memref<!tpu.dma_semaphore, #tpu.memory_space<semaphore_mem>>) {add = true}
    %dma_start3A_1720 = arith.constant 0 : i32
    %dma_start3A_1721 = arith.constant 0 : i32
    %dma_start3A_1722 = tpu.memref_slice %arg15[%dma_start3A_1720, %dma_start3A_1721] : memref<4112x128xf32, #tpu.memory_space<vmem_shared>> -> memref<4112x128xf32, #tpu.memory_space<vmem_shared>>
    tpu.enqueue_indirect_dma source(%arg13 : memref<64x128xf32, #tpu.memory_space<vmem>>) target(%dma_start3A_1722 : memref<4112x128xf32, #tpu.memory_space<vmem_shared>>) offsets(%arg10 : memref<64xi32, #tpu.memory_space<vmem>>) semaphore(%arg21 : memref<!tpu.dma_semaphore, #tpu.memory_space<semaphore_mem>>) {add = true}
    %dma_wait3A_1723 = arith.constant 0 : i32
    %dma_wait3A_1724 = arith.constant 0 : i32
    %dma_wait3A_1725 = tpu.memref_slice %arg14[%dma_wait3A_1723, %dma_wait3A_1724] : memref<8192x128xf32, #tpu.memory_space<vmem_shared>> -> memref<8192x128xf32, #tpu.memory_space<vmem_shared>>
    tpu.wait_indirect_dma semaphore(%arg19 : memref<!tpu.dma_semaphore, #tpu.memory_space<semaphore_mem>>) src(%arg12 : memref<64x128xf32, #tpu.memory_space<vmem>>) dst(%dma_wait3A_1725 : memref<8192x128xf32, #tpu.memory_space<vmem_shared>>)
    %dma_wait3A_1726 = arith.constant 0 : i32
    %dma_wait3A_1727 = arith.constant 0 : i32
    %dma_wait3A_1728 = tpu.memref_slice %arg15[%dma_wait3A_1726, %dma_wait3A_1727] : memref<4112x128xf32, #tpu.memory_space<vmem_shared>> -> memref<4112x128xf32, #tpu.memory_space<vmem_shared>>
    tpu.wait_indirect_dma semaphore(%arg21 : memref<!tpu.dma_semaphore, #tpu.memory_space<semaphore_mem>>) src(%arg13 : memref<64x128xf32, #tpu.memory_space<vmem>>) dst(%dma_wait3A_1728 : memref<4112x128xf32, #tpu.memory_space<vmem_shared>>)
    %get3A_1729 = arith.constant 960 : index
    %get3A_1730 = tpu.vector_load %arg6[%get3A_1729] {strides = array<i32>} : memref<1024xi32, #tpu.memory_space<vmem>>, vector<16xi32>,
    %get3A_1731 = vector.shape_cast %get3A_1730 : vector<16xi32> to vector<16xi32>
    %swap3A_1732 = arith.constant 0 : index
    %swap3A_1733 = tpu.vector_load %arg8[%swap3A_1732] {strides = array<i32>} : memref<64xi32, #tpu.memory_space<vmem>>, vector<16xi32>,
    %swap3A_1734 = vector.shape_cast %swap3A_1733 : vector<16xi32> to vector<16xi32>
    %swap3A_1735 = vector.shape_cast %get3A_1731 : vector<16xi32> to vector<16xi32>
    tpu.vector_store %arg8[%swap3A_1732], %swap3A_1735 {strides = array<i32>} : memref<64xi32, #tpu.memory_space<vmem>>, vector<16xi32>,
    %sub3A_1736 = vector.broadcast %mul3A_2 : i32 to vector<16xi32>
    %sub3A_1737 = arith.subi %get3A_1731, %sub3A_1736 : vector<16xi32>
    %ge3A_1738 = arith.constant 0 : i32
    %ge3A_1739 = vector.broadcast %ge3A_1738 : i32 to vector<16xi32>
    %ge3A_1740 = arith.cmpi sge, %sub3A_1737, %ge3A_1739 : vector<16xi32>
    %lt3A_1741 = arith.constant 4096 : i32
    %lt3A_1742 = vector.broadcast %lt3A_1741 : i32 to vector<16xi32>
    %lt3A_1743 = arith.cmpi slt, %sub3A_1737, %lt3A_1742 : vector<16xi32>
    %and3A_1744 = arith.andi %ge3A_1740, %lt3A_1743 : vector<16xi1>
    %broadcast_in_dim3A_1745 = vector.broadcast %add3A_5 : i32 to vector<16xi32>
    %select_n3A_1746 = arith.select %and3A_1744, %sub3A_1737, %broadcast_in_dim3A_1745 : vector<16xi1>, vector<16xi32>
    %swap3A_1747 = arith.constant 0 : index
    %swap3A_1748 = tpu.vector_load %arg10[%swap3A_1747] {strides = array<i32>} : memref<64xi32, #tpu.memory_space<vmem>>, vector<16xi32>,
    %swap3A_1749 = vector.shape_cast %swap3A_1748 : vector<16xi32> to vector<16xi32>
    %swap3A_1750 = vector.shape_cast %select_n3A_1746 : vector<16xi32> to vector<16xi32>
    tpu.vector_store %arg10[%swap3A_1747], %swap3A_1750 {strides = array<i32>} : memref<64xi32, #tpu.memory_space<vmem>>, vector<16xi32>,
    %get3A_1751 = arith.constant 976 : index
    %get3A_1752 = tpu.vector_load %arg6[%get3A_1751] {strides = array<i32>} : memref<1024xi32, #tpu.memory_space<vmem>>, vector<16xi32>,
    %get3A_1753 = vector.shape_cast %get3A_1752 : vector<16xi32> to vector<16xi32>
    %swap3A_1754 = arith.constant 16 : index
    %swap3A_1755 = tpu.vector_load %arg8[%swap3A_1754] {strides = array<i32>} : memref<64xi32, #tpu.memory_space<vmem>>, vector<16xi32>,
    %swap3A_1756 = vector.shape_cast %swap3A_1755 : vector<16xi32> to vector<16xi32>
    %swap3A_1757 = vector.shape_cast %get3A_1753 : vector<16xi32> to vector<16xi32>
    tpu.vector_store %arg8[%swap3A_1754], %swap3A_1757 {strides = array<i32>} : memref<64xi32, #tpu.memory_space<vmem>>, vector<16xi32>,
    %sub3A_1758 = vector.broadcast %mul3A_2 : i32 to vector<16xi32>
    %sub3A_1759 = arith.subi %get3A_1753, %sub3A_1758 : vector<16xi32>
    %ge3A_1760 = arith.constant 0 : i32
    %ge3A_1761 = vector.broadcast %ge3A_1760 : i32 to vector<16xi32>
    %ge3A_1762 = arith.cmpi sge, %sub3A_1759, %ge3A_1761 : vector<16xi32>
    %lt3A_1763 = arith.constant 4096 : i32
    %lt3A_1764 = vector.broadcast %lt3A_1763 : i32 to vector<16xi32>
    %lt3A_1765 = arith.cmpi slt, %sub3A_1759, %lt3A_1764 : vector<16xi32>
    %and3A_1766 = arith.andi %ge3A_1762, %lt3A_1765 : vector<16xi1>
    %broadcast_in_dim3A_1767 = vector.broadcast %add3A_5 : i32 to vector<16xi32>
    %select_n3A_1768 = arith.select %and3A_1766, %sub3A_1759, %broadcast_in_dim3A_1767 : vector<16xi1>, vector<16xi32>
    %swap3A_1769 = arith.constant 16 : index
    %swap3A_1770 = tpu.vector_load %arg10[%swap3A_1769] {strides = array<i32>} : memref<64xi32, #tpu.memory_space<vmem>>, vector<16xi32>,
    %swap3A_1771 = vector.shape_cast %swap3A_1770 : vector<16xi32> to vector<16xi32>
    %swap3A_1772 = vector.shape_cast %select_n3A_1768 : vector<16xi32> to vector<16xi32>
    tpu.vector_store %arg10[%swap3A_1769], %swap3A_1772 {strides = array<i32>} : memref<64xi32, #tpu.memory_space<vmem>>, vector<16xi32>,
    %get3A_1773 = arith.constant 992 : index
    %get3A_1774 = tpu.vector_load %arg6[%get3A_1773] {strides = array<i32>} : memref<1024xi32, #tpu.memory_space<vmem>>, vector<16xi32>,
    %get3A_1775 = vector.shape_cast %get3A_1774 : vector<16xi32> to vector<16xi32>
    %swap3A_1776 = arith.constant 32 : index
    %swap3A_1777 = tpu.vector_load %arg8[%swap3A_1776] {strides = array<i32>} : memref<64xi32, #tpu.memory_space<vmem>>, vector<16xi32>,
    %swap3A_1778 = vector.shape_cast %swap3A_1777 : vector<16xi32> to vector<16xi32>
    %swap3A_1779 = vector.shape_cast %get3A_1775 : vector<16xi32> to vector<16xi32>
    tpu.vector_store %arg8[%swap3A_1776], %swap3A_1779 {strides = array<i32>} : memref<64xi32, #tpu.memory_space<vmem>>, vector<16xi32>,
    %sub3A_1780 = vector.broadcast %mul3A_2 : i32 to vector<16xi32>
    %sub3A_1781 = arith.subi %get3A_1775, %sub3A_1780 : vector<16xi32>
    %ge3A_1782 = arith.constant 0 : i32
    %ge3A_1783 = vector.broadcast %ge3A_1782 : i32 to vector<16xi32>
    %ge3A_1784 = arith.cmpi sge, %sub3A_1781, %ge3A_1783 : vector<16xi32>
    %lt3A_1785 = arith.constant 4096 : i32
    %lt3A_1786 = vector.broadcast %lt3A_1785 : i32 to vector<16xi32>
    %lt3A_1787 = arith.cmpi slt, %sub3A_1781, %lt3A_1786 : vector<16xi32>
    %and3A_1788 = arith.andi %ge3A_1784, %lt3A_1787 : vector<16xi1>
    %broadcast_in_dim3A_1789 = vector.broadcast %add3A_5 : i32 to vector<16xi32>
    %select_n3A_1790 = arith.select %and3A_1788, %sub3A_1781, %broadcast_in_dim3A_1789 : vector<16xi1>, vector<16xi32>
    %swap3A_1791 = arith.constant 32 : index
    %swap3A_1792 = tpu.vector_load %arg10[%swap3A_1791] {strides = array<i32>} : memref<64xi32, #tpu.memory_space<vmem>>, vector<16xi32>,
    %swap3A_1793 = vector.shape_cast %swap3A_1792 : vector<16xi32> to vector<16xi32>
    %swap3A_1794 = vector.shape_cast %select_n3A_1790 : vector<16xi32> to vector<16xi32>
    tpu.vector_store %arg10[%swap3A_1791], %swap3A_1794 {strides = array<i32>} : memref<64xi32, #tpu.memory_space<vmem>>, vector<16xi32>,
    %get3A_1795 = arith.constant 1008 : index
    %get3A_1796 = tpu.vector_load %arg6[%get3A_1795] {strides = array<i32>} : memref<1024xi32, #tpu.memory_space<vmem>>, vector<16xi32>,
    %get3A_1797 = vector.shape_cast %get3A_1796 : vector<16xi32> to vector<16xi32>
    %swap3A_1798 = arith.constant 48 : index
    %swap3A_1799 = tpu.vector_load %arg8[%swap3A_1798] {strides = array<i32>} : memref<64xi32, #tpu.memory_space<vmem>>, vector<16xi32>,
    %swap3A_1800 = vector.shape_cast %swap3A_1799 : vector<16xi32> to vector<16xi32>
    %swap3A_1801 = vector.shape_cast %get3A_1797 : vector<16xi32> to vector<16xi32>
    tpu.vector_store %arg8[%swap3A_1798], %swap3A_1801 {strides = array<i32>} : memref<64xi32, #tpu.memory_space<vmem>>, vector<16xi32>,
    %sub3A_1802 = vector.broadcast %mul3A_2 : i32 to vector<16xi32>
    %sub3A_1803 = arith.subi %get3A_1797, %sub3A_1802 : vector<16xi32>
    %ge3A_1804 = arith.constant 0 : i32
    %ge3A_1805 = vector.broadcast %ge3A_1804 : i32 to vector<16xi32>
    %ge3A_1806 = arith.cmpi sge, %sub3A_1803, %ge3A_1805 : vector<16xi32>
    %lt3A_1807 = arith.constant 4096 : i32
    %lt3A_1808 = vector.broadcast %lt3A_1807 : i32 to vector<16xi32>
    %lt3A_1809 = arith.cmpi slt, %sub3A_1803, %lt3A_1808 : vector<16xi32>
    %and3A_1810 = arith.andi %ge3A_1806, %lt3A_1809 : vector<16xi1>
    %broadcast_in_dim3A_1811 = vector.broadcast %add3A_5 : i32 to vector<16xi32>
    %select_n3A_1812 = arith.select %and3A_1810, %sub3A_1803, %broadcast_in_dim3A_1811 : vector<16xi1>, vector<16xi32>
    %swap3A_1813 = arith.constant 48 : index
    %swap3A_1814 = tpu.vector_load %arg10[%swap3A_1813] {strides = array<i32>} : memref<64xi32, #tpu.memory_space<vmem>>, vector<16xi32>,
    %swap3A_1815 = vector.shape_cast %swap3A_1814 : vector<16xi32> to vector<16xi32>
    %swap3A_1816 = vector.shape_cast %select_n3A_1812 : vector<16xi32> to vector<16xi32>
    tpu.vector_store %arg10[%swap3A_1813], %swap3A_1816 {strides = array<i32>} : memref<64xi32, #tpu.memory_space<vmem>>, vector<16xi32>,
    %add3A_1817 = arith.constant 960 : i32
    %add3A_1818 = arith.addi %mul3A_4, %add3A_1817 : i32
    %dma_start3A_1819 = tpu.memref_slice %arg2[%add3A_1818, %mul3A_0] : memref<16384x256xf32, #tpu.memory_space<hbm>> -> memref<64x128xf32, #tpu.memory_space<hbm>>
    %dma_start3A_1820 = tpu.memref_slice %arg2[%add3A_1818, %mul3A_0] : memref<16384x256xf32, #tpu.memory_space<hbm>> -> memref<64x128xf32, #tpu.memory_space<hbm>>
    tpu.enqueue_dma source(%dma_start3A_1820 : memref<64x128xf32, #tpu.memory_space<hbm>>) target(%arg12 : memref<64x128xf32, #tpu.memory_space<vmem>>) target_semaphore(%arg17 : memref<!tpu.dma_semaphore, #tpu.memory_space<semaphore_mem>>)
    %dma_wait3A_1821 = tpu.memref_slice %arg2[%add3A_1712, %mul3A_0] : memref<16384x256xf32, #tpu.memory_space<hbm>> -> memref<64x128xf32, #tpu.memory_space<hbm>>
    %dma_wait3A_1822 = tpu.memref_slice %arg2[%add3A_1712, %mul3A_0] : memref<16384x256xf32, #tpu.memory_space<hbm>> -> memref<64x128xf32, #tpu.memory_space<hbm>>
    tpu.wait_dma2 semaphore(%arg16 : memref<!tpu.dma_semaphore, #tpu.memory_space<semaphore_mem>>) src(%dma_wait3A_1822 : memref<64x128xf32, #tpu.memory_space<hbm>>) dst(%arg11 : memref<64x128xf32, #tpu.memory_space<vmem>>)
    %dma_start3A_1823 = arith.constant 0 : i32
    %dma_start3A_1824 = arith.constant 0 : i32
    %dma_start3A_1825 = tpu.memref_slice %arg14[%dma_start3A_1823, %dma_start3A_1824] : memref<8192x128xf32, #tpu.memory_space<vmem_shared>> -> memref<8192x128xf32, #tpu.memory_space<vmem_shared>>
    tpu.enqueue_indirect_dma source(%arg11 : memref<64x128xf32, #tpu.memory_space<vmem>>) target(%dma_start3A_1825 : memref<8192x128xf32, #tpu.memory_space<vmem_shared>>) offsets(%arg7 : memref<64xi32, #tpu.memory_space<vmem>>) semaphore(%arg18 : memref<!tpu.dma_semaphore, #tpu.memory_space<semaphore_mem>>) {add = true}
    %dma_start3A_1826 = arith.constant 0 : i32
    %dma_start3A_1827 = arith.constant 0 : i32
    %dma_start3A_1828 = tpu.memref_slice %arg15[%dma_start3A_1826, %dma_start3A_1827] : memref<4112x128xf32, #tpu.memory_space<vmem_shared>> -> memref<4112x128xf32, #tpu.memory_space<vmem_shared>>
    tpu.enqueue_indirect_dma source(%arg13 : memref<64x128xf32, #tpu.memory_space<vmem>>) target(%dma_start3A_1828 : memref<4112x128xf32, #tpu.memory_space<vmem_shared>>) offsets(%arg9 : memref<64xi32, #tpu.memory_space<vmem>>) semaphore(%arg20 : memref<!tpu.dma_semaphore, #tpu.memory_space<semaphore_mem>>) {add = true}
    %dma_wait3A_1829 = tpu.memref_slice %arg2[%add3A_1818, %mul3A_0] : memref<16384x256xf32, #tpu.memory_space<hbm>> -> memref<64x128xf32, #tpu.memory_space<hbm>>
    %dma_wait3A_1830 = tpu.memref_slice %arg2[%add3A_1818, %mul3A_0] : memref<16384x256xf32, #tpu.memory_space<hbm>> -> memref<64x128xf32, #tpu.memory_space<hbm>>
    tpu.wait_dma2 semaphore(%arg17 : memref<!tpu.dma_semaphore, #tpu.memory_space<semaphore_mem>>) src(%dma_wait3A_1830 : memref<64x128xf32, #tpu.memory_space<hbm>>) dst(%arg12 : memref<64x128xf32, #tpu.memory_space<vmem>>)
    %dma_start3A_1831 = arith.constant 0 : i32
    %dma_start3A_1832 = arith.constant 0 : i32
    %dma_start3A_1833 = tpu.memref_slice %arg14[%dma_start3A_1831, %dma_start3A_1832] : memref<8192x128xf32, #tpu.memory_space<vmem_shared>> -> memref<8192x128xf32, #tpu.memory_space<vmem_shared>>
    tpu.enqueue_indirect_dma source(%arg12 : memref<64x128xf32, #tpu.memory_space<vmem>>) target(%dma_start3A_1833 : memref<8192x128xf32, #tpu.memory_space<vmem_shared>>) offsets(%arg8 : memref<64xi32, #tpu.memory_space<vmem>>) semaphore(%arg19 : memref<!tpu.dma_semaphore, #tpu.memory_space<semaphore_mem>>) {add = true}
    %dma_start3A_1834 = arith.constant 0 : i32
    %dma_start3A_1835 = arith.constant 0 : i32
    %dma_start3A_1836 = tpu.memref_slice %arg15[%dma_start3A_1834, %dma_start3A_1835] : memref<4112x128xf32, #tpu.memory_space<vmem_shared>> -> memref<4112x128xf32, #tpu.memory_space<vmem_shared>>
    tpu.enqueue_indirect_dma source(%arg13 : memref<64x128xf32, #tpu.memory_space<vmem>>) target(%dma_start3A_1836 : memref<4112x128xf32, #tpu.memory_space<vmem_shared>>) offsets(%arg10 : memref<64xi32, #tpu.memory_space<vmem>>) semaphore(%arg21 : memref<!tpu.dma_semaphore, #tpu.memory_space<semaphore_mem>>) {add = true}
    %dma_wait3A_1837 = arith.constant 0 : i32
    %dma_wait3A_1838 = arith.constant 0 : i32
    %dma_wait3A_1839 = tpu.memref_slice %arg14[%dma_wait3A_1837, %dma_wait3A_1838] : memref<8192x128xf32, #tpu.memory_space<vmem_shared>> -> memref<8192x128xf32, #tpu.memory_space<vmem_shared>>
    tpu.wait_indirect_dma semaphore(%arg18 : memref<!tpu.dma_semaphore, #tpu.memory_space<semaphore_mem>>) src(%arg11 : memref<64x128xf32, #tpu.memory_space<vmem>>) dst(%dma_wait3A_1839 : memref<8192x128xf32, #tpu.memory_space<vmem_shared>>)
    %dma_wait3A_1840 = arith.constant 0 : i32
    %dma_wait3A_1841 = arith.constant 0 : i32
    %dma_wait3A_1842 = tpu.memref_slice %arg15[%dma_wait3A_1840, %dma_wait3A_1841] : memref<4112x128xf32, #tpu.memory_space<vmem_shared>> -> memref<4112x128xf32, #tpu.memory_space<vmem_shared>>
    tpu.wait_indirect_dma semaphore(%arg20 : memref<!tpu.dma_semaphore, #tpu.memory_space<semaphore_mem>>) src(%arg13 : memref<64x128xf32, #tpu.memory_space<vmem>>) dst(%dma_wait3A_1842 : memref<4112x128xf32, #tpu.memory_space<vmem_shared>>)
    %dma_wait3A_1843 = arith.constant 0 : i32
    %dma_wait3A_1844 = arith.constant 0 : i32
    %dma_wait3A_1845 = tpu.memref_slice %arg14[%dma_wait3A_1843, %dma_wait3A_1844] : memref<8192x128xf32, #tpu.memory_space<vmem_shared>> -> memref<8192x128xf32, #tpu.memory_space<vmem_shared>>
    tpu.wait_indirect_dma semaphore(%arg19 : memref<!tpu.dma_semaphore, #tpu.memory_space<semaphore_mem>>) src(%arg12 : memref<64x128xf32, #tpu.memory_space<vmem>>) dst(%dma_wait3A_1845 : memref<8192x128xf32, #tpu.memory_space<vmem_shared>>)
    %dma_wait3A_1846 = arith.constant 0 : i32
    %dma_wait3A_1847 = arith.constant 0 : i32
    %dma_wait3A_1848 = tpu.memref_slice %arg15[%dma_wait3A_1846, %dma_wait3A_1847] : memref<4112x128xf32, #tpu.memory_space<vmem_shared>> -> memref<4112x128xf32, #tpu.memory_space<vmem_shared>>
    tpu.wait_indirect_dma semaphore(%arg21 : memref<!tpu.dma_semaphore, #tpu.memory_space<semaphore_mem>>) src(%arg13 : memref<64x128xf32, #tpu.memory_space<vmem>>) dst(%dma_wait3A_1848 : memref<4112x128xf32, #tpu.memory_space<vmem_shared>>)
    %barrier3A_1849 = arith.constant 0 : index
    tpu.barrier barrier_id(%barrier3A_1849)
    %mul3A_1850 = arith.constant 512 : i32
    %mul3A_1851 = arith.muli %arg1, %mul3A_1850 : i32
    %mul3A_1852 = arith.constant 512 : i32
    %mul3A_1853 = arith.muli %arg1, %mul3A_1852 : i32
    %dma_start3A_1854 = arith.constant 0 : i32
    %dma_start3A_1855 = tpu.memref_slice %arg4[%arg0, %mul3A_1853, %dma_start3A_1854] : memref<2x8192x128xf32, #tpu.memory_space<hbm>> -> memref<1x512x128xf32, #tpu.memory_space<hbm>>
    %dma_start3A_1856 = tpu.memref_squeeze %dma_start3A_1855 : memref<1x512x128xf32, #tpu.memory_space<hbm>> -> memref<512x128xf32, #tpu.memory_space<hbm>>
    %dma_start3A_1857 = arith.constant 0 : i32
    %dma_start3A_1858 = tpu.memref_slice %arg14[%mul3A_1851, %dma_start3A_1857] : memref<8192x128xf32, #tpu.memory_space<vmem_shared>> -> memref<512x128xf32, #tpu.memory_space<vmem_shared>>
    tpu.enqueue_dma source(%dma_start3A_1858 : memref<512x128xf32, #tpu.memory_space<vmem_shared>>) target(%dma_start3A_1856 : memref<512x128xf32, #tpu.memory_space<hbm>>) target_semaphore(%arg16 : memref<!tpu.dma_semaphore, #tpu.memory_space<semaphore_mem>>)
    %mul3A_1859 = arith.constant 256 : i32
    %mul3A_1860 = arith.muli %arg1, %mul3A_1859 : i32
    %mul3A_1861 = arith.constant 256 : i32
    %mul3A_1862 = arith.muli %arg1, %mul3A_1861 : i32
    %dma_start3A_1863 = arith.constant 0 : i32
    %dma_start3A_1864 = tpu.memref_slice %arg5[%arg0, %mul3A_1862, %dma_start3A_1863] : memref<2x4096x128xf32, #tpu.memory_space<hbm>> -> memref<1x256x128xf32, #tpu.memory_space<hbm>>
    %dma_start3A_1865 = tpu.memref_squeeze %dma_start3A_1864 : memref<1x256x128xf32, #tpu.memory_space<hbm>> -> memref<256x128xf32, #tpu.memory_space<hbm>>
    %dma_start3A_1866 = arith.constant 0 : i32
    %dma_start3A_1867 = tpu.memref_slice %arg15[%mul3A_1860, %dma_start3A_1866] : memref<4112x128xf32, #tpu.memory_space<vmem_shared>> -> memref<256x128xf32, #tpu.memory_space<vmem_shared>>
    tpu.enqueue_dma source(%dma_start3A_1867 : memref<256x128xf32, #tpu.memory_space<vmem_shared>>) target(%dma_start3A_1865 : memref<256x128xf32, #tpu.memory_space<hbm>>) target_semaphore(%arg17 : memref<!tpu.dma_semaphore, #tpu.memory_space<semaphore_mem>>)
    %dma_wait3A_1868 = arith.constant 0 : i32
    %dma_wait3A_1869 = tpu.memref_slice %arg4[%arg0, %mul3A_1853, %dma_wait3A_1868] : memref<2x8192x128xf32, #tpu.memory_space<hbm>> -> memref<1x512x128xf32, #tpu.memory_space<hbm>>
    %dma_wait3A_1870 = tpu.memref_squeeze %dma_wait3A_1869 : memref<1x512x128xf32, #tpu.memory_space<hbm>> -> memref<512x128xf32, #tpu.memory_space<hbm>>
    %dma_wait3A_1871 = arith.constant 0 : i32
    %dma_wait3A_1872 = tpu.memref_slice %arg14[%mul3A_1851, %dma_wait3A_1871] : memref<8192x128xf32, #tpu.memory_space<vmem_shared>> -> memref<512x128xf32, #tpu.memory_space<vmem_shared>>
    tpu.wait_dma2 semaphore(%arg16 : memref<!tpu.dma_semaphore, #tpu.memory_space<semaphore_mem>>) src(%dma_wait3A_1872 : memref<512x128xf32, #tpu.memory_space<vmem_shared>>) dst(%dma_wait3A_1870 : memref<512x128xf32, #tpu.memory_space<hbm>>)
    %dma_wait3A_1873 = arith.constant 0 : i32
    %dma_wait3A_1874 = tpu.memref_slice %arg5[%arg0, %mul3A_1862, %dma_wait3A_1873] : memref<2x4096x128xf32, #tpu.memory_space<hbm>> -> memref<1x256x128xf32, #tpu.memory_space<hbm>>
    %dma_wait3A_1875 = tpu.memref_squeeze %dma_wait3A_1874 : memref<1x256x128xf32, #tpu.memory_space<hbm>> -> memref<256x128xf32, #tpu.memory_space<hbm>>
    %dma_wait3A_1876 = arith.constant 0 : i32
    %dma_wait3A_1877 = tpu.memref_slice %arg15[%mul3A_1860, %dma_wait3A_1876] : memref<4112x128xf32, #tpu.memory_space<vmem_shared>> -> memref<256x128xf32, #tpu.memory_space<vmem_shared>>
    tpu.wait_dma2 semaphore(%arg17 : memref<!tpu.dma_semaphore, #tpu.memory_space<semaphore_mem>>) src(%dma_wait3A_1877 : memref<256x128xf32, #tpu.memory_space<vmem_shared>>) dst(%dma_wait3A_1875 : memref<256x128xf32, #tpu.memory_space<hbm>>)
    return
  }
}

module attributes {stable_mosaic.version = 14 : i64} {
  func.func @_dense_body(%arg0: i32, %arg1: memref<512x128xf32, #tpu.memory_space<vmem>>, %arg2: memref<1x512x128xf32, #tpu.memory_space<vmem>>, %arg3: memref<1x512x128xf32, #tpu.memory_space<vmem>>, %arg4: memref<512x256xf32, #tpu.memory_space<vmem>>, %arg5: memref<1x1xf32, #tpu.memory_space<vmem>>, %arg6: memref<512x256xf32, #tpu.memory_space<vmem>>, %arg7: memref<1x1xf32, #tpu.memory_space<vmem>>, %arg8: memref<1xf32, #tpu.memory_space<smem>>) attributes {dimension_semantics = [#tpu.dimension_semantics<arbitrary>], iteration_bounds = array<i64: 16>, scalar_prefetch = 0 : i64, scratch_operands = 1 : i64, tpu.core_type = #tpu.core_type<tc>, window_params = [{transform_indices = @transform_0, window_bounds = array<i64: 512, 128>}, {transform_indices = @transform_1, window_bounds = array<i64: 1, 512, 128>}, {transform_indices = @transform_2, window_bounds = array<i64: 1, 512, 128>}, {transform_indices = @transform_3, window_bounds = array<i64: 512, 256>}, {pipeline_mode = #tpu.pipeline_mode<synchronous>, transform_indices = @transform_4, window_bounds = array<i64: 1, 1>}, {transform_indices = @transform_5, window_bounds = array<i64: 512, 256>}, {pipeline_mode = #tpu.pipeline_mode<synchronous>, transform_indices = @transform_6, window_bounds = array<i64: 1, 1>}]} {
    %get3A = arith.constant 0 : index
    %get3A_0 = arith.constant 0 : index
    %get3A_1 = vector.load %arg1[%get3A, %get3A_0] : memref<512x128xf32, #tpu.memory_space<vmem>>, vector<512x1xf32>
    %gt3A = arith.constant 0.000000e+00 : f32
    %gt3A_2 = vector.broadcast %gt3A : f32 to vector<512x1xf32>
    %gt3A_3 = arith.cmpf ogt, %get3A_1, %gt3A_2 : vector<512x1xf32>
    %jit3A = arith.constant 1.000000e+00 : f32
    %broadcast_in_dim3A = vector.broadcast %jit3A : f32 to vector<512x1xf32>
    %select_n3A = arith.select %gt3A_3, %get3A_1, %broadcast_in_dim3A : vector<512x1xi1>, vector<512x1xf32>
    %div3A = arith.constant 1.000000e+00 : f32
    %div3A_4 = vector.broadcast %div3A : f32 to vector<512x1xf32>
    %div3A_5 = arith.divf %div3A_4, %select_n3A : vector<512x1xf32>
    %jit3A_6 = arith.constant 0.000000e+00 : f32
    %broadcast_in_dim3A_7 = vector.broadcast %jit3A_6 : f32 to vector<512x1xf32>
    %select_n3A_8 = arith.select %gt3A_3, %div3A_5, %broadcast_in_dim3A_7 : vector<512x1xi1>, vector<512x1xf32>
    %get3A_9 = arith.constant 0 : index
    %get3A_10 = arith.constant 0 : index
    %get3A_11 = vector.load %arg4[%get3A_9, %get3A_10] : memref<512x256xf32, #tpu.memory_space<vmem>>, vector<512x256xf32>
    %get3A_12 = arith.constant 0 : index
    %get3A_13 = arith.constant 0 : index
    %get3A_14 = arith.constant 0 : index
    %get3A_15 = vector.load %arg2[%get3A_12, %get3A_13, %get3A_14] : memref<1x512x128xf32, #tpu.memory_space<vmem>>, vector<1x512x128xf32>
    %get3A_16 = vector.shape_cast %get3A_15 : vector<1x512x128xf32> to vector<512x128xf32>
    %get3A_17 = arith.constant 0 : index
    %get3A_18 = arith.constant 0 : index
    %get3A_19 = arith.constant 0 : index
    %get3A_20 = vector.load %arg3[%get3A_17, %get3A_18, %get3A_19] : memref<1x512x128xf32, #tpu.memory_space<vmem>>, vector<1x512x128xf32>
    %get3A_21 = vector.shape_cast %get3A_20 : vector<1x512x128xf32> to vector<512x128xf32>
    %concatenate3A = tpu.concatenate %get3A_16, %get3A_21 in 1 : vector<512x128xf32>, vector<512x128xf32> -> vector<512x256xf32>
    %mul3A = vector.broadcast %select_n3A_8 : vector<512x1xf32> to vector<512x256xf32>
    %mul3A_22 = arith.mulf %concatenate3A, %mul3A : vector<512x256xf32>
    %sub3A = arith.subf %get3A_11, %mul3A_22 : vector<512x256xf32>
    %jit3A_23 = arith.constant 0.000000e+00 : f32
    %broadcast_in_dim3A_24 = vector.shape_cast %gt3A_3 : vector<512x1xi1> to vector<512x1xi1>
    %broadcast_in_dim3A_25 = vector.broadcast %broadcast_in_dim3A_24 : vector<512x1xi1> to vector<512x256xi1>
    %broadcast_in_dim3A_26 = vector.broadcast %jit3A_23 : f32 to vector<512x256xf32>
    %select_n3A_27 = arith.select %broadcast_in_dim3A_25, %sub3A, %broadcast_in_dim3A_26 : vector<512x256xi1>, vector<512x256xf32>
    %mul3A_28 = arith.constant 5.000000e-01 : f32
    %mul3A_29 = vector.broadcast %mul3A_28 : f32 to vector<512x256xf32>
    %mul3A_30 = arith.mulf %mul3A_29, %select_n3A_27 : vector<512x256xf32>
    %sub3A_31 = arith.subf %get3A_11, %mul3A_30 : vector<512x256xf32>
    %swap3A = arith.constant 0 : index
    %swap3A_32 = arith.constant 0 : index
    %swap3A_33 = vector.load %arg6[%swap3A, %swap3A_32] : memref<512x256xf32, #tpu.memory_space<vmem>>, vector<512x256xf32>
    tpu.vector_store %arg6[%swap3A, %swap3A_32], %sub3A_31 {strides = array<i32>} : memref<512x256xf32, #tpu.memory_space<vmem>>, vector<512x256xf32>,
    %mul3A_34 = arith.mulf %get3A_11, %get3A_11 : vector<512x256xf32>
    %mul3A_35 = vector.broadcast %get3A_1 : vector<512x1xf32> to vector<512x256xf32>
    %mul3A_36 = arith.mulf %mul3A_34, %mul3A_35 : vector<512x256xf32>
    %reduce_sum3A = vector.shape_cast %mul3A_36 : vector<512x256xf32> to vector<1x512x256xf32>
    %reduce_sum3A_37 = arith.constant dense<0.000000e+00> : vector<1xf32>
    %reduce_sum3A_38 = vector.multi_reduction <add>, %reduce_sum3A, %reduce_sum3A_37 [1, 2] : vector<1x512x256xf32> to vector<1xf32>
    %reduce_sum3A_39 = vector.shape_cast %reduce_sum3A_38 : vector<1xf32> to vector<1x1x1xf32>
    %reduce_sum3A_40 = vector.extract %reduce_sum3A_39[0, 0, 0] : f32 from vector<1x1x1xf32>
    %mul3A_41 = arith.mulf %get3A_11, %concatenate3A : vector<512x256xf32>
    %reduce_sum3A_42 = vector.shape_cast %mul3A_41 : vector<512x256xf32> to vector<1x512x256xf32>
    %reduce_sum3A_43 = arith.constant dense<0.000000e+00> : vector<1xf32>
    %reduce_sum3A_44 = vector.multi_reduction <add>, %reduce_sum3A_42, %reduce_sum3A_43 [1, 2] : vector<1x512x256xf32> to vector<1xf32>
    %reduce_sum3A_45 = vector.shape_cast %reduce_sum3A_44 : vector<1xf32> to vector<1x1x1xf32>
    %reduce_sum3A_46 = vector.extract %reduce_sum3A_45[0, 0, 0] : f32 from vector<1x1x1xf32>
    %mul3A_47 = arith.constant 2.000000e+00 : f32
    %mul3A_48 = arith.mulf %mul3A_47, %reduce_sum3A_46 : f32
    %sub3A_49 = arith.subf %reduce_sum3A_40, %mul3A_48 : f32
    %eq3A = arith.constant 0 : i32
    %eq3A_50 = arith.cmpi eq, %arg0, %eq3A : i32
    %get3A_51 = arith.constant 0 : index
    %get3A_52 = memref.load %arg8[%get3A_51] : memref<1xf32, #tpu.memory_space<smem>>
    %add3A = arith.addf %get3A_52, %sub3A_49 : f32
    %select_n3A_53 = arith.select %eq3A_50, %sub3A_49, %add3A : f32
    %swap3A_54 = arith.constant 0 : index
    %swap3A_55 = memref.load %arg8[%swap3A_54] : memref<1xf32, #tpu.memory_space<smem>>
    memref.store %select_n3A_53, %arg8[%swap3A_54] : memref<1xf32, #tpu.memory_space<smem>>
    %eq3A_56 = arith.constant 15 : i32
    %eq3A_57 = arith.cmpi eq, %arg0, %eq3A_56 : i32
    %convert_element_type3A = arith.extui %eq3A_57 : i1 to i32
    %cond3A = arith.constant 0 : i32
    %cond3A_58 = arith.cmpi ne, %convert_element_type3A, %cond3A : i32
    scf.if %cond3A_58 {
      %get3A_59 = arith.constant 0 : index
      %get3A_60 = memref.load %arg8[%get3A_59] : memref<1xf32, #tpu.memory_space<smem>>
      %get3A_61 = arith.constant 0 : index
      %get3A_62 = arith.constant 0 : index
      %get3A_63 = vector.load %arg5[%get3A_61, %get3A_62] : memref<1x1xf32, #tpu.memory_space<vmem>>, vector<1x1xf32>
      %get3A_64 = vector.extract %get3A_63[0, 0] : f32 from vector<1x1xf32>
      %add3A_65 = arith.addf %get3A_60, %get3A_64 : f32
      %mul3A_66 = arith.constant 2.38418579E-7 : f32
      %mul3A_67 = arith.mulf %add3A_65, %mul3A_66 : f32
      %reshape3A = vector.broadcast %mul3A_67 : f32 to vector<1x1xf32>
      %swap3A_68 = arith.constant 0 : index
      %swap3A_69 = arith.constant 0 : index
      %swap3A_70 = vector.load %arg7[%swap3A_68, %swap3A_69] : memref<1x1xf32, #tpu.memory_space<vmem>>, vector<1x1xf32>
      tpu.vector_store %arg7[%swap3A_68, %swap3A_69], %reshape3A {strides = array<i32>} : memref<1x1xf32, #tpu.memory_space<vmem>>, vector<1x1xf32>,
    } else {
    }
    return
  }
  func.func @transform_0(%arg0: i32) -> (i32, i32) {
    %c0_i32 = arith.constant 0 : i32
    %c0_i32_0 = arith.constant 0 : i32
    return %arg0, %c0_i32 : i32, i32
  }
  func.func @transform_1(%arg0: i32) -> (i32, i32, i32) {
    %c0_i32 = arith.constant 0 : i32
    %c0_i32_0 = arith.constant 0 : i32
    %c0_i32_1 = arith.constant 0 : i32
    return %c0_i32, %arg0, %c0_i32_0 : i32, i32, i32
  }
  func.func @transform_2(%arg0: i32) -> (i32, i32, i32) {
    %c1_i32 = arith.constant 1 : i32
    %c0_i32 = arith.constant 0 : i32
    %c0_i32_0 = arith.constant 0 : i32
    return %c1_i32, %arg0, %c0_i32 : i32, i32, i32
  }
  func.func @transform_3(%arg0: i32) -> (i32, i32) {
    %c0_i32 = arith.constant 0 : i32
    %c0_i32_0 = arith.constant 0 : i32
    return %arg0, %c0_i32 : i32, i32
  }
  func.func @transform_4(%arg0: i32) -> (i32, i32) {
    %c0_i32 = arith.constant 0 : i32
    %c0_i32_0 = arith.constant 0 : i32
    %c0_i32_1 = arith.constant 0 : i32
    return %c0_i32, %c0_i32_0 : i32, i32
  }
  func.func @transform_5(%arg0: i32) -> (i32, i32) {
    %c0_i32 = arith.constant 0 : i32
    %c0_i32_0 = arith.constant 0 : i32
    return %arg0, %c0_i32 : i32, i32
  }
  func.func @transform_6(%arg0: i32) -> (i32, i32) {
    %c0_i32 = arith.constant 0 : i32
    %c0_i32_0 = arith.constant 0 : i32
    %c0_i32_1 = arith.constant 0 : i32
    return %c0_i32, %c0_i32_0 : i32, i32
  }
}

module attributes {stable_mosaic.version = 14 : i64} {
  func.func @_f2_body(%arg0: i32, %arg1: memref<1024x256xf32, #tpu.memory_space<vmem>>, %arg2: memref<1x1xf32, #tpu.memory_space<vmem>>, %arg3: memref<1xf32, #tpu.memory_space<smem>>) attributes {dimension_semantics = [#tpu.dimension_semantics<arbitrary>], iteration_bounds = array<i64: 16>, scalar_prefetch = 0 : i64, scratch_operands = 1 : i64, tpu.core_type = #tpu.core_type<tc>, window_params = [{transform_indices = @transform_0, window_bounds = array<i64: 1024, 256>}, {pipeline_mode = #tpu.pipeline_mode<synchronous>, transform_indices = @transform_1, window_bounds = array<i64: 1, 1>}]} {
    %get3A = arith.constant 0 : index
    %get3A_0 = arith.constant 0 : index
    %get3A_1 = vector.load %arg1[%get3A, %get3A_0] : memref<1024x256xf32, #tpu.memory_space<vmem>>, vector<1024x256xf32>
    %mul3A = arith.mulf %get3A_1, %get3A_1 : vector<1024x256xf32>
    %reduce_sum3A = vector.shape_cast %mul3A : vector<1024x256xf32> to vector<1x1024x256xf32>
    %reduce_sum3A_2 = arith.constant dense<0.000000e+00> : vector<1xf32>
    %reduce_sum3A_3 = vector.multi_reduction <add>, %reduce_sum3A, %reduce_sum3A_2 [1, 2] : vector<1x1024x256xf32> to vector<1xf32>
    %reduce_sum3A_4 = vector.shape_cast %reduce_sum3A_3 : vector<1xf32> to vector<1x1x1xf32>
    %reduce_sum3A_5 = vector.extract %reduce_sum3A_4[0, 0, 0] : f32 from vector<1x1x1xf32>
    %eq3A = arith.constant 0 : i32
    %eq3A_6 = arith.cmpi eq, %arg0, %eq3A : i32
    %get3A_7 = arith.constant 0 : index
    %get3A_8 = memref.load %arg3[%get3A_7] : memref<1xf32, #tpu.memory_space<smem>>
    %add3A = arith.addf %get3A_8, %reduce_sum3A_5 : f32
    %select_n3A = arith.select %eq3A_6, %reduce_sum3A_5, %add3A : f32
    %swap3A = arith.constant 0 : index
    %swap3A_9 = memref.load %arg3[%swap3A] : memref<1xf32, #tpu.memory_space<smem>>
    memref.store %select_n3A, %arg3[%swap3A] : memref<1xf32, #tpu.memory_space<smem>>
    %eq3A_10 = arith.constant 15 : i32
    %eq3A_11 = arith.cmpi eq, %arg0, %eq3A_10 : i32
    %convert_element_type3A = arith.extui %eq3A_11 : i1 to i32
    %cond3A = arith.constant 0 : i32
    %cond3A_12 = arith.cmpi ne, %convert_element_type3A, %cond3A : i32
    scf.if %cond3A_12 {
      %get3A_13 = arith.constant 0 : index
      %get3A_14 = memref.load %arg3[%get3A_13] : memref<1xf32, #tpu.memory_space<smem>>
      %reshape3A = vector.broadcast %get3A_14 : f32 to vector<1x1xf32>
      %swap3A_15 = arith.constant 0 : index
      %swap3A_16 = arith.constant 0 : index
      %swap3A_17 = vector.load %arg2[%swap3A_15, %swap3A_16] : memref<1x1xf32, #tpu.memory_space<vmem>>, vector<1x1xf32>
      tpu.vector_store %arg2[%swap3A_15, %swap3A_16], %reshape3A {strides = array<i32>} : memref<1x1xf32, #tpu.memory_space<vmem>>, vector<1x1xf32>,
    } else {
    }
    return
  }
  func.func @transform_0(%arg0: i32) -> (i32, i32) {
    %c0_i32 = arith.constant 0 : i32
    %c0_i32_0 = arith.constant 0 : i32
    return %arg0, %c0_i32 : i32, i32
  }
  func.func @transform_1(%arg0: i32) -> (i32, i32) {
    %c0_i32 = arith.constant 0 : i32
    %c0_i32_0 = arith.constant 0 : i32
    %c0_i32_1 = arith.constant 0 : i32
    return %c0_i32, %c0_i32_0 : i32, i32
  }
}

</mosaic_0001>

<sc_bundles>
// kernel: _impl.5.cloned.1.call-start
scs
__scs_entry_jumppad:
0x0: {  	(pc) =	sbr.rel $0x88, $3  }
0x1: {  	(tag) =	ssettag $0x0;
	lr =	simm.s32 $0x1  }
0x2: {  	[smem:$0x3F9E] =	sst lr;
	_ =	strace $0xD0000000  }
0x3: {  	_ = 	snop  }
0x4: {  	_ = 	snop  }
0x5: {  	_ = 	snop  }
0x6: {  	_ = 	snop  }
0x7: {  	_ = 	snop  }
__scs_overlays_trampoline_lowered:
0x8: {  	[smem:$0x3FAD] =	sst s0  }
0x9: {  	[smem:$0x3FAE] =	sst s1  }
0xa: {  	[smem:$0x3FAF] =	sst s2  }
0xb: {  	[smem:$0x3FB0] =	sst s3  }
0xc: {  	[smem:$0x3FB1] =	sst s4  }
0xd: {  	[smem:$0x3FB2] =	sst s5  }
0xe: {  	[smem:$0x3FB3] =	sst s6  }
0xf: {  	[smem:$0x3FB4] =	sst s7  }
0x10: {  	[smem:$0x3FB5] =	sst s8  }
0x11: {  	[smem:$0x3FB6] =	sst s9;
	s0 =	simm.s32 @!p0 $0x0  }
0x12: {  	s1 =	sld [smem:$0x3F9C];
	s0 =	simm.s32 @p0 $0x1  }
0x13: {  	[smem:$0x3FB7] =	sst s0;
	s0 =	simm.s32 @!p1 $0x0  }
0x14: {  	s2 =	sld [smem:$0x3F9B];
	s0 =	simm.s32 @p1 $0x1  }
0x15: {  	[smem:$0x3FB8] =	sst s0;
	s0 =	simm.s32 @!p2 $0x0  }
0x16: {  	s3 =	sld [smem:$0x3FDB];
	s0 =	simm.s32 @p2 $0x1  }
0x17: {  	s4 =	simm.s32 $0x1BF5;
	[smem:$0x3FBA] =	sst s0  }
0x18: {  	s0 =	sld [smem:$0x3F9D];
	_ =	swait.ge [sflag:s4], $0x0  }
0x19: {  	s7 =	sld [smem:$0x3F9E]  }
0x1a: {  	s8 =	sadd.s32 $0xFFFFE003, lr  }
0x1b: {  	s9 =	sadd.s32 $0xFFFFFEF7, lr;
	s5 =	simm.s32 $0xFFFFFFFF;
	p2 =	slt.u32 s8, $0xFFFFF086  }
0x1c: {  	p1 =	slt.u32 s9, $0xF7A;
	s5 =	simm.s32 @!p2 $0x0  }
0x1d: {  	s5 =	simm.s32 @p1 $0x1;
	p0 =	seq.s32 s7, s2  }
0x1e: {  	s7 =	smul.u32 @!p0 $0xF7A, s2;
	p2 =	seq.s32 @!p0 s5, $0x0  }
0x1f: {  	s9 =	smul.u32 $0xF7A, s1;
	s8 =	simm.s32 @!p0 $0x1BF5;
	p2 =	por !p2, p0  }
0x20: {  	[sflag:s8] =	ssyncset.s32 @!p0 $0xFFFFF086;
	s6 =	sadd.s32 @!p0 s3, s7;
	s7 =	simm.s32 @!p0 $0x108  }
0x21: {  	s3 =	sadd.s32 s3, s9;
	s6 =	sadd.s32 @!p0 $0x88, s6;
	s7 =	simm.s32 @p2 $0x1082  }
0x22: {  	[simem:s7], [sflag:s8] =	dma.local @!p0 [hbm:s6], $0xF7A  }
0x23: {  	s9 =	sor.u32 $0xD0000000, s2;
	s6 =	simm.s32 $0x108;
	_ =	swait.ge @!p0 [sflag:s8], $0x0  }
0x24: {  	s3 =	sadd.s32 $0x88, s3;
	s6 =	simm.s32 @!p1 $0x1082;
	[sflag:s4] =	ssyncset.s32 $0xFFFFF086  }
0x25: {  	[simem:s6], [sflag:s4] =	dma.local [hbm:s3], $0xF7A  }
0x26: {  	[smem:$0x3F9E] =	sst s1;
	(tag) =	ssettag s2;
	_ =	strace s9  }
0x27: {  	s1 =	sld [smem:$0x3FAE]  }
0x28: {  	s2 =	sld [smem:$0x3FAF]  }
0x29: {  	s4 =	sld [smem:$0x3FB1]  }
0x2a: {  	p0 =	seq.s32 s5, $0x0;
	s5 =	sld [smem:$0x3FB2]  }
0x2b: {  	s6 =	sld [smem:$0x3FB3]  }
0x2c: {  	s7 =	sld [smem:$0x3FB4]  }
0x2d: {  	s3 =	simm.s32 $0x108;
	s8 =	sld [smem:$0x3FB5]  }
0x2e: {  	s3 =	simm.s32 @!p0 $0x1082;
	s9 =	sld [smem:$0x3FB6]  }
0x2f: {  	lr =	sadd.s32 s0, s3;
	s0 =	sld [smem:$0x3FAD]  }
0x30: {  	s3 =	sld [smem:$0x3FB0]  }
0x31: {  	[smem:$0x3FB9] =	sst s10  }
0x32: {  	s10 =	sld [smem:$0x3FB7];
	_ =	sdelay $0x3  }
0x33: {  	p0 =	seq.s32 s10, $0x1;
	s10 =	sld [smem:$0x3FB9];
	_ =	sdelay $0x3  }
0x34: {  	[smem:$0x3FB9] =	sst s10  }
0x35: {  	s10 =	sld [smem:$0x3FB8];
	_ =	sdelay $0x3  }
0x36: {  	p1 =	seq.s32 s10, $0x1;
	s10 =	sld [smem:$0x3FB9];
	_ =	sdelay $0x3  }
0x37: {  	[smem:$0x3FB9] =	sst s10  }
0x38: {  	s10 =	sld [smem:$0x3FBA]  }
0x39: {  	_ = 	snop;
	(pc) =	sbr.ind lr, $3  }
0x3a: {  	_ = 	snop  }
0x3b: {  	_ = 	snop  }
0x3c: {  	p2 =	seq.s32 s10, $0x1;
	s10 =	sld [smem:$0x3FB9]  }
0x3d: {  	_ =	shalt  }
0x3e: {  	_ =	shalt  }
0x3f: {  	_ =	shalt  }
0x40: {  	_ =	shalt  }
0x41: {  	_ =	shalt  }
0x42: {  	_ =	shalt  }
0x43: {  	_ =	shalt  }
0x44: {  	_ =	shalt  }
0x45: {  	_ =	shalt  }
0x46: {  	_ =	shalt  }
0x47: {  	_ =	shalt  }
0x48: {  	_ =	shalt  }
0x49: {  	_ =	shalt  }
0x4a: {  	_ =	shalt  }
0x4b: {  	_ =	shalt  }
0x4c: {  	_ =	shalt  }
0x4d: {  	_ =	shalt  }
0x4e: {  	_ =	shalt  }
0x4f: {  	_ =	shalt  }
0x50: {  	_ =	shalt  }
0x51: {  	_ =	shalt  }
0x52: {  	_ =	shalt  }
0x53: {  	_ =	shalt  }
0x54: {  	_ =	shalt  }
0x55: {  	_ =	shalt  }
0x56: {  	_ =	shalt  }
0x57: {  	_ =	shalt  }
0x58: {  	_ =	shalt  }
0x59: {  	_ =	shalt  }
0x5a: {  	_ =	shalt  }
0x5b: {  	_ =	shalt  }
0x5c: {  	_ =	shalt  }
0x5d: {  	_ =	shalt  }
0x5e: {  	_ =	shalt  }
0x5f: {  	_ =	shalt  }
0x60: {  	_ =	shalt  }
0x61: {  	_ =	shalt  }
0x62: {  	_ =	shalt  }
0x63: {  	_ =	shalt  }
0x64: {  	_ =	shalt  }
0x65: {  	_ =	shalt  }
0x66: {  	_ =	shalt  }
0x67: {  	_ =	shalt  }
0x68: {  	_ =	shalt  }
0x69: {  	_ =	shalt  }
0x6a: {  	_ =	shalt  }
0x6b: {  	_ =	shalt  }
0x6c: {  	_ =	shalt  }
0x6d: {  	_ =	shalt  }
0x6e: {  	_ =	shalt  }
0x6f: {  	_ =	shalt  }
0x70: {  	_ =	shalt  }
0x71: {  	_ =	shalt  }
0x72: {  	_ =	shalt  }
0x73: {  	_ =	shalt  }
0x74: {  	_ =	shalt  }
0x75: {  	_ =	shalt  }
0x76: {  	_ =	shalt  }
0x77: {  	_ =	shalt  }
0x78: {  	_ =	shalt  }
0x79: {  	_ =	shalt  }
0x7a: {  	_ =	shalt  }
0x7b: {  	_ =	shalt  }
0x7c: {  	_ =	shalt  }
0x7d: {  	_ =	shalt  }
0x7e: {  	_ =	shalt  }
0x7f: {  	_ =	shalt  }
0x80: {  	_ =	shalt  }
0x81: {  	_ =	shalt  }
0x82: {  	_ =	shalt  }
0x83: {  	_ =	shalt  }
0x84: {  	_ =	shalt  }
0x85: {  	_ =	shalt  }
0x86: {  	_ =	shalt  }
0x87: {  	_ =	shalt  }
.Lfunc_end0:
.L_simem_size_0:
called_computation_lowered:
.L_overlay_start_0:
0x88: {  	s2 =	sld [smem:$0x3FD9]  }
0x89: {  	s3 =	sld [smem:$0x3FFE];
	_ =	sdelay $0x1  }
0x8a: {  	s1 =	srdreg.scid  }
0x8b: {  	s0 =	sand.u32 $0x1, s1  }
0x8c: {  	s14 =	sshll.u32 s0, $0xA;
	s2 =	sadd.s32 s3, s2  }
0x8d: {  	s2 =	sadd.s32 s2, s14  }
0x8e: {  	[smem:$0x3FC5] =	sst s2  }
0x8f: {  	_ = 	snop  }
0x90: {  	s2 =	sld [smem:$0x3FD0];
	_ =	sdelay $0x1  }
0x91: {  	s15 =	sld [smem:$0x3FC9]  }
0x92: {  	s5 =	simm.s32 $0xA;
	s6 =	simm.s32 $0x10;
	s4 =	sld [smem:$0x3FC8]  }
0x93: {  	[smem:s6], [sflag:s5] =	dma.local [hbm:s2], $0x1  }
0x94: {  	_ =	swait.eq [sflag:s5], $0x1  }
0x95: {  	[sflag:s5] =	ssyncset.done $0x0  }
0x96: {  	[sflag:s5] =	ssyncadd.s32 $0xFFFFFFFF  }
0x97: {  	s16 =	sld [smem:$0x11];
	(tm) =	ssettm $0x1  }
0x98: {  	s17 =	sld [smem:$0x3FFB];
	_ =	sdelay $0x3  }
0x99: {  	_ =	strace s17  }
0x9a: {  	s5 =	sld [smem:$0x3FFC];
	_ =	sdelay $0x3  }
0x9b: {  	_ =	strace s5  }
0x9c: {  	s5 =	sld [smem:$0x3FFD];
	_ =	sdelay $0x3  }
0x9d: {  	_ =	strace s5  }
0x9e: {  	_ =	strace $0x8FFFFFFF  }
0x9f: {  	s18 =	sld [smem:$0x3FDB];
	_ =	sdelay $0x1  }
0xa0: {  	s19 =	simm.s32 $_scs_section_size  }
0xa1: {  	s7 =	simm.s32 $_size__tile_overlayer_lowered;
	s8 =	simm.s32 $_tile_overlayer_lowered  }
0xa2: {  	s22 =	simm.s32 $0x1BFF;
	s21 =	sshll.u32 s8, $0x1;
	s5 =	sadd.s32 s19, s18  }
0xa3: {  	s9 =	simm.s32 $0x0;
	s20 =	sshll.u32 s7, $0x1;
	s7 =	sadd.s32 s21, s5  }
0xa4: {  	[timem:s9], [sflag:s22] =	dma.local [hbm:s7], s20  }
0xa5: {  	_ =	swait.ge [sflag:s22], s20  }
0xa6: {  	s6 =	ssub.s32 $0x0, s20;
	[sflag:s22] =	ssyncset.done $0x0  }
0xa7: {  	[sflag:s22] =	ssyncadd.s32 s6;
	_ =	sdelay $0x1  }
0xa8: {  	s23 =	simm.s32 $0x1B8B  }
0xa9: {  	_ =	swait.ge [sflag:s23], $0x1  }
0xaa: {  	[sflag:s23] =	ssyncset.done $0x0  }
0xab: {  	s25 =	simm.s32 $0x1B8E;
	s24 =	sld [smem:$0x3FFE];
	[sflag:s23] =	ssyncadd.s32 $0xFFFFFFFF  }
0xac: {  	s26 =	simm.s32 $execute0_lowered;
	[smem:$0x3FD2] =	sst s25  }
0xad: {  	s7 =	sshll.u32 s26, $0x1;
	_ =	strace $0x80000046;
	[dreg:$0x1] =	wrdreg $0xFFFFFFFF  }
0xae: {  	s28 =	simm.s32 $_size_execute0_lowered;
	s5 =	sadd.s32 s5, s7;
	[dreg:$0x0] =	wrdreg $0x0  }
0xaf: {  	s7 =	sshll.u32 s28, $0x1;
	[dreg:$0x2] =	wrdreg s5  }
0xb0: {  	[dreg:$0x3] =	wrdreg s7  }
0xb1: {  	[dreg:$0x4] =	wrdreg $0xC0  }
0xb2: {  	_ =	task [dreg:s9], $0x5FFFF  }
0xb3: {  	[dreg:$0x1] =	wrdreg $0xFFFFFFFF  }
0xb4: {  	[dreg:$0x0] =	wrdreg $0x60  }
0xb5: {  	[dreg:$0x2] =	wrdreg s15  }
0xb6: {  	[dreg:$0x3] =	wrdreg s4  }
0xb7: {  	[dreg:$0x4] =	wrdreg s16  }
0xb8: {  	[dreg:$0x5] =	wrdreg s24  }
0xb9: {  	[dreg:$0x6] =	wrdreg $0x66000  }
0xba: {  	[dreg:$0x7] =	wrdreg $0x166000  }
0xbb: {  	[dreg:$0x8] =	wrdreg $0x9  }
0xbc: {  	_ =	task.clear_ibuf [dreg:s9], $0x9FFFF;
	_ =	strace $0x90000046  }
0xbd: {  	s29 =	simm.s32 $0x9;
	_ =	strace $0x80000048  }
0xbe: {  	_ =	swait.ge [sflag:s29], $0x1  }
0xbf: {  	[sflag:s29] =	ssyncadd.s32 $0xFFFFFFFF  }
0xc0: {  	_ =	strace $0x90000048  }
0xc1: {  	_ =	sfence  }
0xc2: {  	s30 =	sld [smem:$0x0];
	_ =	sdelay $0x2  }
0xc3: {  	s31 =	sshll.u32 s1, $0xD;
	s1 =	sshrl.u32 s1, $0x2  }
0xc4: {  	s3 =	sand.u32 $0x4000, s31;
	s1 =	sadd.s32 s1, s30  }
0xc5: {  	s0 =	sor.u32 s3, s0;
	s1 =	sshll.u32 s1, $0x11  }
0xc6: {  	s0 =	sor.u32 s1, s0  }
0xc7: {  	s0 =	sadd.s32 $0x8F2B, s0  }
0xc8: {  	[sflag:s0] =	ssyncadd.remote.s32 $0x1  }
0xc9: {  	_ =	sfence.sel $0xFFFF  }
0xca: {  	[dreg:$0x0] =	wrdreg $0xFFFFFFFF;
	(pc) =	sbr.abs _section_cstart, $3  }
0xcb: {  	[dreg:$0x1] =	wrdreg $0xFFFFFFFF  }
0xcc: {  	_ =	task.clear_ibuf [dreg:s9], $0x2FFFF;
	_ =	strace $0x9FFFFFFF  }
0xcd: {  	(tm) =	ssettm $0x7FFFFFFF  }
tec
execute0_lowered:
.L_overlay_start_1:
0x0: {  	(tag) =	ssettag $0x1  }
0x1: {  	s0 =	rddreg [dreg:$0x0]  }
0x2: {  	s3 =	rddreg [dreg:$0x1]  }
0x3: {  	s4 =	rddreg [dreg:$0x2]  }
0x4: {  	s5 =	rddreg [dreg:$0x3]  }
0x5: {  	s1 =	rddreg [dreg:$0x4]  }
0x6: {  	s2 =	rddreg [dreg:$0x5]  }
0x7: {  	s6 =	srdreg.scid;
	s8 =	simm.s32 $0x0;
	s11 =	stileid.u32  }
0x8: {  	s28 =	simm.s32 $0x0;
	s7 =	sand.u32 $0x1, s6;
	[smem:$0x7FF] =	sst s8  }
0x9: {  	s14 =	sshll.u32 s11, $0xC;
	s15 =	sshll.u32 s11, $0x12;
	s16 =	sshll.u32 s11, $0x7  }
0xa: {  	s25 =	sor.u32 $0x1000, s11;
	s23 =	sshll.u32 s11, $0xF;
	s31 =	sshll.u32 s11, $0xD  }
0xb: {  	p0 =	sne.s32 s11, $0xF;
	s11 =	simm.s32 $0x1;
	s6 =	ssub.s32 $0x2, s7  }
0xc: {  	_ =	strace $0x80000047;
	s5 =	sadd.s32 s14, s5;
	s22 =	sshll.u32 s7, $0xC  }
0xd: {  	s10 =	sshrl.u32 s15, $0x2;
	s3 =	sadd.s32 s3, s16;
	s13 =	sadd.s32 s23, s2  }
0xe: {  	s24 =	sshll.u32 s7, $0xA;
	s16 =	sadd.s32 $0x80000, s2;
	[dreg:$0x7] =	wrdreg s3  }
0xf: {  	s9 =	sshrl.u32 s6, $0x1;
	s29 =	sadd.s32 $0x2000, s13;
	[dreg:$0x13] =	wrdreg s16  }
0x10: {  	s30 =	sadd.s32 $0x4000, s13;
	s14 =	sadd.s32 $0x6000, s13;
	[dreg:$0xf] =	wrdreg s29  }
0x11: {  	s8 =	ssub.s32 s6, s9;
	s6 =	sadd.s32 s10, s1;
	[dreg:$0x10] =	wrdreg s30  }
0x12: {  	s12 =	sadd.s32 s4, s31;
	[dreg:$0x11] =	wrdreg s14;
	s17 =	sadd.s32 $0x2000, s6  }
0x13: {  	v1 =	vmov s25;
	s25 =	simm.s32 $0x4;
	s18 =	sadd.s32 $0x4000, s6;
	[dreg:$0x8] =	wrdreg s17  }
0x14: {  	s3 =	sor.u32 s24, s15;
	s19 =	sadd.s32 $0x6000, s6;
	[dreg:$0x9] =	wrdreg s18  }
0x15: {  	s15 =	sshll.u32 s7, $0x10;
	s20 =	sadd.s32 $0x8000, s6;
	[dreg:$0xa] =	wrdreg s19  }
0x16: {  	s16 =	simm.s32 $0x800;
	s21 =	sadd.s32 $0xA000, s6;
	[dreg:$0xb] =	wrdreg s20  }
0x17: {  	v0 =	vmov s22;
	s22 =	simm.s32 $0x2;
	s10 =	sadd.s32 $0xC000, s6;
	[dreg:$0xc] =	wrdreg s21  }
0x18: {  	s3 =	sshrl.u32 s3, $0x3;
	s26 =	sadd.s32 $0xE000, s6;
	[dreg:$0xd] =	wrdreg s10  }
0x19: {  	[dreg:$0xe] =	wrdreg s26;
	s10 =	sshll.u32 s7, $0x11;
	s19 =	smax.u32 s8, $0x1  }
0x1a: {  	s17 =	sadd.s32 s0, s3;
	s0 =	sadd.s32 s10, s12;
	[dreg:$0x16] =	wrdreg s19  }
0x1b: {  	s14 =	simm.s32 $0x5;
	s18 =	sadd.s32 $0x800, s17;
	[dreg:$0x12] =	wrdreg s0  }
0x1c: {  	s20 =	sadd.s32 $0x1000, s17;
	s21 =	sadd.s32 $0x1800, s17;
	[dreg:$0x14] =	wrdreg s18  }
0x1d: {  	s23 =	sadd.s32 $0x2000, s17;
	s24 =	sadd.s32 $0x2800, s17;
	[dreg:$0x17] =	wrdreg s20  }
0x1e: {  	s26 =	sadd.s32 $0x3000, s17;
	s29 =	sadd.s32 $0x3800, s17;
	[dreg:$0x18] =	wrdreg s21  }
0x1f: {  	s30 =	sadd.s32 $0x4000, s17;
	s31 =	sadd.s32 $0x4800, s17;
	[dreg:$0x19] =	wrdreg s23  }
0x20: {  	s4 =	sadd.s32 $0x5000, s17;
	s3 =	sadd.s32 $0x5800, s17;
	[dreg:$0x1a] =	wrdreg s24  }
0x21: {  	s7 =	sadd.s32 $0x6800, s17;
	s8 =	sadd.s32 $0x7000, s17;
	[dreg:$0x1b] =	wrdreg s26  }
0x22: {  	s9 =	sadd.s32 $0x7800, s17;
	s10 =	simm.s32 $0x600;
	[dreg:$0x1c] =	wrdreg s29  }
0x23: {  	s12 =	simm.s32 $0x3;
	s19 =	simm.s32 $0x40;
	[dreg:$0x1d] =	wrdreg s30  }
0x24: {  	s0 =	sadd.s32 s15, s5;
	[dreg:$0x1e] =	wrdreg s31;
	s5 =	sadd.s32 $0x6000, s17  }
0x25: {  	s15 =	simm.s32 $0x400;
	s18 =	simm.s32 $0x2600;
	s20 =	simm.s32 $0x500  }
0x26: {  	s21 =	simm.s32 $0x4600;
	s23 =	simm.s32 $0x480;
	s0 =	sadd.s32 $0x1200, s0  }
0x27: {  	v2 =	vimm.f32 $0.0e+00;
	v3 =	vimm.f32 $1.000000000e+00;
	s24 =	simm.s32 $0x580;
	s26 =	simm.s32 $0x6;
	[dreg:$0x15] =	wrdreg s0  }
.LBB2_1:
0x28: {  	s29 =	simm.s32 $0x0;
	s30 =	simm.s32 $0x200  }
.LBB2_2:
0x29: {  	p1 =	sne.s32 s30, $0x7E00;
	[tilespmem:s29+$0x4670] =	vst v3  }
0x2a: {  	[tilespmem:s29+$0x600] =	vst v2  }
0x2b: {  	[tilespmem:s29+$0x4600] =	vst v3  }
0x2c: {  	[tilespmem:s29+$0x610] =	vst v2  }
0x2d: {  	[tilespmem:s29+$0x4610] =	vst v3  }
0x2e: {  	[tilespmem:s29+$0x620] =	vst v2  }
0x2f: {  	[tilespmem:s29+$0x4620] =	vst v3  }
0x30: {  	[tilespmem:s29+$0x630] =	vst v2  }
0x31: {  	[tilespmem:s29+$0x4630] =	vst v3  }
0x32: {  	[tilespmem:s29+$0x640] =	vst v2  }
0x33: {  	[tilespmem:s29+$0x4640] =	vst v3  }
.Ltmp0:
0x34: {  	[tilespmem:s29+$0x650] =	vst v2;
	(pc) =	sbr.rel @p1 .LBB2_2-.Ltmp0, $4  }
0x35: {  	[tilespmem:s29+$0x4650] =	vst v3  }
0x36: {  	[tilespmem:s29+$0x660] =	vst v2  }
0x37: {  	[tilespmem:s29+$0x4660] =	vst v3  }
0x38: {  	[tilespmem:s29+$0x670] =	vst v2;
	s29 =	sshra.s32 s30, $0x2;
	s30 =	sadd.s32 $0x200, s30  }
0x39: {  	[tilespmem:s29+$0x4670] =	vst v3  }
0x3a: {  	[tilespmem:s29+$0x600] =	vst v2  }
0x3b: {  	[tilespmem:s29+$0x4600] =	vst v3  }
0x3c: {  	[tilespmem:s29+$0x610] =	vst v2  }
0x3d: {  	[tilespmem:s29+$0x4610] =	vst v3  }
0x3e: {  	[tilespmem:s29+$0x620] =	vst v2  }
0x3f: {  	[tilespmem:s29+$0x4620] =	vst v3  }
0x40: {  	[tilespmem:s29+$0x630] =	vst v2  }
0x41: {  	[tilespmem:s29+$0x4630] =	vst v3  }
0x42: {  	[tilespmem:s29+$0x640] =	vst v2  }
0x43: {  	[tilespmem:s29+$0x4640] =	vst v3  }
0x44: {  	[tilespmem:s29+$0x650] =	vst v2  }
0x45: {  	[tilespmem:s29+$0x4650] =	vst v3  }
0x46: {  	[tilespmem:s29+$0x660] =	vst v2  }
0x47: {  	[tilespmem:s29+$0x4660] =	vst v3  }
0x48: {  	[tilespmem:s29+$0x670] =	vst v2;
	s31 =	simm.s32 $0x0;
	s30 =	rddreg [dreg:$0x7]  }
0x49: {  	[tilespmem:s31], [sflag:$0x1] =	stream.linear.gather [hbm4b:s30+s31], $0x400, $0x38;
	[tilespmem:$0x1E680] =	vst v63  }
0x4a: {  	_ = 	snop  }
0x4b: {  	[spmem:s6] =	stream.linear.scatter [tilespmem:s10], [sflag:$0x3], $0x2000, $0x38;
	[tilespmem:$0x1E680] =	vst v63  }
0x4c: {  	s0 =	rddreg [dreg:$0x8]  }
0x4d: {  	[spmem:s0] =	stream.linear.scatter [tilespmem:s10], [sflag:$0x3], $0x2000, $0x38;
	[tilespmem:$0x1E680] =	vst v63  }
0x4e: {  	s30 =	rddreg [dreg:$0x9]  }
0x4f: {  	[spmem:s30] =	stream.linear.scatter [tilespmem:s10], [sflag:$0x3], $0x2000, $0x38;
	[tilespmem:$0x1E680] =	vst v63  }
0x50: {  	s31 =	rddreg [dreg:$0xa]  }
0x51: {  	[spmem:s31] =	stream.linear.scatter [tilespmem:s10], [sflag:$0x3], $0x2000, $0x38;
	[tilespmem:$0x1E680] =	vst v63  }
0x52: {  	s0 =	rddreg [dreg:$0xb]  }
0x53: {  	[spmem:s0] =	stream.linear.scatter [tilespmem:s10], [sflag:$0x3], $0x2000, $0x38;
	[tilespmem:$0x1E680] =	vst v63  }
0x54: {  	s30 =	rddreg [dreg:$0xc]  }
0x55: {  	[spmem:s30] =	stream.linear.scatter [tilespmem:s10], [sflag:$0x3], $0x2000, $0x38;
	[tilespmem:$0x1E680] =	vst v63  }
0x56: {  	s31 =	rddreg [dreg:$0xd]  }
0x57: {  	[spmem:s31] =	stream.linear.scatter [tilespmem:s10], [sflag:$0x3], $0x2000, $0x38;
	[tilespmem:$0x1E680] =	vst v63  }
0x58: {  	s0 =	rddreg [dreg:$0xe]  }
0x59: {  	[spmem:s0] =	stream.linear.scatter [tilespmem:s10], [sflag:$0x3], $0x2000, $0x38;
	[tilespmem:$0x1E680] =	vst v63  }
0x5a: {  	_ = 	snop  }
0x5b: {  	[spmem:s13] =	stream.linear.scatter [tilespmem:s10], [sflag:$0x5], $0x2000, $0x38;
	[tilespmem:$0x1E680] =	vst v63  }
0x5c: {  	s30 =	rddreg [dreg:$0xf]  }
0x5d: {  	[spmem:s30] =	stream.linear.scatter [tilespmem:s10], [sflag:$0x5], $0x2000, $0x38;
	[tilespmem:$0x1E680] =	vst v63  }
0x5e: {  	s31 =	rddreg [dreg:$0x10]  }
0x5f: {  	[spmem:s31] =	stream.linear.scatter [tilespmem:s10], [sflag:$0x5], $0x2000, $0x38;
	[tilespmem:$0x1E680] =	vst v63  }
0x60: {  	s0 =	rddreg [dreg:$0x11]  }
0x61: {  	[spmem:s0] =	stream.linear.scatter [tilespmem:s10], [sflag:$0x5], $0x2000, $0x38;
	[tilespmem:$0x1E680] =	vst v63  }
0x62: {  	s29 =	simm.s32 @!p0 $0x600;
	s0 =	rddreg [dreg:$0x13]  }
0x63: {  	[spmem:s0] =	stream.linear.scatter @!p0 [tilespmem:s29], [sflag:$0x7], $0x800, $0x38;
	[tilespmem:$0x1E680] =	vst v63  }
0x64: {  	s29 =	simm.s32 @!p0 $0x7  }
0x65: {  	_ =	swait.ge @!p0 [sflag:s29], $0x800  }
0x66: {  	[sflag:s29] =	ssyncset.done @!p0 $0x0  }
0x67: {  	[sflag:s29] =	ssyncadd.s32 @!p0 $0xFFFFF800  }
0x68: {  	_ =	swait.ge [sflag:s11], $0x400  }
0x69: {  	[sflag:s11] =	ssyncset.done $0x0  }
0x6a: {  	[sflag:s11] =	ssyncadd.s32 $0xFFFFFC00  }
0x6b: {  	_ =	swait.ge [sflag:s12], $0x2000  }
0x6c: {  	[sflag:s12] =	ssyncset.done $0x0  }
0x6d: {  	[sflag:s12] =	ssyncadd.s32 $0xFFFFE000  }
0x6e: {  	_ =	swait.ge [sflag:s12], $0x2000  }
0x6f: {  	[sflag:s12] =	ssyncset.done $0x0  }
0x70: {  	[sflag:s12] =	ssyncadd.s32 $0xFFFFE000  }
0x71: {  	_ =	swait.ge [sflag:s12], $0x2000  }
0x72: {  	[sflag:s12] =	ssyncset.done $0x0  }
0x73: {  	[sflag:s12] =	ssyncadd.s32 $0xFFFFE000  }
0x74: {  	_ =	swait.ge [sflag:s12], $0x2000  }
0x75: {  	[sflag:s12] =	ssyncset.done $0x0  }
0x76: {  	[sflag:s12] =	ssyncadd.s32 $0xFFFFE000  }
0x77: {  	_ =	swait.ge [sflag:s12], $0x2000  }
0x78: {  	[sflag:s12] =	ssyncset.done $0x0  }
0x79: {  	[sflag:s12] =	ssyncadd.s32 $0xFFFFE000  }
0x7a: {  	_ =	swait.ge [sflag:s12], $0x2000  }
0x7b: {  	[sflag:s12] =	ssyncset.done $0x0  }
0x7c: {  	[sflag:s12] =	ssyncadd.s32 $0xFFFFE000  }
0x7d: {  	_ =	swait.ge [sflag:s12], $0x2000  }
0x7e: {  	[sflag:s12] =	ssyncset.done $0x0  }
0x7f: {  	[sflag:s12] =	ssyncadd.s32 $0xFFFFE000  }
0x80: {  	_ =	swait.ge [sflag:s12], $0x2000  }
0x81: {  	[sflag:s12] =	ssyncset.done $0x0  }
0x82: {  	[sflag:s12] =	ssyncadd.s32 $0xFFFFE000  }
0x83: {  	_ =	swait.ge [sflag:s14], $0x2000  }
0x84: {  	[sflag:s14] =	ssyncset.done $0x0  }
0x85: {  	[sflag:s14] =	ssyncadd.s32 $0xFFFFE000  }
0x86: {  	_ =	swait.ge [sflag:s14], $0x2000  }
0x87: {  	[sflag:s14] =	ssyncset.done $0x0  }
0x88: {  	[sflag:s14] =	ssyncadd.s32 $0xFFFFE000  }
0x89: {  	_ =	swait.ge [sflag:s14], $0x2000  }
0x8a: {  	[sflag:s14] =	ssyncset.done $0x0  }
0x8b: {  	[sflag:s14] =	ssyncadd.s32 $0xFFFFE000  }
0x8c: {  	_ =	swait.ge [sflag:s14], $0x2000  }
0x8d: {  	[sflag:s14] =	ssyncset.done $0x0  }
0x8e: {  	[sflag:s14] =	ssyncadd.s32 $0xFFFFE000  }
0x8f: {  	[bflag:$0x0] =	sbarrier.arrive $0xFFFF  }
0x90: {  	v4 =	vld [tilespmem:$0x0]  }
0x91: {  	v5 =	vld [tilespmem:$0x10]  }
0x92: {  	v6 =	vld [tilespmem:$0x20];
	_ =	sdelay $0x1  }
0x93: {  	v8 =	vld [tilespmem:$0x30]  }
0x94: {  	v7 =	vsub.s32 v4, v0;
	[tilespmem:$0x400] =	vst v4  }
0x95: {  	v56 =	vsub.s32 v5, v0;
	[tilespmem:$0x410] =	vst v5;
	vm0 =	vlt.u32 v7, $0x1000  }
0x96: {  	v5 =	vsub.s32 v6, v0;
	[tilespmem:$0x420] =	vst v6;
	vm13 =	vlt.u32 v56, $0x1000;
	v4 =	vsel vm0, v7, v1  }
0x97: {  	vm14 =	vlt.u32 v5, $0x1000;
	[tilespmem:$0x500] =	vst v4;
	v4 =	vsel vm13, v56, v1  }
0x98: {  	[tilespmem:$0x510] =	vst v4;
	v4 =	vsel vm14, v5, v1;
	v5 =	vsub.s32 v8, v0  }
0x99: {  	[tilespmem:$0x430] =	vst v8;
	vm15 =	vlt.u32 v5, $0x1000  }
0x9a: {  	[tilespmem:$0x520] =	vst v4;
	v4 =	vsel vm15, v5, v1  }
0x9b: {  	[tilespmem:$0x530] =	vst v4  }
0x9c: {  	[tilespmem:s10], [sflag:$0x1] =	stream.strided.gather [hbm4b:s17+s15], $0x2000, s16, s15, $0x38;
	[tilespmem:$0x1E680] =	vst v63  }
0x9d: {  	v4 =	vld [tilespmem:$0x40]  }
0x9e: {  	v5 =	vld [tilespmem:$0x50]  }
0x9f: {  	v57 =	vld [tilespmem:$0x60];
	_ =	sdelay $0x1  }
0xa0: {  	v59 =	vld [tilespmem:$0x70]  }
0xa1: {  	v58 =	vsub.s32 v4, v0;
	[tilespmem:$0x480] =	vst v4  }
0xa2: {  	v60 =	vsub.s32 v5, v0;
	[tilespmem:$0x490] =	vst v5;
	vm4 =	vlt.u32 v58, $0x1000  }
0xa3: {  	v5 =	vsub.s32 v57, v0;
	[tilespmem:$0x4A0] =	vst v57;
	vm5 =	vlt.u32 v60, $0x1000;
	v4 =	vsel vm4, v58, v1  }
0xa4: {  	vm6 =	vlt.u32 v5, $0x1000;
	[tilespmem:$0x580] =	vst v4;
	v4 =	vsel vm5, v60, v1  }
0xa5: {  	[tilespmem:$0x590] =	vst v4;
	v4 =	vsel vm6, v5, v1;
	v5 =	vsub.s32 v59, v0  }
0xa6: {  	[tilespmem:$0x4B0] =	vst v59;
	vm7 =	vlt.u32 v5, $0x1000  }
0xa7: {  	[tilespmem:$0x5A0] =	vst v4;
	v4 =	vsel vm7, v5, v1  }
0xa8: {  	s30 =	rddreg [dreg:$0x14];
	[tilespmem:$0x5B0] =	vst v4  }
0xa9: {  	[tilespmem:s18], [sflag:$0x2] =	stream.strided.gather [hbm4b:s30+s15], $0x2000, s16, s15, $0x38;
	[tilespmem:$0x1E680] =	vst v63  }
0xaa: {  	_ =	swait.ge [sflag:s11], $0x2000  }
0xab: {  	[sflag:s11] =	ssyncset.done $0x0  }
0xac: {  	[sflag:s11] =	ssyncadd.s32 $0xFFFFE000  }
0xad: {  	[spmem:s1] =	stream.indirect.scatter.add.f32 [tilespmem:s10], [sflag:$0x3], $0x80, s15, s19, $0xb8;
	[tilespmem:$0x1E680] =	vst v63  }
0xae: {  	_ = 	snop  }
0xaf: {  	[spmem:s2] =	stream.indirect.scatter.add.f32 [tilespmem:s21], [sflag:$0x5], $0x80, s20, s19, $0xb8;
	[tilespmem:$0x1E680] =	vst v63  }
0xb0: {  	_ =	swait.ge [sflag:s12], $0x2000  }
0xb1: {  	[sflag:s12] =	ssyncset.done $0x0  }
0xb2: {  	[sflag:s12] =	ssyncadd.s32 $0xFFFFE000  }
0xb3: {  	_ =	swait.ge [sflag:s14], $0x2000  }
0xb4: {  	[sflag:s14] =	ssyncset.done $0x0  }
0xb5: {  	[sflag:s14] =	ssyncadd.s32 $0xFFFFE000  }
0xb6: {  	v4 =	vld [tilespmem:$0x80]  }
0xb7: {  	v5 =	vld [tilespmem:$0x90]  }
0xb8: {  	v61 =	vld [tilespmem:$0xA0];
	_ =	sdelay $0x1  }
0xb9: {  	v63 =	vld [tilespmem:$0xB0]  }
0xba: {  	v62 =	vsub.s32 v4, v0;
	[tilespmem:$0x400] =	vst v4  }
0xbb: {  	v11 =	vsub.s32 v5, v0;
	[tilespmem:$0x410] =	vst v5;
	vm8 =	vlt.u32 v62, $0x1000  }
0xbc: {  	v5 =	vsub.s32 v61, v0;
	[tilespmem:$0x420] =	vst v61;
	vm9 =	vlt.u32 v11, $0x1000;
	v4 =	vsel vm8, v62, v1  }
0xbd: {  	vm10 =	vlt.u32 v5, $0x1000;
	[tilespmem:$0x500] =	vst v4;
	v4 =	vsel vm9, v11, v1  }
0xbe: {  	[tilespmem:$0x510] =	vst v4;
	v4 =	vsel vm10, v5, v1;
	v5 =	vsub.s32 v63, v0  }
0xbf: {  	[tilespmem:$0x430] =	vst v63;
	vm11 =	vlt.u32 v5, $0x1000  }
0xc0: {  	[tilespmem:$0x520] =	vst v4;
	v4 =	vsel vm11, v5, v1  }
0xc1: {  	s31 =	rddreg [dreg:$0x17];
	[tilespmem:$0x530] =	vst v4  }
0xc2: {  	[tilespmem:s10], [sflag:$0x1] =	stream.strided.gather [hbm4b:s31+s15], $0x2000, s16, s15, $0x38;
	[tilespmem:$0x1E680] =	vst v63  }
0xc3: {  	_ =	swait.ge [sflag:s22], $0x2000  }
0xc4: {  	[sflag:s22] =	ssyncset.done $0x0  }
0xc5: {  	[sflag:s22] =	ssyncadd.s32 $0xFFFFE000  }
0xc6: {  	[spmem:s1] =	stream.indirect.scatter.add.f32 [tilespmem:s18], [sflag:$0x4], $0x80, s23, s19, $0xb8;
	[tilespmem:$0x1E680] =	vst v63  }
0xc7: {  	_ = 	snop  }
0xc8: {  	[spmem:s2] =	stream.indirect.scatter.add.f32 [tilespmem:s21], [sflag:$0x6], $0x80, s24, s19, $0xb8;
	[tilespmem:$0x1E680] =	vst v63  }
0xc9: {  	_ =	swait.ge [sflag:s25], $0x2000  }
0xca: {  	[sflag:s25] =	ssyncset.done $0x0  }
0xcb: {  	[sflag:s25] =	ssyncadd.s32 $0xFFFFE000  }
0xcc: {  	_ =	swait.ge [sflag:s26], $0x2000  }
0xcd: {  	[sflag:s26] =	ssyncset.done $0x0  }
0xce: {  	[sflag:s26] =	ssyncadd.s32 $0xFFFFE000  }
0xcf: {  	v4 =	vld [tilespmem:$0xC0]  }
0xd0: {  	v5 =	vld [tilespmem:$0xD0]  }
0xd1: {  	v12 =	vld [tilespmem:$0xE0];
	_ =	sdelay $0x1  }
0xd2: {  	v14 =	vld [tilespmem:$0xF0]  }
0xd3: {  	v13 =	vsub.s32 v4, v0;
	[tilespmem:$0x480] =	vst v4  }
0xd4: {  	v15 =	vsub.s32 v5, v0;
	[tilespmem:$0x490] =	vst v5;
	vm12 =	vlt.u32 v13, $0x1000  }
0xd5: {  	v5 =	vsub.s32 v12, v0;
	[tilespmem:$0x4A0] =	vst v12;
	vm13 =	vlt.u32 v15, $0x1000;
	v4 =	vsel vm12, v13, v1  }
0xd6: {  	vm14 =	vlt.u32 v5, $0x1000;
	[tilespmem:$0x580] =	vst v4;
	v4 =	vsel vm13, v15, v1  }
0xd7: {  	[tilespmem:$0x590] =	vst v4;
	v4 =	vsel vm14, v5, v1;
	v5 =	vsub.s32 v14, v0  }
0xd8: {  	[tilespmem:$0x4B0] =	vst v14;
	vm15 =	vlt.u32 v5, $0x1000  }
0xd9: {  	[tilespmem:$0x5A0] =	vst v4;
	v4 =	vsel vm15, v5, v1  }
0xda: {  	s29 =	rddreg [dreg:$0x18];
	[tilespmem:$0x5B0] =	vst v4  }
0xdb: {  	[tilespmem:s18], [sflag:$0x2] =	stream.strided.gather [hbm4b:s29+s15], $0x2000, s16, s15, $0x38;
	[tilespmem:$0x1E680] =	vst v63  }
0xdc: {  	_ =	swait.ge [sflag:s11], $0x2000  }
0xdd: {  	[sflag:s11] =	ssyncset.done $0x0  }
0xde: {  	[sflag:s11] =	ssyncadd.s32 $0xFFFFE000  }
0xdf: {  	[spmem:s1] =	stream.indirect.scatter.add.f32 [tilespmem:s10], [sflag:$0x3], $0x80, s15, s19, $0xb8;
	[tilespmem:$0x1E680] =	vst v63  }
0xe0: {  	_ = 	snop  }
0xe1: {  	[spmem:s2] =	stream.indirect.scatter.add.f32 [tilespmem:s21], [sflag:$0x5], $0x80, s20, s19, $0xb8;
	[tilespmem:$0x1E680] =	vst v63  }
0xe2: {  	_ =	swait.ge [sflag:s12], $0x2000  }
0xe3: {  	[sflag:s12] =	ssyncset.done $0x0  }
0xe4: {  	[sflag:s12] =	ssyncadd.s32 $0xFFFFE000  }
0xe5: {  	_ =	swait.ge [sflag:s14], $0x2000  }
0xe6: {  	[sflag:s14] =	ssyncset.done $0x0  }
0xe7: {  	[sflag:s14] =	ssyncadd.s32 $0xFFFFE000  }
0xe8: {  	v4 =	vld [tilespmem:$0x100]  }
0xe9: {  	v5 =	vld [tilespmem:$0x110]  }
0xea: {  	v16 =	vld [tilespmem:$0x120];
	_ =	sdelay $0x1  }
0xeb: {  	v18 =	vld [tilespmem:$0x130]  }
0xec: {  	v17 =	vsub.s32 v4, v0;
	[tilespmem:$0x400] =	vst v4  }
0xed: {  	v19 =	vsub.s32 v5, v0;
	[tilespmem:$0x410] =	vst v5;
	vm4 =	vlt.u32 v17, $0x1000  }
0xee: {  	v5 =	vsub.s32 v16, v0;
	[tilespmem:$0x420] =	vst v16;
	vm5 =	vlt.u32 v19, $0x1000;
	v4 =	vsel vm4, v17, v1  }
0xef: {  	vm6 =	vlt.u32 v5, $0x1000;
	[tilespmem:$0x500] =	vst v4;
	v4 =	vsel vm5, v19, v1  }
0xf0: {  	[tilespmem:$0x510] =	vst v4;
	v4 =	vsel vm6, v5, v1;
	v5 =	vsub.s32 v18, v0  }
0xf1: {  	[tilespmem:$0x430] =	vst v18;
	vm7 =	vlt.u32 v5, $0x1000  }
0xf2: {  	[tilespmem:$0x520] =	vst v4;
	v4 =	vsel vm7, v5, v1  }
0xf3: {  	s30 =	rddreg [dreg:$0x19];
	[tilespmem:$0x530] =	vst v4  }
0xf4: {  	[tilespmem:s10], [sflag:$0x1] =	stream.strided.gather [hbm4b:s30+s15], $0x2000, s16, s15, $0x38;
	[tilespmem:$0x1E680] =	vst v63  }
0xf5: {  	_ =	swait.ge [sflag:s22], $0x2000  }
0xf6: {  	[sflag:s22] =	ssyncset.done $0x0  }
0xf7: {  	[sflag:s22] =	ssyncadd.s32 $0xFFFFE000  }
0xf8: {  	[spmem:s1] =	stream.indirect.scatter.add.f32 [tilespmem:s18], [sflag:$0x4], $0x80, s23, s19, $0xb8;
	[tilespmem:$0x1E680] =	vst v63  }
0xf9: {  	_ = 	snop  }
0xfa: {  	[spmem:s2] =	stream.indirect.scatter.add.f32 [tilespmem:s21], [sflag:$0x6], $0x80, s24, s19, $0xb8;
	[tilespmem:$0x1E680] =	vst v63  }
0xfb: {  	_ =	swait.ge [sflag:s25], $0x2000  }
0xfc: {  	[sflag:s25] =	ssyncset.done $0x0  }
0xfd: {  	[sflag:s25] =	ssyncadd.s32 $0xFFFFE000  }
0xfe: {  	_ =	swait.ge [sflag:s26], $0x2000  }
0xff: {  	[sflag:s26] =	ssyncset.done $0x0  }
0x100: {  	[sflag:s26] =	ssyncadd.s32 $0xFFFFE000  }
0x101: {  	v4 =	vld [tilespmem:$0x140]  }
0x102: {  	v5 =	vld [tilespmem:$0x150]  }
0x103: {  	v20 =	vld [tilespmem:$0x160];
	_ =	sdelay $0x1  }
0x104: {  	v22 =	vld [tilespmem:$0x170]  }
0x105: {  	v21 =	vsub.s32 v4, v0;
	[tilespmem:$0x480] =	vst v4  }
0x106: {  	v23 =	vsub.s32 v5, v0;
	[tilespmem:$0x490] =	vst v5;
	vm8 =	vlt.u32 v21, $0x1000  }
0x107: {  	v5 =	vsub.s32 v20, v0;
	[tilespmem:$0x4A0] =	vst v20;
	vm9 =	vlt.u32 v23, $0x1000;
	v4 =	vsel vm8, v21, v1  }
0x108: {  	vm10 =	vlt.u32 v5, $0x1000;
	[tilespmem:$0x580] =	vst v4;
	v4 =	vsel vm9, v23, v1  }
0x109: {  	[tilespmem:$0x590] =	vst v4;
	v4 =	vsel vm10, v5, v1;
	v5 =	vsub.s32 v22, v0  }
0x10a: {  	[tilespmem:$0x4B0] =	vst v22;
	vm11 =	vlt.u32 v5, $0x1000  }
0x10b: {  	[tilespmem:$0x5A0] =	vst v4;
	v4 =	vsel vm11, v5, v1  }
0x10c: {  	s31 =	rddreg [dreg:$0x1a];
	[tilespmem:$0x5B0] =	vst v4  }
0x10d: {  	[tilespmem:s18], [sflag:$0x2] =	stream.strided.gather [hbm4b:s31+s15], $0x2000, s16, s15, $0x38;
	[tilespmem:$0x1E680] =	vst v63  }
0x10e: {  	_ =	swait.ge [sflag:s11], $0x2000  }
0x10f: {  	[sflag:s11] =	ssyncset.done $0x0  }
0x110: {  	[sflag:s11] =	ssyncadd.s32 $0xFFFFE000  }
0x111: {  	[spmem:s1] =	stream.indirect.scatter.add.f32 [tilespmem:s10], [sflag:$0x3], $0x80, s15, s19, $0xb8;
	[tilespmem:$0x1E680] =	vst v63  }
0x112: {  	_ = 	snop  }
0x113: {  	[spmem:s2] =	stream.indirect.scatter.add.f32 [tilespmem:s21], [sflag:$0x5], $0x80, s20, s19, $0xb8;
	[tilespmem:$0x1E680] =	vst v63  }
0x114: {  	_ =	swait.ge [sflag:s12], $0x2000  }
0x115: {  	[sflag:s12] =	ssyncset.done $0x0  }
0x116: {  	[sflag:s12] =	ssyncadd.s32 $0xFFFFE000  }
0x117: {  	_ =	swait.ge [sflag:s14], $0x2000  }
0x118: {  	[sflag:s14] =	ssyncset.done $0x0  }
0x119: {  	[sflag:s14] =	ssyncadd.s32 $0xFFFFE000  }
0x11a: {  	v4 =	vld [tilespmem:$0x180]  }
0x11b: {  	v5 =	vld [tilespmem:$0x190]  }
0x11c: {  	v24 =	vld [tilespmem:$0x1A0];
	_ =	sdelay $0x1  }
0x11d: {  	v26 =	vld [tilespmem:$0x1B0]  }
0x11e: {  	v25 =	vsub.s32 v4, v0;
	[tilespmem:$0x400] =	vst v4  }
0x11f: {  	v27 =	vsub.s32 v5, v0;
	[tilespmem:$0x410] =	vst v5;
	vm12 =	vlt.u32 v25, $0x1000  }
0x120: {  	v5 =	vsub.s32 v24, v0;
	[tilespmem:$0x420] =	vst v24;
	vm13 =	vlt.u32 v27, $0x1000;
	v4 =	vsel vm12, v25, v1  }
0x121: {  	vm14 =	vlt.u32 v5, $0x1000;
	[tilespmem:$0x500] =	vst v4;
	v4 =	vsel vm13, v27, v1  }
0x122: {  	[tilespmem:$0x510] =	vst v4;
	v4 =	vsel vm14, v5, v1;
	v5 =	vsub.s32 v26, v0  }
0x123: {  	[tilespmem:$0x430] =	vst v26;
	vm15 =	vlt.u32 v5, $0x1000  }
0x124: {  	[tilespmem:$0x520] =	vst v4;
	v4 =	vsel vm15, v5, v1  }
0x125: {  	s29 =	rddreg [dreg:$0x1b];
	[tilespmem:$0x530] =	vst v4  }
0x126: {  	[tilespmem:s10], [sflag:$0x1] =	stream.strided.gather [hbm4b:s29+s15], $0x2000, s16, s15, $0x38;
	[tilespmem:$0x1E680] =	vst v63  }
0x127: {  	_ =	swait.ge [sflag:s22], $0x2000  }
0x128: {  	[sflag:s22] =	ssyncset.done $0x0  }
0x129: {  	[sflag:s22] =	ssyncadd.s32 $0xFFFFE000  }
0x12a: {  	[spmem:s1] =	stream.indirect.scatter.add.f32 [tilespmem:s18], [sflag:$0x4], $0x80, s23, s19, $0xb8;
	[tilespmem:$0x1E680] =	vst v63  }
0x12b: {  	_ = 	snop  }
0x12c: {  	[spmem:s2] =	stream.indirect.scatter.add.f32 [tilespmem:s21], [sflag:$0x6], $0x80, s24, s19, $0xb8;
	[tilespmem:$0x1E680] =	vst v63  }
0x12d: {  	_ =	swait.ge [sflag:s25], $0x2000  }
0x12e: {  	[sflag:s25] =	ssyncset.done $0x0  }
0x12f: {  	[sflag:s25] =	ssyncadd.s32 $0xFFFFE000  }
0x130: {  	_ =	swait.ge [sflag:s26], $0x2000  }
0x131: {  	[sflag:s26] =	ssyncset.done $0x0  }
0x132: {  	[sflag:s26] =	ssyncadd.s32 $0xFFFFE000  }
0x133: {  	v4 =	vld [tilespmem:$0x1C0]  }
0x134: {  	v5 =	vld [tilespmem:$0x1D0]  }
0x135: {  	v28 =	vld [tilespmem:$0x1E0];
	_ =	sdelay $0x1  }
0x136: {  	v30 =	vld [tilespmem:$0x1F0]  }
0x137: {  	v29 =	vsub.s32 v4, v0;
	[tilespmem:$0x480] =	vst v4  }
0x138: {  	v31 =	vsub.s32 v5, v0;
	[tilespmem:$0x490] =	vst v5;
	vm4 =	vlt.u32 v29, $0x1000  }
0x139: {  	v5 =	vsub.s32 v28, v0;
	[tilespmem:$0x4A0] =	vst v28;
	vm5 =	vlt.u32 v31, $0x1000;
	v4 =	vsel vm4, v29, v1  }
0x13a: {  	vm6 =	vlt.u32 v5, $0x1000;
	[tilespmem:$0x580] =	vst v4;
	v4 =	vsel vm5, v31, v1  }
0x13b: {  	[tilespmem:$0x590] =	vst v4;
	v4 =	vsel vm6, v5, v1;
	v5 =	vsub.s32 v30, v0  }
0x13c: {  	[tilespmem:$0x4B0] =	vst v30;
	vm7 =	vlt.u32 v5, $0x1000  }
0x13d: {  	[tilespmem:$0x5A0] =	vst v4;
	v4 =	vsel vm7, v5, v1  }
0x13e: {  	s30 =	rddreg [dreg:$0x1c];
	[tilespmem:$0x5B0] =	vst v4  }
0x13f: {  	[tilespmem:s18], [sflag:$0x2] =	stream.strided.gather [hbm4b:s30+s15], $0x2000, s16, s15, $0x38;
	[tilespmem:$0x1E680] =	vst v63  }
0x140: {  	_ =	swait.ge [sflag:s11], $0x2000  }
0x141: {  	[sflag:s11] =	ssyncset.done $0x0  }
0x142: {  	[sflag:s11] =	ssyncadd.s32 $0xFFFFE000  }
0x143: {  	[spmem:s1] =	stream.indirect.scatter.add.f32 [tilespmem:s10], [sflag:$0x3], $0x80, s15, s19, $0xb8;
	[tilespmem:$0x1E680] =	vst v63  }
0x144: {  	_ = 	snop  }
0x145: {  	[spmem:s2] =	stream.indirect.scatter.add.f32 [tilespmem:s21], [sflag:$0x5], $0x80, s20, s19, $0xb8;
	[tilespmem:$0x1E680] =	vst v63  }
0x146: {  	_ =	swait.ge [sflag:s12], $0x2000  }
0x147: {  	[sflag:s12] =	ssyncset.done $0x0  }
0x148: {  	[sflag:s12] =	ssyncadd.s32 $0xFFFFE000  }
0x149: {  	_ =	swait.ge [sflag:s14], $0x2000  }
0x14a: {  	[sflag:s14] =	ssyncset.done $0x0  }
0x14b: {  	[sflag:s14] =	ssyncadd.s32 $0xFFFFE000  }
0x14c: {  	v4 =	vld [tilespmem:$0x200]  }
0x14d: {  	v5 =	vld [tilespmem:$0x210]  }
0x14e: {  	v32 =	vld [tilespmem:$0x220];
	_ =	sdelay $0x1  }
0x14f: {  	v34 =	vld [tilespmem:$0x230]  }
0x150: {  	v33 =	vsub.s32 v4, v0;
	[tilespmem:$0x400] =	vst v4  }
0x151: {  	v35 =	vsub.s32 v5, v0;
	[tilespmem:$0x410] =	vst v5;
	vm8 =	vlt.u32 v33, $0x1000  }
0x152: {  	v5 =	vsub.s32 v32, v0;
	[tilespmem:$0x420] =	vst v32;
	vm9 =	vlt.u32 v35, $0x1000;
	v4 =	vsel vm8, v33, v1  }
0x153: {  	vm10 =	vlt.u32 v5, $0x1000;
	[tilespmem:$0x500] =	vst v4;
	v4 =	vsel vm9, v35, v1  }
0x154: {  	[tilespmem:$0x510] =	vst v4;
	v4 =	vsel vm10, v5, v1;
	v5 =	vsub.s32 v34, v0  }
0x155: {  	[tilespmem:$0x430] =	vst v34;
	vm11 =	vlt.u32 v5, $0x1000  }
0x156: {  	[tilespmem:$0x520] =	vst v4;
	v4 =	vsel vm11, v5, v1  }
0x157: {  	s31 =	rddreg [dreg:$0x1d];
	[tilespmem:$0x530] =	vst v4  }
0x158: {  	[tilespmem:s10], [sflag:$0x1] =	stream.strided.gather [hbm4b:s31+s15], $0x2000, s16, s15, $0x38;
	[tilespmem:$0x1E680] =	vst v63  }
0x159: {  	_ =	swait.ge [sflag:s22], $0x2000  }
0x15a: {  	[sflag:s22] =	ssyncset.done $0x0  }
0x15b: {  	[sflag:s22] =	ssyncadd.s32 $0xFFFFE000  }
0x15c: {  	[spmem:s1] =	stream.indirect.scatter.add.f32 [tilespmem:s18], [sflag:$0x4], $0x80, s23, s19, $0xb8;
	[tilespmem:$0x1E680] =	vst v63  }
0x15d: {  	_ = 	snop  }
0x15e: {  	[spmem:s2] =	stream.indirect.scatter.add.f32 [tilespmem:s21], [sflag:$0x6], $0x80, s24, s19, $0xb8;
	[tilespmem:$0x1E680] =	vst v63  }
0x15f: {  	_ =	swait.ge [sflag:s25], $0x2000  }
0x160: {  	[sflag:s25] =	ssyncset.done $0x0  }
0x161: {  	[sflag:s25] =	ssyncadd.s32 $0xFFFFE000  }
0x162: {  	_ =	swait.ge [sflag:s26], $0x2000  }
0x163: {  	[sflag:s26] =	ssyncset.done $0x0  }
0x164: {  	[sflag:s26] =	ssyncadd.s32 $0xFFFFE000  }
0x165: {  	v4 =	vld [tilespmem:$0x240]  }
0x166: {  	v5 =	vld [tilespmem:$0x250]  }
0x167: {  	v36 =	vld [tilespmem:$0x260];
	_ =	sdelay $0x1  }
0x168: {  	v38 =	vld [tilespmem:$0x270]  }
0x169: {  	v37 =	vsub.s32 v4, v0;
	[tilespmem:$0x480] =	vst v4  }
0x16a: {  	v39 =	vsub.s32 v5, v0;
	[tilespmem:$0x490] =	vst v5;
	vm12 =	vlt.u32 v37, $0x1000  }
0x16b: {  	v5 =	vsub.s32 v36, v0;
	[tilespmem:$0x4A0] =	vst v36;
	vm13 =	vlt.u32 v39, $0x1000;
	v4 =	vsel vm12, v37, v1  }
0x16c: {  	vm14 =	vlt.u32 v5, $0x1000;
	[tilespmem:$0x580] =	vst v4;
	v4 =	vsel vm13, v39, v1  }
0x16d: {  	[tilespmem:$0x590] =	vst v4;
	v4 =	vsel vm14, v5, v1;
	v5 =	vsub.s32 v38, v0  }
0x16e: {  	[tilespmem:$0x4B0] =	vst v38;
	vm15 =	vlt.u32 v5, $0x1000  }
0x16f: {  	[tilespmem:$0x5A0] =	vst v4;
	v4 =	vsel vm15, v5, v1  }
0x170: {  	s29 =	rddreg [dreg:$0x1e];
	[tilespmem:$0x5B0] =	vst v4  }
0x171: {  	[tilespmem:s18], [sflag:$0x2] =	stream.strided.gather [hbm4b:s29+s15], $0x2000, s16, s15, $0x38;
	[tilespmem:$0x1E680] =	vst v63  }
0x172: {  	_ =	swait.ge [sflag:s11], $0x2000  }
0x173: {  	[sflag:s11] =	ssyncset.done $0x0  }
0x174: {  	[sflag:s11] =	ssyncadd.s32 $0xFFFFE000  }
0x175: {  	[spmem:s1] =	stream.indirect.scatter.add.f32 [tilespmem:s10], [sflag:$0x3], $0x80, s15, s19, $0xb8;
	[tilespmem:$0x1E680] =	vst v63  }
0x176: {  	_ = 	snop  }
0x177: {  	[spmem:s2] =	stream.indirect.scatter.add.f32 [tilespmem:s21], [sflag:$0x5], $0x80, s20, s19, $0xb8;
	[tilespmem:$0x1E680] =	vst v63  }
0x178: {  	_ =	swait.ge [sflag:s12], $0x2000  }
0x179: {  	[sflag:s12] =	ssyncset.done $0x0  }
0x17a: {  	[sflag:s12] =	ssyncadd.s32 $0xFFFFE000  }
0x17b: {  	_ =	swait.ge [sflag:s14], $0x2000  }
0x17c: {  	[sflag:s14] =	ssyncset.done $0x0  }
0x17d: {  	[sflag:s14] =	ssyncadd.s32 $0xFFFFE000  }
0x17e: {  	v4 =	vld [tilespmem:$0x280]  }
0x17f: {  	v5 =	vld [tilespmem:$0x290]  }
0x180: {  	v40 =	vld [tilespmem:$0x2A0];
	_ =	sdelay $0x1  }
0x181: {  	v42 =	vld [tilespmem:$0x2B0]  }
0x182: {  	v41 =	vsub.s32 v4, v0;
	[tilespmem:$0x400] =	vst v4  }
0x183: {  	v43 =	vsub.s32 v5, v0;
	[tilespmem:$0x410] =	vst v5;
	vm4 =	vlt.u32 v41, $0x1000  }
0x184: {  	v5 =	vsub.s32 v40, v0;
	[tilespmem:$0x420] =	vst v40;
	vm5 =	vlt.u32 v43, $0x1000;
	v4 =	vsel vm4, v41, v1  }
0x185: {  	vm6 =	vlt.u32 v5, $0x1000;
	[tilespmem:$0x500] =	vst v4;
	v4 =	vsel vm5, v43, v1  }
0x186: {  	[tilespmem:$0x510] =	vst v4;
	v4 =	vsel vm6, v5, v1;
	v5 =	vsub.s32 v42, v0  }
0x187: {  	[tilespmem:$0x430] =	vst v42;
	vm7 =	vlt.u32 v5, $0x1000  }
0x188: {  	[tilespmem:$0x520] =	vst v4;
	v4 =	vsel vm7, v5, v1  }
0x189: {  	[tilespmem:$0x530] =	vst v4  }
0x18a: {  	[tilespmem:s10], [sflag:$0x1] =	stream.strided.gather [hbm4b:s4+s15], $0x2000, s16, s15, $0x38;
	[tilespmem:$0x1E680] =	vst v63  }
0x18b: {  	_ =	swait.ge [sflag:s22], $0x2000  }
0x18c: {  	[sflag:s22] =	ssyncset.done $0x0  }
0x18d: {  	[sflag:s22] =	ssyncadd.s32 $0xFFFFE000  }
0x18e: {  	[spmem:s1] =	stream.indirect.scatter.add.f32 [tilespmem:s18], [sflag:$0x4], $0x80, s23, s19, $0xb8;
	[tilespmem:$0x1E680] =	vst v63  }
0x18f: {  	_ = 	snop  }
0x190: {  	[spmem:s2] =	stream.indirect.scatter.add.f32 [tilespmem:s21], [sflag:$0x6], $0x80, s24, s19, $0xb8;
	[tilespmem:$0x1E680] =	vst v63  }
0x191: {  	_ =	swait.ge [sflag:s25], $0x2000  }
0x192: {  	[sflag:s25] =	ssyncset.done $0x0  }
0x193: {  	[sflag:s25] =	ssyncadd.s32 $0xFFFFE000  }
0x194: {  	_ =	swait.ge [sflag:s26], $0x2000  }
0x195: {  	[sflag:s26] =	ssyncset.done $0x0  }
0x196: {  	[sflag:s26] =	ssyncadd.s32 $0xFFFFE000  }
0x197: {  	v4 =	vld [tilespmem:$0x2C0]  }
0x198: {  	v5 =	vld [tilespmem:$0x2D0]  }
0x199: {  	v44 =	vld [tilespmem:$0x2E0];
	_ =	sdelay $0x1  }
0x19a: {  	v46 =	vld [tilespmem:$0x2F0]  }
0x19b: {  	v45 =	vsub.s32 v4, v0;
	[tilespmem:$0x480] =	vst v4  }
0x19c: {  	v47 =	vsub.s32 v5, v0;
	[tilespmem:$0x490] =	vst v5;
	vm8 =	vlt.u32 v45, $0x1000  }
0x19d: {  	v5 =	vsub.s32 v44, v0;
	[tilespmem:$0x4A0] =	vst v44;
	vm9 =	vlt.u32 v47, $0x1000;
	v4 =	vsel vm8, v45, v1  }
0x19e: {  	vm10 =	vlt.u32 v5, $0x1000;
	[tilespmem:$0x580] =	vst v4;
	v4 =	vsel vm9, v47, v1  }
0x19f: {  	[tilespmem:$0x590] =	vst v4;
	v4 =	vsel vm10, v5, v1;
	v5 =	vsub.s32 v46, v0  }
0x1a0: {  	[tilespmem:$0x4B0] =	vst v46;
	vm11 =	vlt.u32 v5, $0x1000  }
0x1a1: {  	[tilespmem:$0x5A0] =	vst v4;
	v4 =	vsel vm11, v5, v1  }
0x1a2: {  	[tilespmem:$0x5B0] =	vst v4  }
0x1a3: {  	[tilespmem:s18], [sflag:$0x2] =	stream.strided.gather [hbm4b:s3+s15], $0x2000, s16, s15, $0x38;
	[tilespmem:$0x1E680] =	vst v63  }
0x1a4: {  	_ =	swait.ge [sflag:s11], $0x2000  }
0x1a5: {  	[sflag:s11] =	ssyncset.done $0x0  }
0x1a6: {  	[sflag:s11] =	ssyncadd.s32 $0xFFFFE000  }
0x1a7: {  	[spmem:s1] =	stream.indirect.scatter.add.f32 [tilespmem:s10], [sflag:$0x3], $0x80, s15, s19, $0xb8;
	[tilespmem:$0x1E680] =	vst v63  }
0x1a8: {  	_ = 	snop  }
0x1a9: {  	[spmem:s2] =	stream.indirect.scatter.add.f32 [tilespmem:s21], [sflag:$0x5], $0x80, s20, s19, $0xb8;
	[tilespmem:$0x1E680] =	vst v63  }
0x1aa: {  	_ =	swait.ge [sflag:s12], $0x2000  }
0x1ab: {  	[sflag:s12] =	ssyncset.done $0x0  }
0x1ac: {  	[sflag:s12] =	ssyncadd.s32 $0xFFFFE000  }
0x1ad: {  	_ =	swait.ge [sflag:s14], $0x2000  }
0x1ae: {  	[sflag:s14] =	ssyncset.done $0x0  }
0x1af: {  	[sflag:s14] =	ssyncadd.s32 $0xFFFFE000  }
0x1b0: {  	v4 =	vld [tilespmem:$0x300]  }
0x1b1: {  	v5 =	vld [tilespmem:$0x310]  }
0x1b2: {  	v48 =	vld [tilespmem:$0x320];
	_ =	sdelay $0x1  }
0x1b3: {  	v50 =	vld [tilespmem:$0x330]  }
0x1b4: {  	v49 =	vsub.s32 v4, v0;
	[tilespmem:$0x400] =	vst v4  }
0x1b5: {  	v51 =	vsub.s32 v5, v0;
	[tilespmem:$0x410] =	vst v5;
	vm12 =	vlt.u32 v49, $0x1000  }
0x1b6: {  	v5 =	vsub.s32 v48, v0;
	[tilespmem:$0x420] =	vst v48;
	vm13 =	vlt.u32 v51, $0x1000;
	v4 =	vsel vm12, v49, v1  }
0x1b7: {  	vm14 =	vlt.u32 v5, $0x1000;
	[tilespmem:$0x500] =	vst v4;
	v4 =	vsel vm13, v51, v1  }
0x1b8: {  	[tilespmem:$0x510] =	vst v4;
	v4 =	vsel vm14, v5, v1;
	v5 =	vsub.s32 v50, v0  }
0x1b9: {  	[tilespmem:$0x430] =	vst v50;
	vm15 =	vlt.u32 v5, $0x1000  }
0x1ba: {  	[tilespmem:$0x520] =	vst v4;
	v4 =	vsel vm15, v5, v1  }
0x1bb: {  	[tilespmem:$0x530] =	vst v4  }
0x1bc: {  	[tilespmem:s10], [sflag:$0x1] =	stream.strided.gather [hbm4b:s5+s15], $0x2000, s16, s15, $0x38;
	[tilespmem:$0x1E680] =	vst v63  }
0x1bd: {  	_ =	swait.ge [sflag:s22], $0x2000  }
0x1be: {  	[sflag:s22] =	ssyncset.done $0x0  }
0x1bf: {  	[sflag:s22] =	ssyncadd.s32 $0xFFFFE000  }
0x1c0: {  	[spmem:s1] =	stream.indirect.scatter.add.f32 [tilespmem:s18], [sflag:$0x4], $0x80, s23, s19, $0xb8;
	[tilespmem:$0x1E680] =	vst v63  }
0x1c1: {  	_ = 	snop  }
0x1c2: {  	[spmem:s2] =	stream.indirect.scatter.add.f32 [tilespmem:s21], [sflag:$0x6], $0x80, s24, s19, $0xb8;
	[tilespmem:$0x1E680] =	vst v63  }
0x1c3: {  	_ =	swait.ge [sflag:s25], $0x2000  }
0x1c4: {  	[sflag:s25] =	ssyncset.done $0x0  }
0x1c5: {  	[sflag:s25] =	ssyncadd.s32 $0xFFFFE000  }
0x1c6: {  	_ =	swait.ge [sflag:s26], $0x2000  }
0x1c7: {  	[sflag:s26] =	ssyncset.done $0x0  }
0x1c8: {  	[sflag:s26] =	ssyncadd.s32 $0xFFFFE000  }
0x1c9: {  	v4 =	vld [tilespmem:$0x340]  }
0x1ca: {  	v5 =	vld [tilespmem:$0x350]  }
0x1cb: {  	v52 =	vld [tilespmem:$0x360];
	_ =	sdelay $0x1  }
0x1cc: {  	v54 =	vld [tilespmem:$0x370]  }
0x1cd: {  	v53 =	vsub.s32 v4, v0;
	[tilespmem:$0x480] =	vst v4  }
0x1ce: {  	v55 =	vsub.s32 v5, v0;
	[tilespmem:$0x490] =	vst v5;
	vm4 =	vlt.u32 v53, $0x1000  }
0x1cf: {  	v5 =	vsub.s32 v52, v0;
	[tilespmem:$0x4A0] =	vst v52;
	vm5 =	vlt.u32 v55, $0x1000;
	v4 =	vsel vm4, v53, v1  }
0x1d0: {  	vm6 =	vlt.u32 v5, $0x1000;
	[tilespmem:$0x580] =	vst v4;
	v4 =	vsel vm5, v55, v1  }
0x1d1: {  	[tilespmem:$0x590] =	vst v4;
	v4 =	vsel vm6, v5, v1;
	v5 =	vsub.s32 v54, v0  }
0x1d2: {  	[tilespmem:$0x4B0] =	vst v54;
	vm7 =	vlt.u32 v5, $0x1000  }
0x1d3: {  	[tilespmem:$0x5A0] =	vst v4;
	v4 =	vsel vm7, v5, v1  }
0x1d4: {  	[tilespmem:$0x5B0] =	vst v4  }
0x1d5: {  	[tilespmem:s18], [sflag:$0x2] =	stream.strided.gather [hbm4b:s7+s15], $0x2000, s16, s15, $0x38;
	[tilespmem:$0x1E680] =	vst v63  }
0x1d6: {  	_ =	swait.ge [sflag:s11], $0x2000  }
0x1d7: {  	[sflag:s11] =	ssyncset.done $0x0  }
0x1d8: {  	[sflag:s11] =	ssyncadd.s32 $0xFFFFE000  }
0x1d9: {  	[spmem:s1] =	stream.indirect.scatter.add.f32 [tilespmem:s10], [sflag:$0x3], $0x80, s15, s19, $0xb8;
	[tilespmem:$0x1E680] =	vst v63  }
0x1da: {  	_ = 	snop  }
0x1db: {  	[spmem:s2] =	stream.indirect.scatter.add.f32 [tilespmem:s21], [sflag:$0x5], $0x80, s20, s19, $0xb8;
	[tilespmem:$0x1E680] =	vst v63  }
0x1dc: {  	_ =	swait.ge [sflag:s12], $0x2000  }
0x1dd: {  	[sflag:s12] =	ssyncset.done $0x0  }
0x1de: {  	[sflag:s12] =	ssyncadd.s32 $0xFFFFE000  }
0x1df: {  	_ =	swait.ge [sflag:s14], $0x2000  }
0x1e0: {  	[sflag:s14] =	ssyncset.done $0x0  }
0x1e1: {  	[sflag:s14] =	ssyncadd.s32 $0xFFFFE000  }
0x1e2: {  	v4 =	vld [tilespmem:$0x380]  }
0x1e3: {  	v5 =	vld [tilespmem:$0x390]  }
0x1e4: {  	v56 =	vld [tilespmem:$0x3A0];
	_ =	sdelay $0x1  }
0x1e5: {  	v58 =	vld [tilespmem:$0x3B0]  }
0x1e6: {  	v57 =	vsub.s32 v4, v0;
	[tilespmem:$0x400] =	vst v4  }
0x1e7: {  	v59 =	vsub.s32 v5, v0;
	[tilespmem:$0x410] =	vst v5;
	vm8 =	vlt.u32 v57, $0x1000  }
0x1e8: {  	v5 =	vsub.s32 v56, v0;
	[tilespmem:$0x420] =	vst v56;
	vm9 =	vlt.u32 v59, $0x1000;
	v4 =	vsel vm8, v57, v1  }
0x1e9: {  	vm10 =	vlt.u32 v5, $0x1000;
	[tilespmem:$0x500] =	vst v4;
	v4 =	vsel vm9, v59, v1  }
0x1ea: {  	[tilespmem:$0x510] =	vst v4;
	v4 =	vsel vm10, v5, v1;
	v5 =	vsub.s32 v58, v0  }
0x1eb: {  	[tilespmem:$0x430] =	vst v58;
	vm11 =	vlt.u32 v5, $0x1000  }
0x1ec: {  	[tilespmem:$0x520] =	vst v4;
	v4 =	vsel vm11, v5, v1  }
0x1ed: {  	[tilespmem:$0x530] =	vst v4  }
0x1ee: {  	[tilespmem:s10], [sflag:$0x1] =	stream.strided.gather [hbm4b:s8+s15], $0x2000, s16, s15, $0x38;
	[tilespmem:$0x1E680] =	vst v63  }
0x1ef: {  	_ =	swait.ge [sflag:s22], $0x2000  }
0x1f0: {  	[sflag:s22] =	ssyncset.done $0x0  }
0x1f1: {  	[sflag:s22] =	ssyncadd.s32 $0xFFFFE000  }
0x1f2: {  	[spmem:s1] =	stream.indirect.scatter.add.f32 [tilespmem:s18], [sflag:$0x4], $0x80, s23, s19, $0xb8;
	[tilespmem:$0x1E680] =	vst v63  }
0x1f3: {  	_ = 	snop  }
0x1f4: {  	[spmem:s2] =	stream.indirect.scatter.add.f32 [tilespmem:s21], [sflag:$0x6], $0x80, s24, s19, $0xb8;
	[tilespmem:$0x1E680] =	vst v63  }
0x1f5: {  	_ =	swait.ge [sflag:s25], $0x2000  }
0x1f6: {  	[sflag:s25] =	ssyncset.done $0x0  }
0x1f7: {  	[sflag:s25] =	ssyncadd.s32 $0xFFFFE000  }
0x1f8: {  	_ =	swait.ge [sflag:s26], $0x2000  }
0x1f9: {  	[sflag:s26] =	ssyncset.done $0x0  }
0x1fa: {  	[sflag:s26] =	ssyncadd.s32 $0xFFFFE000  }
0x1fb: {  	v4 =	vld [tilespmem:$0x3C0]  }
0x1fc: {  	v5 =	vld [tilespmem:$0x3D0]  }
0x1fd: {  	v60 =	vld [tilespmem:$0x3E0];
	_ =	sdelay $0x1  }
0x1fe: {  	v62 =	vld [tilespmem:$0x3F0]  }
0x1ff: {  	v61 =	vsub.s32 v4, v0;
	[tilespmem:$0x480] =	vst v4  }
0x200: {  	v63 =	vsub.s32 v5, v0;
	[tilespmem:$0x490] =	vst v5;
	vm12 =	vlt.u32 v61, $0x1000  }
0x201: {  	v5 =	vsub.s32 v60, v0;
	[tilespmem:$0x4A0] =	vst v60;
	vm13 =	vlt.u32 v63, $0x1000;
	v4 =	vsel vm12, v61, v1  }
0x202: {  	vm14 =	vlt.u32 v5, $0x1000;
	[tilespmem:$0x580] =	vst v4;
	v4 =	vsel vm13, v63, v1  }
0x203: {  	[tilespmem:$0x590] =	vst v4;
	v4 =	vsel vm14, v5, v1;
	v5 =	vsub.s32 v62, v0  }
0x204: {  	[tilespmem:$0x4B0] =	vst v62;
	vm15 =	vlt.u32 v5, $0x1000  }
0x205: {  	[tilespmem:$0x5A0] =	vst v4;
	v4 =	vsel vm15, v5, v1  }
0x206: {  	[tilespmem:$0x5B0] =	vst v4  }
0x207: {  	[tilespmem:s18], [sflag:$0x2] =	stream.strided.gather [hbm4b:s9+s15], $0x2000, s16, s15, $0x38;
	[tilespmem:$0x1E680] =	vst v63  }
0x208: {  	_ =	swait.ge [sflag:s11], $0x2000  }
0x209: {  	[sflag:s11] =	ssyncset.done $0x0  }
0x20a: {  	[sflag:s11] =	ssyncadd.s32 $0xFFFFE000  }
0x20b: {  	[spmem:s1] =	stream.indirect.scatter.add.f32 [tilespmem:s10], [sflag:$0x3], $0x80, s15, s19, $0xb8;
	[tilespmem:$0x1E680] =	vst v63  }
0x20c: {  	_ = 	snop  }
0x20d: {  	[spmem:s2] =	stream.indirect.scatter.add.f32 [tilespmem:s21], [sflag:$0x5], $0x80, s20, s19, $0xb8;
	[tilespmem:$0x1E680] =	vst v63  }
0x20e: {  	_ =	swait.ge [sflag:s22], $0x2000  }
0x20f: {  	[sflag:s22] =	ssyncset.done $0x0  }
0x210: {  	[sflag:s22] =	ssyncadd.s32 $0xFFFFE000  }
0x211: {  	[spmem:s1] =	stream.indirect.scatter.add.f32 [tilespmem:s18], [sflag:$0x4], $0x80, s23, s19, $0xb8;
	[tilespmem:$0x1E680] =	vst v63  }
0x212: {  	_ = 	snop  }
0x213: {  	[spmem:s2] =	stream.indirect.scatter.add.f32 [tilespmem:s21], [sflag:$0x6], $0x80, s24, s19, $0xb8;
	[tilespmem:$0x1E680] =	vst v63  }
0x214: {  	_ =	swait.ge [sflag:s12], $0x2000  }
0x215: {  	[sflag:s12] =	ssyncset.done $0x0  }
0x216: {  	[sflag:s12] =	ssyncadd.s32 $0xFFFFE000  }
0x217: {  	_ =	swait.ge [sflag:s14], $0x2000  }
0x218: {  	[sflag:s14] =	ssyncset.done $0x0  }
0x219: {  	[sflag:s14] =	ssyncadd.s32 $0xFFFFE000  }
0x21a: {  	_ =	swait.ge [sflag:s25], $0x2000  }
0x21b: {  	[sflag:s25] =	ssyncset.done $0x0  }
0x21c: {  	[sflag:s25] =	ssyncadd.s32 $0xFFFFE000  }
0x21d: {  	_ =	swait.ge [sflag:s26], $0x2000  }
0x21e: {  	[sflag:s26] =	ssyncset.done $0x0  }
0x21f: {  	s30 =	stileid.u32;
	[sflag:s26] =	ssyncadd.s32 $0xFFFFE000  }
0x220: {  	s29 =	sshll.u32 s30, $0x6;
	[bflag:$0x0] =	sbarrier.arrive $0xFFFF  }
0x221: {  	s31 =	sshrl.u32 s6, $0x3;
	s30 =	sor.u32 $0x1C01, s29;
	s0 =	rddreg [dreg:$0x12]  }
0x222: {  	[hbm:s0], [sflag:s30] =	dma.local [spmem:s31], $0x2000  }
0x223: {  	s29 =	sor.u32 $0x1C02, s29;
	s31 =	sshrl.u32 s13, $0x3;
	s0 =	rddreg [dreg:$0x15]  }
0x224: {  	[hbm:s0], [sflag:s29] =	dma.local [spmem:s31], $0x1000  }
0x225: {  	_ =	swait.ge [sflag:s11], $0x2000  }
0x226: {  	[sflag:s11] =	ssyncset.done $0x0  }
0x227: {  	[sflag:s11] =	ssyncadd.s32 $0xFFFFE000  }
0x228: {  	_ =	swait.ge [sflag:s22], $0x1000  }
0x229: {  	s28 =	sadd.s32 $0x1, s28;
	s31 =	rddreg [dreg:$0x16]  }
0x22a: {  	p1 =	sne.s32 s28, s31  }
.Ltmp1:
0x22b: {  	_ = 	snop;
	(pc) =	sbr.rel @p1 .LBB2_1-.Ltmp1, $3  }
0x22c: {  	_ =	sdelay $0x1  }
0x22d: {  	[sflag:s22] =	ssyncset.done $0x0  }
0x22e: {  	[sflag:s22] =	ssyncadd.s32 $0xFFFFF000  }
0x22f: {  	_ =	sfence.sel $0x180000  }
0x230: {  	[bflag:$0x0] =	sbarrier.arrive $0xFFFF  }
0x231: {  	_ =	strace $0x90000047  }
0x232: {  	s0 =	stileid.u32;
	[bflag:$0x2] =	sbarrier.arrive $0xFFFF  }
0x233: {  	p0 =	sne.s32 s0, $0x0;
	s0 =	rddreg [dreg:$0x6]  }
0x234: {  	s0 =	sadd.s32 @!p0 $0x100000, s0  }
0x235: {  	[sflag:s0] =	ssyncadd.tile.s32 @!p0 $0x1;
	_ =	shalt  }
.Lfunc_end2:
_tile_overlayer_lowered:
.L_overlay_start_2:
0x236: {  	(tag) =	ssettag $0x2  }
0x237: {  	s0 =	rddreg [dreg:$0x0];
	s2 =	stileid.u32  }
0x238: {  	s1 =	rddreg [dreg:$0x1];
	p0 =	sne.s32 s2, $0x0  }
0x239: {  	s3 =	rddreg [dreg:$0x2];
	[bflag:$0x3] =	sbarrier.arrive $0xFFFF;
	s2 =	simm.s32 @!p0 $0x1C07  }
0x23a: {  	[timem:s3], [sflag:s2] =	dma.local @!p0 [hbm:s0], s1  }
0x23b: {  	s0 =	simm.s32 @!p0 $0x7  }
0x23c: {  	_ =	swait.ge @!p0 [sflag:s0], s1  }
0x23d: {  	s1 =	ssub.s32 @!p0 $0x0, s1;
	[sflag:s0] =	ssyncset.done @!p0 $0x0  }
0x23e: {  	[sflag:s0] =	ssyncadd.s32 @!p0 s1  }
0x23f: {  	[bflag:$0x3] =	sbarrier.arrive $0xFFFF  }
0x240: {  	_ =	shalt  }

</sc_bundles>
